<compile_context>
chip_gen: v7x
topology: tpu7x:2x2x1
jax: 0.10.2.dev20260603
libtpu: 0.0.44.dev20260713+nightly
codegen_flags: <defaults>
</compile_context>

<pallas_src>
import functools

import jax
import jax.numpy as jnp
from jax import lax
from jax.experimental import pallas as pl
from jax.experimental.pallas import tpu as pltpu
from jax.experimental.pallas import tpu_sc as plsc

RANK = 128
K = 512
_NS = 16
_L = 16
_B = 16
_CH = K // _L


def _sc_topk_body(s_hbm, idx_hbm, b_v, idx_v):
    row = lax.axis_index("s")

    @pl.when(row < _B)
    def _():
        pltpu.sync_copy(s_hbm.at[row], b_v)

        for c in range(_CH):
            sl = pl.ds(c * _L, _L)
            b_v[sl] = b_v[sl] & jnp.int32(0x7FFFFFFF)

        def _count_ge(t):
            cnt = jnp.zeros((_L,), jnp.int32)
            for c in range(_CH):
                bv = b_v[pl.ds(c * _L, _L)]
                cnt = cnt + plsc.all_reduce_population_count(bv >= t)
            return cnt

        def _sbody(i, t):
            cand = t | (jnp.int32(1) << (jnp.int32(30) - i))
            return jnp.where(_count_ge(cand) >= RANK, cand, t)

        T = lax.fori_loop(0, 31, _sbody, jnp.zeros((_L,), jnp.int32))
        need = RANK - _count_ge(T + 1)

        tie_seen = jnp.zeros((_L,), jnp.int32)
        pos_carry = jnp.zeros((_L,), jnp.int32)
        for c in range(_CH):
            bv = b_v[pl.ds(c * _L, _L)]
            gt = bv > T
            eq = bv == T
            eq_i = eq.astype(jnp.int32)
            tie_excl = tie_seen + plsc.cumsum(eq_i) - eq_i
            sel = gt | (eq & (tie_excl < need))
            sel_i = sel.astype(jnp.int32)
            pos = pos_carry + plsc.cumsum(sel_i) - sel_i
            jv = lax.iota(jnp.int32, _L) + c * _L
            plsc.store_scatter(idx_v, [pos], jv, mask=sel)
            tie_seen = tie_seen + plsc.all_reduce_population_count(eq)
            pos_carry = pos_carry + plsc.all_reduce_population_count(sel)
        pltpu.sync_copy(idx_v, idx_hbm.at[row])


def _sc_topk(s_bits):
    mesh = plsc.VectorSubcoreMesh(core_axis_name="c", subcore_axis_name="s",
                                  num_cores=1, num_subcores=_NS)
    return pl.kernel(
        _sc_topk_body,
        out_type=jax.ShapeDtypeStruct((_B, RANK), jnp.int32),
        mesh=mesh,
        compiler_params=pltpu.CompilerParams(needs_layout_passes=False),
        scratch_types=[
            pltpu.VMEM((K,), jnp.int32),
            pltpu.VMEM((RANK,), jnp.int32),
        ],
    )(s_bits)


def _tc_body(idx_ref, u_ref, v_ref, gw_ref, iu_ref, iv_ref, o_ref):
    idx_row = idx_ref[0]
    i0 = lax.broadcasted_iota(jnp.int32, (K, RANK), 0)
    P = jnp.where(i0 == idx_row, 1.0, 0.0).astype(jnp.float32)

    dot = functools.partial(lax.dot_general, preferred_element_type=jnp.float32)
    u = u_ref[0]
    v = v_ref[0]
    gw = gw_ref[0]
    iu = iu_ref[0]
    iv = iv_ref[0]
    ivp = dot(iv, P, (((1,), (0,)), ((), ())))
    u2 = dot(u, ivp, (((1,), (0,)), ((), ())))
    A = dot(u2, gw, (((0,), (0,)), ((), ())))
    iup = dot(P, iu, (((0,), (0,)), ((), ())))
    v2 = dot(iup, v, (((1,), (0,)), ((), ())))
    gs = jnp.sum(A * v2, axis=1, keepdims=True)
    o_ref[0] = dot(P, gs, (((1,), (0,)), ((), ())))


def kernel(u, s, v, grad_weight, I_U, I_V):
    p, q, k = s.shape
    b = p * q
    m, n = u.shape[2], v.shape[3]
    s_bits = lax.bitcast_convert_type(s.reshape(b, k), jnp.int32)
    idx = _sc_topk(s_bits)
    big = lambda x: x.reshape(b, x.shape[2], x.shape[3])
    mat_spec = pl.BlockSpec((1, m, k), lambda i: (i, 0, 0))
    out = pl.pallas_call(
        _tc_body,
        grid=(b,),
        in_specs=[
            pl.BlockSpec((1, 1, RANK), lambda i: (i, 0, 0)),
            mat_spec,
            mat_spec,
            mat_spec,
            mat_spec,
            mat_spec,
        ],
        out_specs=pl.BlockSpec((1, k, 1), lambda i: (i, 0, 0)),
        out_shape=jax.ShapeDtypeStruct((b, k, 1), jnp.float32),
        compiler_params=pltpu.CompilerParams(
            dimension_semantics=("parallel",)),
    )(idx.reshape(b, 1, RANK), big(u), big(v), big(grad_weight), big(I_U),
      big(I_V))
    return out.reshape(p, q, k)

# --- scband reference (transcript-rebuilt; emitter-appended) ---
"""Pipeline reference for scband-singular-value-gradient-sampler-360777253000 (READ-ONLY COPY).

The authoritative reference and input builder live on the scoring server;
editing this copy changes nothing except your own understanding.
"""

import jax, jax.numpy as jnp
import numpy as np

RANK = 128

def setup_inputs(seed: int = 0) -> dict:
    key = jax.random.key(seed)
    ks = jax.random.split(key, 6)
    p, q, m, n, k = 2, 8, 512, 512, 512
    return {
        "u": jax.random.normal(ks[0], (p, q, m, k), dtype=jnp.float32),
        "s": jax.random.normal(ks[1], (p, q, k), dtype=jnp.float32),
        "v": jax.random.normal(ks[2], (p, q, k, n), dtype=jnp.float32),
        "grad_weight": jax.random.normal(ks[3], (p, q, m, n), dtype=jnp.float32),
        "I_U": jax.random.normal(ks[4], (p, q, k, k), dtype=jnp.float32),
        "I_V": jax.random.normal(ks[5], (p, q, k, k), dtype=jnp.float32),
    }


def reference(u, s, v, grad_weight, I_U, I_V):
    # Faithful translation of SingularValueGradientSampler.sample with alg='topk',
    # sign=False, grad_scaling_factor=None.
    p, q, k = s.shape
    rank = RANK
    # topk_mask: boolean mask of the top-`rank` entries of |s| along the last dim.
    _, idx = jax.lax.top_k(jnp.abs(s), rank)  # [p, q, rank]
    # torch masked_select / masked_scatter traverse true positions in ascending
    # index order, so sort the selected indices.
    idx_sorted = jnp.sort(idx, axis=-1)  # [p, q, rank]
    # I_V = I_V.masked_select(mask.unsqueeze(-2)).view(p, q, k, rank)
    # -> select columns of I_V at the masked positions, in ascending order.
    I_V_sel = jnp.take_along_axis(I_V, idx_sorted[:, :, None, :], axis=-1)  # [p,q,k,rank]
    u2 = jnp.matmul(u, I_V_sel)  # [p, q, m, rank]
    # grad_sigma_by_v = u.permute(0,1,3,2) @ grad_weight
    grad_sigma_by_v = jnp.matmul(jnp.transpose(u2, (0, 1, 3, 2)), grad_weight)  # [p,q,rank,n]
    # I_U = I_U[mask].view(p, q, rank, k) -> select rows of I_U at masked positions.
    I_U_sel = jnp.take_along_axis(I_U, idx_sorted[:, :, :, None], axis=2)  # [p,q,rank,k]
    v2 = jnp.matmul(I_U_sel, v)  # [p, q, rank, n]
    grad_sigma = jnp.sum(grad_sigma_by_v * v2, axis=-1)  # [p, q, rank]
    # masked_scatter_ into zeros(p, q, k): place values at true positions in
    # ascending index order -> scatter at idx_sorted.
    bi = jnp.arange(p)[:, None, None]
    bj = jnp.arange(q)[None, :, None]
    out = jnp.zeros((p, q, k), dtype=grad_sigma.dtype).at[bi, bj, idx_sorted].set(grad_sigma)
    return out

if __name__ == "__main__":
    import jax
    _d = setup_inputs()
    print(jax.jit(kernel)(*tuple(_d.values())))

</pallas_src>

<mosaic_0001>
#map = affine_map<(d0, d1) -> (0, 0)>
module attributes {stable_mosaic.version = 14 : i64} {
  func.func @_sc_topk_body(%arg0: i32, %arg1: i32, %arg2: memref<16x512xi32, #tpu.memory_space<hbm>>, %arg3: memref<16x128xi32, #tpu.memory_space<hbm>>, %arg4: memref<512xi32, #tpu.memory_space<vmem>>, %arg5: memref<128xi32, #tpu.memory_space<vmem>>) attributes {dimension_semantics = [#tpu.dimension_semantics<core_parallel>, #tpu.dimension_semantics<subcore_parallel>], iteration_bounds = array<i64: 1, 16>, scalar_prefetch = 0 : i64, scratch_operands = 2 : i64, tpu.core_type = #tpu.core_type<sc_vector_subcore>, window_params = [{transform_indices = #map}, {transform_indices = #map}]} {
    %lt3A = arith.constant 16 : i32
    %lt3A_0 = arith.cmpi slt, %arg1, %lt3A : i32
    %convert_element_type3A = arith.extui %lt3A_0 : i1 to i32
    %cond3A = arith.constant 0 : i32
    %cond3A_1 = arith.cmpi ne, %convert_element_type3A, %cond3A : i32
    scf.if %cond3A_1 {
      "tpu.region"() ({
        %run_scoped3A = tpu.sem_alloc : memref<!tpu.dma_semaphore, #tpu.memory_space<semaphore_mem>>
        %dma_start3A = arith.constant 0 : i32
        %dma_start3A_1256 = tpu.memref_slice %arg2[%arg1, %dma_start3A] : memref<16x512xi32, #tpu.memory_space<hbm>> -> memref<1x512xi32, #tpu.memory_space<hbm>>
        %dma_start3A_1257 = tpu.memref_squeeze %dma_start3A_1256 : memref<1x512xi32, #tpu.memory_space<hbm>> -> memref<512xi32, #tpu.memory_space<hbm>>
        %dma_start3A_1258 = arith.constant 0 : i32
        %dma_start3A_1259 = tpu.memref_slice %arg2[%arg1, %dma_start3A_1258] : memref<16x512xi32, #tpu.memory_space<hbm>> -> memref<1x512xi32, #tpu.memory_space<hbm>>
        %dma_start3A_1260 = tpu.memref_squeeze %dma_start3A_1259 : memref<1x512xi32, #tpu.memory_space<hbm>> -> memref<512xi32, #tpu.memory_space<hbm>>
        tpu.enqueue_dma source(%dma_start3A_1260 : memref<512xi32, #tpu.memory_space<hbm>>) target(%arg4 : memref<512xi32, #tpu.memory_space<vmem>>) target_semaphore(%run_scoped3A : memref<!tpu.dma_semaphore, #tpu.memory_space<semaphore_mem>>)
        %dma_wait3A = arith.constant 0 : i32
        %dma_wait3A_1261 = tpu.memref_slice %arg2[%arg1, %dma_wait3A] : memref<16x512xi32, #tpu.memory_space<hbm>> -> memref<1x512xi32, #tpu.memory_space<hbm>>
        %dma_wait3A_1262 = tpu.memref_squeeze %dma_wait3A_1261 : memref<1x512xi32, #tpu.memory_space<hbm>> -> memref<512xi32, #tpu.memory_space<hbm>>
        %dma_wait3A_1263 = arith.constant 0 : i32
        %dma_wait3A_1264 = tpu.memref_slice %arg2[%arg1, %dma_wait3A_1263] : memref<16x512xi32, #tpu.memory_space<hbm>> -> memref<1x512xi32, #tpu.memory_space<hbm>>
        %dma_wait3A_1265 = tpu.memref_squeeze %dma_wait3A_1264 : memref<1x512xi32, #tpu.memory_space<hbm>> -> memref<512xi32, #tpu.memory_space<hbm>>
        tpu.wait_dma2 semaphore(%run_scoped3A : memref<!tpu.dma_semaphore, #tpu.memory_space<semaphore_mem>>) src(%dma_wait3A_1265 : memref<512xi32, #tpu.memory_space<hbm>>) dst(%arg4 : memref<512xi32, #tpu.memory_space<vmem>>)
        tpu.yield
      }) : () -> ()
      %get3A = arith.constant 0 : index
      %get3A_2 = tpu.vector_load %arg4[%get3A] {strides = array<i32>} : memref<512xi32, #tpu.memory_space<vmem>>, vector<16xi32>,
      %and3A = arith.constant 2147483647 : i32
      %and3A_3 = vector.broadcast %and3A : i32 to vector<16xi32>
      %and3A_4 = arith.andi %get3A_2, %and3A_3 : vector<16xi32>
      %swap3A = arith.constant 0 : index
      %swap3A_5 = tpu.vector_load %arg4[%swap3A] {strides = array<i32>} : memref<512xi32, #tpu.memory_space<vmem>>, vector<16xi32>,
      tpu.vector_store %arg4[%swap3A], %and3A_4 {strides = array<i32>} : memref<512xi32, #tpu.memory_space<vmem>>, vector<16xi32>,
      %get3A_6 = arith.constant 16 : index
      %get3A_7 = tpu.vector_load %arg4[%get3A_6] {strides = array<i32>} : memref<512xi32, #tpu.memory_space<vmem>>, vector<16xi32>,
      %and3A_8 = arith.constant 2147483647 : i32
      %and3A_9 = vector.broadcast %and3A_8 : i32 to vector<16xi32>
      %and3A_10 = arith.andi %get3A_7, %and3A_9 : vector<16xi32>
      %swap3A_11 = arith.constant 16 : index
      %swap3A_12 = tpu.vector_load %arg4[%swap3A_11] {strides = array<i32>} : memref<512xi32, #tpu.memory_space<vmem>>, vector<16xi32>,
      tpu.vector_store %arg4[%swap3A_11], %and3A_10 {strides = array<i32>} : memref<512xi32, #tpu.memory_space<vmem>>, vector<16xi32>,
      %get3A_13 = arith.constant 32 : index
      %get3A_14 = tpu.vector_load %arg4[%get3A_13] {strides = array<i32>} : memref<512xi32, #tpu.memory_space<vmem>>, vector<16xi32>,
      %and3A_15 = arith.constant 2147483647 : i32
      %and3A_16 = vector.broadcast %and3A_15 : i32 to vector<16xi32>
      %and3A_17 = arith.andi %get3A_14, %and3A_16 : vector<16xi32>
      %swap3A_18 = arith.constant 32 : index
      %swap3A_19 = tpu.vector_load %arg4[%swap3A_18] {strides = array<i32>} : memref<512xi32, #tpu.memory_space<vmem>>, vector<16xi32>,
      tpu.vector_store %arg4[%swap3A_18], %and3A_17 {strides = array<i32>} : memref<512xi32, #tpu.memory_space<vmem>>, vector<16xi32>,
      %get3A_20 = arith.constant 48 : index
      %get3A_21 = tpu.vector_load %arg4[%get3A_20] {strides = array<i32>} : memref<512xi32, #tpu.memory_space<vmem>>, vector<16xi32>,
      %and3A_22 = arith.constant 2147483647 : i32
      %and3A_23 = vector.broadcast %and3A_22 : i32 to vector<16xi32>
      %and3A_24 = arith.andi %get3A_21, %and3A_23 : vector<16xi32>
      %swap3A_25 = arith.constant 48 : index
      %swap3A_26 = tpu.vector_load %arg4[%swap3A_25] {strides = array<i32>} : memref<512xi32, #tpu.memory_space<vmem>>, vector<16xi32>,
      tpu.vector_store %arg4[%swap3A_25], %and3A_24 {strides = array<i32>} : memref<512xi32, #tpu.memory_space<vmem>>, vector<16xi32>,
      %get3A_27 = arith.constant 64 : index
      %get3A_28 = tpu.vector_load %arg4[%get3A_27] {strides = array<i32>} : memref<512xi32, #tpu.memory_space<vmem>>, vector<16xi32>,
      %and3A_29 = arith.constant 2147483647 : i32
      %and3A_30 = vector.broadcast %and3A_29 : i32 to vector<16xi32>
      %and3A_31 = arith.andi %get3A_28, %and3A_30 : vector<16xi32>
      %swap3A_32 = arith.constant 64 : index
      %swap3A_33 = tpu.vector_load %arg4[%swap3A_32] {strides = array<i32>} : memref<512xi32, #tpu.memory_space<vmem>>, vector<16xi32>,
      tpu.vector_store %arg4[%swap3A_32], %and3A_31 {strides = array<i32>} : memref<512xi32, #tpu.memory_space<vmem>>, vector<16xi32>,
      %get3A_34 = arith.constant 80 : index
      %get3A_35 = tpu.vector_load %arg4[%get3A_34] {strides = array<i32>} : memref<512xi32, #tpu.memory_space<vmem>>, vector<16xi32>,
      %and3A_36 = arith.constant 2147483647 : i32
      %and3A_37 = vector.broadcast %and3A_36 : i32 to vector<16xi32>
      %and3A_38 = arith.andi %get3A_35, %and3A_37 : vector<16xi32>
      %swap3A_39 = arith.constant 80 : index
      %swap3A_40 = tpu.vector_load %arg4[%swap3A_39] {strides = array<i32>} : memref<512xi32, #tpu.memory_space<vmem>>, vector<16xi32>,
      tpu.vector_store %arg4[%swap3A_39], %and3A_38 {strides = array<i32>} : memref<512xi32, #tpu.memory_space<vmem>>, vector<16xi32>,
      %get3A_41 = arith.constant 96 : index
      %get3A_42 = tpu.vector_load %arg4[%get3A_41] {strides = array<i32>} : memref<512xi32, #tpu.memory_space<vmem>>, vector<16xi32>,
      %and3A_43 = arith.constant 2147483647 : i32
      %and3A_44 = vector.broadcast %and3A_43 : i32 to vector<16xi32>
      %and3A_45 = arith.andi %get3A_42, %and3A_44 : vector<16xi32>
      %swap3A_46 = arith.constant 96 : index
      %swap3A_47 = tpu.vector_load %arg4[%swap3A_46] {strides = array<i32>} : memref<512xi32, #tpu.memory_space<vmem>>, vector<16xi32>,
      tpu.vector_store %arg4[%swap3A_46], %and3A_45 {strides = array<i32>} : memref<512xi32, #tpu.memory_space<vmem>>, vector<16xi32>,
      %get3A_48 = arith.constant 112 : index
      %get3A_49 = tpu.vector_load %arg4[%get3A_48] {strides = array<i32>} : memref<512xi32, #tpu.memory_space<vmem>>, vector<16xi32>,
      %and3A_50 = arith.constant 2147483647 : i32
      %and3A_51 = vector.broadcast %and3A_50 : i32 to vector<16xi32>
      %and3A_52 = arith.andi %get3A_49, %and3A_51 : vector<16xi32>
      %swap3A_53 = arith.constant 112 : index
      %swap3A_54 = tpu.vector_load %arg4[%swap3A_53] {strides = array<i32>} : memref<512xi32, #tpu.memory_space<vmem>>, vector<16xi32>,
      tpu.vector_store %arg4[%swap3A_53], %and3A_52 {strides = array<i32>} : memref<512xi32, #tpu.memory_space<vmem>>, vector<16xi32>,
      %get3A_55 = arith.constant 128 : index
      %get3A_56 = tpu.vector_load %arg4[%get3A_55] {strides = array<i32>} : memref<512xi32, #tpu.memory_space<vmem>>, vector<16xi32>,
      %and3A_57 = arith.constant 2147483647 : i32
      %and3A_58 = vector.broadcast %and3A_57 : i32 to vector<16xi32>
      %and3A_59 = arith.andi %get3A_56, %and3A_58 : vector<16xi32>
      %swap3A_60 = arith.constant 128 : index
      %swap3A_61 = tpu.vector_load %arg4[%swap3A_60] {strides = array<i32>} : memref<512xi32, #tpu.memory_space<vmem>>, vector<16xi32>,
      tpu.vector_store %arg4[%swap3A_60], %and3A_59 {strides = array<i32>} : memref<512xi32, #tpu.memory_space<vmem>>, vector<16xi32>,
      %get3A_62 = arith.constant 144 : index
      %get3A_63 = tpu.vector_load %arg4[%get3A_62] {strides = array<i32>} : memref<512xi32, #tpu.memory_space<vmem>>, vector<16xi32>,
      %and3A_64 = arith.constant 2147483647 : i32
      %and3A_65 = vector.broadcast %and3A_64 : i32 to vector<16xi32>
      %and3A_66 = arith.andi %get3A_63, %and3A_65 : vector<16xi32>
      %swap3A_67 = arith.constant 144 : index
      %swap3A_68 = tpu.vector_load %arg4[%swap3A_67] {strides = array<i32>} : memref<512xi32, #tpu.memory_space<vmem>>, vector<16xi32>,
      tpu.vector_store %arg4[%swap3A_67], %and3A_66 {strides = array<i32>} : memref<512xi32, #tpu.memory_space<vmem>>, vector<16xi32>,
      %get3A_69 = arith.constant 160 : index
      %get3A_70 = tpu.vector_load %arg4[%get3A_69] {strides = array<i32>} : memref<512xi32, #tpu.memory_space<vmem>>, vector<16xi32>,
      %and3A_71 = arith.constant 2147483647 : i32
      %and3A_72 = vector.broadcast %and3A_71 : i32 to vector<16xi32>
      %and3A_73 = arith.andi %get3A_70, %and3A_72 : vector<16xi32>
      %swap3A_74 = arith.constant 160 : index
      %swap3A_75 = tpu.vector_load %arg4[%swap3A_74] {strides = array<i32>} : memref<512xi32, #tpu.memory_space<vmem>>, vector<16xi32>,
      tpu.vector_store %arg4[%swap3A_74], %and3A_73 {strides = array<i32>} : memref<512xi32, #tpu.memory_space<vmem>>, vector<16xi32>,
      %get3A_76 = arith.constant 176 : index
      %get3A_77 = tpu.vector_load %arg4[%get3A_76] {strides = array<i32>} : memref<512xi32, #tpu.memory_space<vmem>>, vector<16xi32>,
      %and3A_78 = arith.constant 2147483647 : i32
      %and3A_79 = vector.broadcast %and3A_78 : i32 to vector<16xi32>
      %and3A_80 = arith.andi %get3A_77, %and3A_79 : vector<16xi32>
      %swap3A_81 = arith.constant 176 : index
      %swap3A_82 = tpu.vector_load %arg4[%swap3A_81] {strides = array<i32>} : memref<512xi32, #tpu.memory_space<vmem>>, vector<16xi32>,
      tpu.vector_store %arg4[%swap3A_81], %and3A_80 {strides = array<i32>} : memref<512xi32, #tpu.memory_space<vmem>>, vector<16xi32>,
      %get3A_83 = arith.constant 192 : index
      %get3A_84 = tpu.vector_load %arg4[%get3A_83] {strides = array<i32>} : memref<512xi32, #tpu.memory_space<vmem>>, vector<16xi32>,
      %and3A_85 = arith.constant 2147483647 : i32
      %and3A_86 = vector.broadcast %and3A_85 : i32 to vector<16xi32>
      %and3A_87 = arith.andi %get3A_84, %and3A_86 : vector<16xi32>
      %swap3A_88 = arith.constant 192 : index
      %swap3A_89 = tpu.vector_load %arg4[%swap3A_88] {strides = array<i32>} : memref<512xi32, #tpu.memory_space<vmem>>, vector<16xi32>,
      tpu.vector_store %arg4[%swap3A_88], %and3A_87 {strides = array<i32>} : memref<512xi32, #tpu.memory_space<vmem>>, vector<16xi32>,
      %get3A_90 = arith.constant 208 : index
      %get3A_91 = tpu.vector_load %arg4[%get3A_90] {strides = array<i32>} : memref<512xi32, #tpu.memory_space<vmem>>, vector<16xi32>,
      %and3A_92 = arith.constant 2147483647 : i32
      %and3A_93 = vector.broadcast %and3A_92 : i32 to vector<16xi32>
      %and3A_94 = arith.andi %get3A_91, %and3A_93 : vector<16xi32>
      %swap3A_95 = arith.constant 208 : index
      %swap3A_96 = tpu.vector_load %arg4[%swap3A_95] {strides = array<i32>} : memref<512xi32, #tpu.memory_space<vmem>>, vector<16xi32>,
      tpu.vector_store %arg4[%swap3A_95], %and3A_94 {strides = array<i32>} : memref<512xi32, #tpu.memory_space<vmem>>, vector<16xi32>,
      %get3A_97 = arith.constant 224 : index
      %get3A_98 = tpu.vector_load %arg4[%get3A_97] {strides = array<i32>} : memref<512xi32, #tpu.memory_space<vmem>>, vector<16xi32>,
      %and3A_99 = arith.constant 2147483647 : i32
      %and3A_100 = vector.broadcast %and3A_99 : i32 to vector<16xi32>
      %and3A_101 = arith.andi %get3A_98, %and3A_100 : vector<16xi32>
      %swap3A_102 = arith.constant 224 : index
      %swap3A_103 = tpu.vector_load %arg4[%swap3A_102] {strides = array<i32>} : memref<512xi32, #tpu.memory_space<vmem>>, vector<16xi32>,
      tpu.vector_store %arg4[%swap3A_102], %and3A_101 {strides = array<i32>} : memref<512xi32, #tpu.memory_space<vmem>>, vector<16xi32>,
      %get3A_104 = arith.constant 240 : index
      %get3A_105 = tpu.vector_load %arg4[%get3A_104] {strides = array<i32>} : memref<512xi32, #tpu.memory_space<vmem>>, vector<16xi32>,
      %and3A_106 = arith.constant 2147483647 : i32
      %and3A_107 = vector.broadcast %and3A_106 : i32 to vector<16xi32>
      %and3A_108 = arith.andi %get3A_105, %and3A_107 : vector<16xi32>
      %swap3A_109 = arith.constant 240 : index
      %swap3A_110 = tpu.vector_load %arg4[%swap3A_109] {strides = array<i32>} : memref<512xi32, #tpu.memory_space<vmem>>, vector<16xi32>,
      tpu.vector_store %arg4[%swap3A_109], %and3A_108 {strides = array<i32>} : memref<512xi32, #tpu.memory_space<vmem>>, vector<16xi32>,
      %get3A_111 = arith.constant 256 : index
      %get3A_112 = tpu.vector_load %arg4[%get3A_111] {strides = array<i32>} : memref<512xi32, #tpu.memory_space<vmem>>, vector<16xi32>,
      %and3A_113 = arith.constant 2147483647 : i32
      %and3A_114 = vector.broadcast %and3A_113 : i32 to vector<16xi32>
      %and3A_115 = arith.andi %get3A_112, %and3A_114 : vector<16xi32>
      %swap3A_116 = arith.constant 256 : index
      %swap3A_117 = tpu.vector_load %arg4[%swap3A_116] {strides = array<i32>} : memref<512xi32, #tpu.memory_space<vmem>>, vector<16xi32>,
      tpu.vector_store %arg4[%swap3A_116], %and3A_115 {strides = array<i32>} : memref<512xi32, #tpu.memory_space<vmem>>, vector<16xi32>,
      %get3A_118 = arith.constant 272 : index
      %get3A_119 = tpu.vector_load %arg4[%get3A_118] {strides = array<i32>} : memref<512xi32, #tpu.memory_space<vmem>>, vector<16xi32>,
      %and3A_120 = arith.constant 2147483647 : i32
      %and3A_121 = vector.broadcast %and3A_120 : i32 to vector<16xi32>
      %and3A_122 = arith.andi %get3A_119, %and3A_121 : vector<16xi32>
      %swap3A_123 = arith.constant 272 : index
      %swap3A_124 = tpu.vector_load %arg4[%swap3A_123] {strides = array<i32>} : memref<512xi32, #tpu.memory_space<vmem>>, vector<16xi32>,
      tpu.vector_store %arg4[%swap3A_123], %and3A_122 {strides = array<i32>} : memref<512xi32, #tpu.memory_space<vmem>>, vector<16xi32>,
      %get3A_125 = arith.constant 288 : index
      %get3A_126 = tpu.vector_load %arg4[%get3A_125] {strides = array<i32>} : memref<512xi32, #tpu.memory_space<vmem>>, vector<16xi32>,
      %and3A_127 = arith.constant 2147483647 : i32
      %and3A_128 = vector.broadcast %and3A_127 : i32 to vector<16xi32>
      %and3A_129 = arith.andi %get3A_126, %and3A_128 : vector<16xi32>
      %swap3A_130 = arith.constant 288 : index
      %swap3A_131 = tpu.vector_load %arg4[%swap3A_130] {strides = array<i32>} : memref<512xi32, #tpu.memory_space<vmem>>, vector<16xi32>,
      tpu.vector_store %arg4[%swap3A_130], %and3A_129 {strides = array<i32>} : memref<512xi32, #tpu.memory_space<vmem>>, vector<16xi32>,
      %get3A_132 = arith.constant 304 : index
      %get3A_133 = tpu.vector_load %arg4[%get3A_132] {strides = array<i32>} : memref<512xi32, #tpu.memory_space<vmem>>, vector<16xi32>,
      %and3A_134 = arith.constant 2147483647 : i32
      %and3A_135 = vector.broadcast %and3A_134 : i32 to vector<16xi32>
      %and3A_136 = arith.andi %get3A_133, %and3A_135 : vector<16xi32>
      %swap3A_137 = arith.constant 304 : index
      %swap3A_138 = tpu.vector_load %arg4[%swap3A_137] {strides = array<i32>} : memref<512xi32, #tpu.memory_space<vmem>>, vector<16xi32>,
      tpu.vector_store %arg4[%swap3A_137], %and3A_136 {strides = array<i32>} : memref<512xi32, #tpu.memory_space<vmem>>, vector<16xi32>,
      %get3A_139 = arith.constant 320 : index
      %get3A_140 = tpu.vector_load %arg4[%get3A_139] {strides = array<i32>} : memref<512xi32, #tpu.memory_space<vmem>>, vector<16xi32>,
      %and3A_141 = arith.constant 2147483647 : i32
      %and3A_142 = vector.broadcast %and3A_141 : i32 to vector<16xi32>
      %and3A_143 = arith.andi %get3A_140, %and3A_142 : vector<16xi32>
      %swap3A_144 = arith.constant 320 : index
      %swap3A_145 = tpu.vector_load %arg4[%swap3A_144] {strides = array<i32>} : memref<512xi32, #tpu.memory_space<vmem>>, vector<16xi32>,
      tpu.vector_store %arg4[%swap3A_144], %and3A_143 {strides = array<i32>} : memref<512xi32, #tpu.memory_space<vmem>>, vector<16xi32>,
      %get3A_146 = arith.constant 336 : index
      %get3A_147 = tpu.vector_load %arg4[%get3A_146] {strides = array<i32>} : memref<512xi32, #tpu.memory_space<vmem>>, vector<16xi32>,
      %and3A_148 = arith.constant 2147483647 : i32
      %and3A_149 = vector.broadcast %and3A_148 : i32 to vector<16xi32>
      %and3A_150 = arith.andi %get3A_147, %and3A_149 : vector<16xi32>
      %swap3A_151 = arith.constant 336 : index
      %swap3A_152 = tpu.vector_load %arg4[%swap3A_151] {strides = array<i32>} : memref<512xi32, #tpu.memory_space<vmem>>, vector<16xi32>,
      tpu.vector_store %arg4[%swap3A_151], %and3A_150 {strides = array<i32>} : memref<512xi32, #tpu.memory_space<vmem>>, vector<16xi32>,
      %get3A_153 = arith.constant 352 : index
      %get3A_154 = tpu.vector_load %arg4[%get3A_153] {strides = array<i32>} : memref<512xi32, #tpu.memory_space<vmem>>, vector<16xi32>,
      %and3A_155 = arith.constant 2147483647 : i32
      %and3A_156 = vector.broadcast %and3A_155 : i32 to vector<16xi32>
      %and3A_157 = arith.andi %get3A_154, %and3A_156 : vector<16xi32>
      %swap3A_158 = arith.constant 352 : index
      %swap3A_159 = tpu.vector_load %arg4[%swap3A_158] {strides = array<i32>} : memref<512xi32, #tpu.memory_space<vmem>>, vector<16xi32>,
      tpu.vector_store %arg4[%swap3A_158], %and3A_157 {strides = array<i32>} : memref<512xi32, #tpu.memory_space<vmem>>, vector<16xi32>,
      %get3A_160 = arith.constant 368 : index
      %get3A_161 = tpu.vector_load %arg4[%get3A_160] {strides = array<i32>} : memref<512xi32, #tpu.memory_space<vmem>>, vector<16xi32>,
      %and3A_162 = arith.constant 2147483647 : i32
      %and3A_163 = vector.broadcast %and3A_162 : i32 to vector<16xi32>
      %and3A_164 = arith.andi %get3A_161, %and3A_163 : vector<16xi32>
      %swap3A_165 = arith.constant 368 : index
      %swap3A_166 = tpu.vector_load %arg4[%swap3A_165] {strides = array<i32>} : memref<512xi32, #tpu.memory_space<vmem>>, vector<16xi32>,
      tpu.vector_store %arg4[%swap3A_165], %and3A_164 {strides = array<i32>} : memref<512xi32, #tpu.memory_space<vmem>>, vector<16xi32>,
      %get3A_167 = arith.constant 384 : index
      %get3A_168 = tpu.vector_load %arg4[%get3A_167] {strides = array<i32>} : memref<512xi32, #tpu.memory_space<vmem>>, vector<16xi32>,
      %and3A_169 = arith.constant 2147483647 : i32
      %and3A_170 = vector.broadcast %and3A_169 : i32 to vector<16xi32>
      %and3A_171 = arith.andi %get3A_168, %and3A_170 : vector<16xi32>
      %swap3A_172 = arith.constant 384 : index
      %swap3A_173 = tpu.vector_load %arg4[%swap3A_172] {strides = array<i32>} : memref<512xi32, #tpu.memory_space<vmem>>, vector<16xi32>,
      tpu.vector_store %arg4[%swap3A_172], %and3A_171 {strides = array<i32>} : memref<512xi32, #tpu.memory_space<vmem>>, vector<16xi32>,
      %get3A_174 = arith.constant 400 : index
      %get3A_175 = tpu.vector_load %arg4[%get3A_174] {strides = array<i32>} : memref<512xi32, #tpu.memory_space<vmem>>, vector<16xi32>,
      %and3A_176 = arith.constant 2147483647 : i32
      %and3A_177 = vector.broadcast %and3A_176 : i32 to vector<16xi32>
      %and3A_178 = arith.andi %get3A_175, %and3A_177 : vector<16xi32>
      %swap3A_179 = arith.constant 400 : index
      %swap3A_180 = tpu.vector_load %arg4[%swap3A_179] {strides = array<i32>} : memref<512xi32, #tpu.memory_space<vmem>>, vector<16xi32>,
      tpu.vector_store %arg4[%swap3A_179], %and3A_178 {strides = array<i32>} : memref<512xi32, #tpu.memory_space<vmem>>, vector<16xi32>,
      %get3A_181 = arith.constant 416 : index
      %get3A_182 = tpu.vector_load %arg4[%get3A_181] {strides = array<i32>} : memref<512xi32, #tpu.memory_space<vmem>>, vector<16xi32>,
      %and3A_183 = arith.constant 2147483647 : i32
      %and3A_184 = vector.broadcast %and3A_183 : i32 to vector<16xi32>
      %and3A_185 = arith.andi %get3A_182, %and3A_184 : vector<16xi32>
      %swap3A_186 = arith.constant 416 : index
      %swap3A_187 = tpu.vector_load %arg4[%swap3A_186] {strides = array<i32>} : memref<512xi32, #tpu.memory_space<vmem>>, vector<16xi32>,
      tpu.vector_store %arg4[%swap3A_186], %and3A_185 {strides = array<i32>} : memref<512xi32, #tpu.memory_space<vmem>>, vector<16xi32>,
      %get3A_188 = arith.constant 432 : index
      %get3A_189 = tpu.vector_load %arg4[%get3A_188] {strides = array<i32>} : memref<512xi32, #tpu.memory_space<vmem>>, vector<16xi32>,
      %and3A_190 = arith.constant 2147483647 : i32
      %and3A_191 = vector.broadcast %and3A_190 : i32 to vector<16xi32>
      %and3A_192 = arith.andi %get3A_189, %and3A_191 : vector<16xi32>
      %swap3A_193 = arith.constant 432 : index
      %swap3A_194 = tpu.vector_load %arg4[%swap3A_193] {strides = array<i32>} : memref<512xi32, #tpu.memory_space<vmem>>, vector<16xi32>,
      tpu.vector_store %arg4[%swap3A_193], %and3A_192 {strides = array<i32>} : memref<512xi32, #tpu.memory_space<vmem>>, vector<16xi32>,
      %get3A_195 = arith.constant 448 : index
      %get3A_196 = tpu.vector_load %arg4[%get3A_195] {strides = array<i32>} : memref<512xi32, #tpu.memory_space<vmem>>, vector<16xi32>,
      %and3A_197 = arith.constant 2147483647 : i32
      %and3A_198 = vector.broadcast %and3A_197 : i32 to vector<16xi32>
      %and3A_199 = arith.andi %get3A_196, %and3A_198 : vector<16xi32>
      %swap3A_200 = arith.constant 448 : index
      %swap3A_201 = tpu.vector_load %arg4[%swap3A_200] {strides = array<i32>} : memref<512xi32, #tpu.memory_space<vmem>>, vector<16xi32>,
      tpu.vector_store %arg4[%swap3A_200], %and3A_199 {strides = array<i32>} : memref<512xi32, #tpu.memory_space<vmem>>, vector<16xi32>,
      %get3A_202 = arith.constant 464 : index
      %get3A_203 = tpu.vector_load %arg4[%get3A_202] {strides = array<i32>} : memref<512xi32, #tpu.memory_space<vmem>>, vector<16xi32>,
      %and3A_204 = arith.constant 2147483647 : i32
      %and3A_205 = vector.broadcast %and3A_204 : i32 to vector<16xi32>
      %and3A_206 = arith.andi %get3A_203, %and3A_205 : vector<16xi32>
      %swap3A_207 = arith.constant 464 : index
      %swap3A_208 = tpu.vector_load %arg4[%swap3A_207] {strides = array<i32>} : memref<512xi32, #tpu.memory_space<vmem>>, vector<16xi32>,
      tpu.vector_store %arg4[%swap3A_207], %and3A_206 {strides = array<i32>} : memref<512xi32, #tpu.memory_space<vmem>>, vector<16xi32>,
      %get3A_209 = arith.constant 480 : index
      %get3A_210 = tpu.vector_load %arg4[%get3A_209] {strides = array<i32>} : memref<512xi32, #tpu.memory_space<vmem>>, vector<16xi32>,
      %and3A_211 = arith.constant 2147483647 : i32
      %and3A_212 = vector.broadcast %and3A_211 : i32 to vector<16xi32>
      %and3A_213 = arith.andi %get3A_210, %and3A_212 : vector<16xi32>
      %swap3A_214 = arith.constant 480 : index
      %swap3A_215 = tpu.vector_load %arg4[%swap3A_214] {strides = array<i32>} : memref<512xi32, #tpu.memory_space<vmem>>, vector<16xi32>,
      tpu.vector_store %arg4[%swap3A_214], %and3A_213 {strides = array<i32>} : memref<512xi32, #tpu.memory_space<vmem>>, vector<16xi32>,
      %get3A_216 = arith.constant 496 : index
      %get3A_217 = tpu.vector_load %arg4[%get3A_216] {strides = array<i32>} : memref<512xi32, #tpu.memory_space<vmem>>, vector<16xi32>,
      %and3A_218 = arith.constant 2147483647 : i32
      %and3A_219 = vector.broadcast %and3A_218 : i32 to vector<16xi32>
      %and3A_220 = arith.andi %get3A_217, %and3A_219 : vector<16xi32>
      %swap3A_221 = arith.constant 496 : index
      %swap3A_222 = tpu.vector_load %arg4[%swap3A_221] {strides = array<i32>} : memref<512xi32, #tpu.memory_space<vmem>>, vector<16xi32>,
      tpu.vector_store %arg4[%swap3A_221], %and3A_220 {strides = array<i32>} : memref<512xi32, #tpu.memory_space<vmem>>, vector<16xi32>,
      %broadcast_in_dim3A = arith.constant 0 : i32
      %broadcast_in_dim3A_223 = vector.broadcast %broadcast_in_dim3A : i32 to vector<16xi32>
      %scan3A = arith.constant 0 : i32
      %scan3A_224 = arith.constant 31 : i32
      %scan3A_225 = arith.addi %scan3A, %scan3A_224 : i32
      %scan3A_226 = arith.constant 1 : i32
      %scan3A_227 = scf.for %scan3A_1256 = %scan3A to %scan3A_225 step %scan3A_226 iter_args(%scan3A_1257 = %broadcast_in_dim3A_223) -> (vector<16xi32>)  : i32 {
        %sub3A_1258 = arith.constant 30 : i32
        %sub3A_1259 = arith.subi %sub3A_1258, %scan3A_1256 : i32
        %shift_left3A = arith.constant 1 : i32
        %shift_left3A_1260 = arith.shli %shift_left3A, %sub3A_1259 : i32
        %or3A_1261 = vector.broadcast %shift_left3A_1260 : i32 to vector<16xi32>
        %or3A_1262 = arith.ori %scan3A_1257, %or3A_1261 : vector<16xi32>
        %broadcast_in_dim3A_1263 = arith.constant 0 : i32
        %broadcast_in_dim3A_1264 = vector.broadcast %broadcast_in_dim3A_1263 : i32 to vector<16xi32>
        %get3A_1265 = arith.constant 0 : index
        %get3A_1266 = tpu.vector_load %arg4[%get3A_1265] {strides = array<i32>} : memref<512xi32, #tpu.memory_space<vmem>>, vector<16xi32>,
        %ge3A_1267 = arith.cmpi sge, %get3A_1266, %or3A_1262 : vector<16xi32>
        %all_reduce_population_count3A_1268 = tpu.all_reduce %ge3A_1267 {dim = 0 : i64, kind = #tpu.reduction_kind<sum>} : vector<16xi1> -> vector<16xi32>
        %add3A_1269 = arith.addi %broadcast_in_dim3A_1264, %all_reduce_population_count3A_1268 : vector<16xi32>
        %get3A_1270 = arith.constant 16 : index
        %get3A_1271 = tpu.vector_load %arg4[%get3A_1270] {strides = array<i32>} : memref<512xi32, #tpu.memory_space<vmem>>, vector<16xi32>,
        %ge3A_1272 = arith.cmpi sge, %get3A_1271, %or3A_1262 : vector<16xi32>
        %all_reduce_population_count3A_1273 = tpu.all_reduce %ge3A_1272 {dim = 0 : i64, kind = #tpu.reduction_kind<sum>} : vector<16xi1> -> vector<16xi32>
        %add3A_1274 = arith.addi %add3A_1269, %all_reduce_population_count3A_1273 : vector<16xi32>
        %get3A_1275 = arith.constant 32 : index
        %get3A_1276 = tpu.vector_load %arg4[%get3A_1275] {strides = array<i32>} : memref<512xi32, #tpu.memory_space<vmem>>, vector<16xi32>,
        %ge3A_1277 = arith.cmpi sge, %get3A_1276, %or3A_1262 : vector<16xi32>
        %all_reduce_population_count3A_1278 = tpu.all_reduce %ge3A_1277 {dim = 0 : i64, kind = #tpu.reduction_kind<sum>} : vector<16xi1> -> vector<16xi32>
        %add3A_1279 = arith.addi %add3A_1274, %all_reduce_population_count3A_1278 : vector<16xi32>
        %get3A_1280 = arith.constant 48 : index
        %get3A_1281 = tpu.vector_load %arg4[%get3A_1280] {strides = array<i32>} : memref<512xi32, #tpu.memory_space<vmem>>, vector<16xi32>,
        %ge3A_1282 = arith.cmpi sge, %get3A_1281, %or3A_1262 : vector<16xi32>
        %all_reduce_population_count3A_1283 = tpu.all_reduce %ge3A_1282 {dim = 0 : i64, kind = #tpu.reduction_kind<sum>} : vector<16xi1> -> vector<16xi32>
        %add3A_1284 = arith.addi %add3A_1279, %all_reduce_population_count3A_1283 : vector<16xi32>
        %get3A_1285 = arith.constant 64 : index
        %get3A_1286 = tpu.vector_load %arg4[%get3A_1285] {strides = array<i32>} : memref<512xi32, #tpu.memory_space<vmem>>, vector<16xi32>,
        %ge3A_1287 = arith.cmpi sge, %get3A_1286, %or3A_1262 : vector<16xi32>
        %all_reduce_population_count3A_1288 = tpu.all_reduce %ge3A_1287 {dim = 0 : i64, kind = #tpu.reduction_kind<sum>} : vector<16xi1> -> vector<16xi32>
        %add3A_1289 = arith.addi %add3A_1284, %all_reduce_population_count3A_1288 : vector<16xi32>
        %get3A_1290 = arith.constant 80 : index
        %get3A_1291 = tpu.vector_load %arg4[%get3A_1290] {strides = array<i32>} : memref<512xi32, #tpu.memory_space<vmem>>, vector<16xi32>,
        %ge3A_1292 = arith.cmpi sge, %get3A_1291, %or3A_1262 : vector<16xi32>
        %all_reduce_population_count3A_1293 = tpu.all_reduce %ge3A_1292 {dim = 0 : i64, kind = #tpu.reduction_kind<sum>} : vector<16xi1> -> vector<16xi32>
        %add3A_1294 = arith.addi %add3A_1289, %all_reduce_population_count3A_1293 : vector<16xi32>
        %get3A_1295 = arith.constant 96 : index
        %get3A_1296 = tpu.vector_load %arg4[%get3A_1295] {strides = array<i32>} : memref<512xi32, #tpu.memory_space<vmem>>, vector<16xi32>,
        %ge3A_1297 = arith.cmpi sge, %get3A_1296, %or3A_1262 : vector<16xi32>
        %all_reduce_population_count3A_1298 = tpu.all_reduce %ge3A_1297 {dim = 0 : i64, kind = #tpu.reduction_kind<sum>} : vector<16xi1> -> vector<16xi32>
        %add3A_1299 = arith.addi %add3A_1294, %all_reduce_population_count3A_1298 : vector<16xi32>
        %get3A_1300 = arith.constant 112 : index
        %get3A_1301 = tpu.vector_load %arg4[%get3A_1300] {strides = array<i32>} : memref<512xi32, #tpu.memory_space<vmem>>, vector<16xi32>,
        %ge3A_1302 = arith.cmpi sge, %get3A_1301, %or3A_1262 : vector<16xi32>
        %all_reduce_population_count3A_1303 = tpu.all_reduce %ge3A_1302 {dim = 0 : i64, kind = #tpu.reduction_kind<sum>} : vector<16xi1> -> vector<16xi32>
        %add3A_1304 = arith.addi %add3A_1299, %all_reduce_population_count3A_1303 : vector<16xi32>
        %get3A_1305 = arith.constant 128 : index
        %get3A_1306 = tpu.vector_load %arg4[%get3A_1305] {strides = array<i32>} : memref<512xi32, #tpu.memory_space<vmem>>, vector<16xi32>,
        %ge3A_1307 = arith.cmpi sge, %get3A_1306, %or3A_1262 : vector<16xi32>
        %all_reduce_population_count3A_1308 = tpu.all_reduce %ge3A_1307 {dim = 0 : i64, kind = #tpu.reduction_kind<sum>} : vector<16xi1> -> vector<16xi32>
        %add3A_1309 = arith.addi %add3A_1304, %all_reduce_population_count3A_1308 : vector<16xi32>
        %get3A_1310 = arith.constant 144 : index
        %get3A_1311 = tpu.vector_load %arg4[%get3A_1310] {strides = array<i32>} : memref<512xi32, #tpu.memory_space<vmem>>, vector<16xi32>,
        %ge3A_1312 = arith.cmpi sge, %get3A_1311, %or3A_1262 : vector<16xi32>
        %all_reduce_population_count3A_1313 = tpu.all_reduce %ge3A_1312 {dim = 0 : i64, kind = #tpu.reduction_kind<sum>} : vector<16xi1> -> vector<16xi32>
        %add3A_1314 = arith.addi %add3A_1309, %all_reduce_population_count3A_1313 : vector<16xi32>
        %get3A_1315 = arith.constant 160 : index
        %get3A_1316 = tpu.vector_load %arg4[%get3A_1315] {strides = array<i32>} : memref<512xi32, #tpu.memory_space<vmem>>, vector<16xi32>,
        %ge3A_1317 = arith.cmpi sge, %get3A_1316, %or3A_1262 : vector<16xi32>
        %all_reduce_population_count3A_1318 = tpu.all_reduce %ge3A_1317 {dim = 0 : i64, kind = #tpu.reduction_kind<sum>} : vector<16xi1> -> vector<16xi32>
        %add3A_1319 = arith.addi %add3A_1314, %all_reduce_population_count3A_1318 : vector<16xi32>
        %get3A_1320 = arith.constant 176 : index
        %get3A_1321 = tpu.vector_load %arg4[%get3A_1320] {strides = array<i32>} : memref<512xi32, #tpu.memory_space<vmem>>, vector<16xi32>,
        %ge3A_1322 = arith.cmpi sge, %get3A_1321, %or3A_1262 : vector<16xi32>
        %all_reduce_population_count3A_1323 = tpu.all_reduce %ge3A_1322 {dim = 0 : i64, kind = #tpu.reduction_kind<sum>} : vector<16xi1> -> vector<16xi32>
        %add3A_1324 = arith.addi %add3A_1319, %all_reduce_population_count3A_1323 : vector<16xi32>
        %get3A_1325 = arith.constant 192 : index
        %get3A_1326 = tpu.vector_load %arg4[%get3A_1325] {strides = array<i32>} : memref<512xi32, #tpu.memory_space<vmem>>, vector<16xi32>,
        %ge3A_1327 = arith.cmpi sge, %get3A_1326, %or3A_1262 : vector<16xi32>
        %all_reduce_population_count3A_1328 = tpu.all_reduce %ge3A_1327 {dim = 0 : i64, kind = #tpu.reduction_kind<sum>} : vector<16xi1> -> vector<16xi32>
        %add3A_1329 = arith.addi %add3A_1324, %all_reduce_population_count3A_1328 : vector<16xi32>
        %get3A_1330 = arith.constant 208 : index
        %get3A_1331 = tpu.vector_load %arg4[%get3A_1330] {strides = array<i32>} : memref<512xi32, #tpu.memory_space<vmem>>, vector<16xi32>,
        %ge3A_1332 = arith.cmpi sge, %get3A_1331, %or3A_1262 : vector<16xi32>
        %all_reduce_population_count3A_1333 = tpu.all_reduce %ge3A_1332 {dim = 0 : i64, kind = #tpu.reduction_kind<sum>} : vector<16xi1> -> vector<16xi32>
        %add3A_1334 = arith.addi %add3A_1329, %all_reduce_population_count3A_1333 : vector<16xi32>
        %get3A_1335 = arith.constant 224 : index
        %get3A_1336 = tpu.vector_load %arg4[%get3A_1335] {strides = array<i32>} : memref<512xi32, #tpu.memory_space<vmem>>, vector<16xi32>,
        %ge3A_1337 = arith.cmpi sge, %get3A_1336, %or3A_1262 : vector<16xi32>
        %all_reduce_population_count3A_1338 = tpu.all_reduce %ge3A_1337 {dim = 0 : i64, kind = #tpu.reduction_kind<sum>} : vector<16xi1> -> vector<16xi32>
        %add3A_1339 = arith.addi %add3A_1334, %all_reduce_population_count3A_1338 : vector<16xi32>
        %get3A_1340 = arith.constant 240 : index
        %get3A_1341 = tpu.vector_load %arg4[%get3A_1340] {strides = array<i32>} : memref<512xi32, #tpu.memory_space<vmem>>, vector<16xi32>,
        %ge3A_1342 = arith.cmpi sge, %get3A_1341, %or3A_1262 : vector<16xi32>
        %all_reduce_population_count3A_1343 = tpu.all_reduce %ge3A_1342 {dim = 0 : i64, kind = #tpu.reduction_kind<sum>} : vector<16xi1> -> vector<16xi32>
        %add3A_1344 = arith.addi %add3A_1339, %all_reduce_population_count3A_1343 : vector<16xi32>
        %get3A_1345 = arith.constant 256 : index
        %get3A_1346 = tpu.vector_load %arg4[%get3A_1345] {strides = array<i32>} : memref<512xi32, #tpu.memory_space<vmem>>, vector<16xi32>,
        %ge3A_1347 = arith.cmpi sge, %get3A_1346, %or3A_1262 : vector<16xi32>
        %all_reduce_population_count3A_1348 = tpu.all_reduce %ge3A_1347 {dim = 0 : i64, kind = #tpu.reduction_kind<sum>} : vector<16xi1> -> vector<16xi32>
        %add3A_1349 = arith.addi %add3A_1344, %all_reduce_population_count3A_1348 : vector<16xi32>
        %get3A_1350 = arith.constant 272 : index
        %get3A_1351 = tpu.vector_load %arg4[%get3A_1350] {strides = array<i32>} : memref<512xi32, #tpu.memory_space<vmem>>, vector<16xi32>,
        %ge3A_1352 = arith.cmpi sge, %get3A_1351, %or3A_1262 : vector<16xi32>
        %all_reduce_population_count3A_1353 = tpu.all_reduce %ge3A_1352 {dim = 0 : i64, kind = #tpu.reduction_kind<sum>} : vector<16xi1> -> vector<16xi32>
        %add3A_1354 = arith.addi %add3A_1349, %all_reduce_population_count3A_1353 : vector<16xi32>
        %get3A_1355 = arith.constant 288 : index
        %get3A_1356 = tpu.vector_load %arg4[%get3A_1355] {strides = array<i32>} : memref<512xi32, #tpu.memory_space<vmem>>, vector<16xi32>,
        %ge3A_1357 = arith.cmpi sge, %get3A_1356, %or3A_1262 : vector<16xi32>
        %all_reduce_population_count3A_1358 = tpu.all_reduce %ge3A_1357 {dim = 0 : i64, kind = #tpu.reduction_kind<sum>} : vector<16xi1> -> vector<16xi32>
        %add3A_1359 = arith.addi %add3A_1354, %all_reduce_population_count3A_1358 : vector<16xi32>
        %get3A_1360 = arith.constant 304 : index
        %get3A_1361 = tpu.vector_load %arg4[%get3A_1360] {strides = array<i32>} : memref<512xi32, #tpu.memory_space<vmem>>, vector<16xi32>,
        %ge3A_1362 = arith.cmpi sge, %get3A_1361, %or3A_1262 : vector<16xi32>
        %all_reduce_population_count3A_1363 = tpu.all_reduce %ge3A_1362 {dim = 0 : i64, kind = #tpu.reduction_kind<sum>} : vector<16xi1> -> vector<16xi32>
        %add3A_1364 = arith.addi %add3A_1359, %all_reduce_population_count3A_1363 : vector<16xi32>
        %get3A_1365 = arith.constant 320 : index
        %get3A_1366 = tpu.vector_load %arg4[%get3A_1365] {strides = array<i32>} : memref<512xi32, #tpu.memory_space<vmem>>, vector<16xi32>,
        %ge3A_1367 = arith.cmpi sge, %get3A_1366, %or3A_1262 : vector<16xi32>
        %all_reduce_population_count3A_1368 = tpu.all_reduce %ge3A_1367 {dim = 0 : i64, kind = #tpu.reduction_kind<sum>} : vector<16xi1> -> vector<16xi32>
        %add3A_1369 = arith.addi %add3A_1364, %all_reduce_population_count3A_1368 : vector<16xi32>
        %get3A_1370 = arith.constant 336 : index
        %get3A_1371 = tpu.vector_load %arg4[%get3A_1370] {strides = array<i32>} : memref<512xi32, #tpu.memory_space<vmem>>, vector<16xi32>,
        %ge3A_1372 = arith.cmpi sge, %get3A_1371, %or3A_1262 : vector<16xi32>
        %all_reduce_population_count3A_1373 = tpu.all_reduce %ge3A_1372 {dim = 0 : i64, kind = #tpu.reduction_kind<sum>} : vector<16xi1> -> vector<16xi32>
        %add3A_1374 = arith.addi %add3A_1369, %all_reduce_population_count3A_1373 : vector<16xi32>
        %get3A_1375 = arith.constant 352 : index
        %get3A_1376 = tpu.vector_load %arg4[%get3A_1375] {strides = array<i32>} : memref<512xi32, #tpu.memory_space<vmem>>, vector<16xi32>,
        %ge3A_1377 = arith.cmpi sge, %get3A_1376, %or3A_1262 : vector<16xi32>
        %all_reduce_population_count3A_1378 = tpu.all_reduce %ge3A_1377 {dim = 0 : i64, kind = #tpu.reduction_kind<sum>} : vector<16xi1> -> vector<16xi32>
        %add3A_1379 = arith.addi %add3A_1374, %all_reduce_population_count3A_1378 : vector<16xi32>
        %get3A_1380 = arith.constant 368 : index
        %get3A_1381 = tpu.vector_load %arg4[%get3A_1380] {strides = array<i32>} : memref<512xi32, #tpu.memory_space<vmem>>, vector<16xi32>,
        %ge3A_1382 = arith.cmpi sge, %get3A_1381, %or3A_1262 : vector<16xi32>
        %all_reduce_population_count3A_1383 = tpu.all_reduce %ge3A_1382 {dim = 0 : i64, kind = #tpu.reduction_kind<sum>} : vector<16xi1> -> vector<16xi32>
        %add3A_1384 = arith.addi %add3A_1379, %all_reduce_population_count3A_1383 : vector<16xi32>
        %get3A_1385 = arith.constant 384 : index
        %get3A_1386 = tpu.vector_load %arg4[%get3A_1385] {strides = array<i32>} : memref<512xi32, #tpu.memory_space<vmem>>, vector<16xi32>,
        %ge3A_1387 = arith.cmpi sge, %get3A_1386, %or3A_1262 : vector<16xi32>
        %all_reduce_population_count3A_1388 = tpu.all_reduce %ge3A_1387 {dim = 0 : i64, kind = #tpu.reduction_kind<sum>} : vector<16xi1> -> vector<16xi32>
        %add3A_1389 = arith.addi %add3A_1384, %all_reduce_population_count3A_1388 : vector<16xi32>
        %get3A_1390 = arith.constant 400 : index
        %get3A_1391 = tpu.vector_load %arg4[%get3A_1390] {strides = array<i32>} : memref<512xi32, #tpu.memory_space<vmem>>, vector<16xi32>,
        %ge3A_1392 = arith.cmpi sge, %get3A_1391, %or3A_1262 : vector<16xi32>
        %all_reduce_population_count3A_1393 = tpu.all_reduce %ge3A_1392 {dim = 0 : i64, kind = #tpu.reduction_kind<sum>} : vector<16xi1> -> vector<16xi32>
        %add3A_1394 = arith.addi %add3A_1389, %all_reduce_population_count3A_1393 : vector<16xi32>
        %get3A_1395 = arith.constant 416 : index
        %get3A_1396 = tpu.vector_load %arg4[%get3A_1395] {strides = array<i32>} : memref<512xi32, #tpu.memory_space<vmem>>, vector<16xi32>,
        %ge3A_1397 = arith.cmpi sge, %get3A_1396, %or3A_1262 : vector<16xi32>
        %all_reduce_population_count3A_1398 = tpu.all_reduce %ge3A_1397 {dim = 0 : i64, kind = #tpu.reduction_kind<sum>} : vector<16xi1> -> vector<16xi32>
        %add3A_1399 = arith.addi %add3A_1394, %all_reduce_population_count3A_1398 : vector<16xi32>
        %get3A_1400 = arith.constant 432 : index
        %get3A_1401 = tpu.vector_load %arg4[%get3A_1400] {strides = array<i32>} : memref<512xi32, #tpu.memory_space<vmem>>, vector<16xi32>,
        %ge3A_1402 = arith.cmpi sge, %get3A_1401, %or3A_1262 : vector<16xi32>
        %all_reduce_population_count3A_1403 = tpu.all_reduce %ge3A_1402 {dim = 0 : i64, kind = #tpu.reduction_kind<sum>} : vector<16xi1> -> vector<16xi32>
        %add3A_1404 = arith.addi %add3A_1399, %all_reduce_population_count3A_1403 : vector<16xi32>
        %get3A_1405 = arith.constant 448 : index
        %get3A_1406 = tpu.vector_load %arg4[%get3A_1405] {strides = array<i32>} : memref<512xi32, #tpu.memory_space<vmem>>, vector<16xi32>,
        %ge3A_1407 = arith.cmpi sge, %get3A_1406, %or3A_1262 : vector<16xi32>
        %all_reduce_population_count3A_1408 = tpu.all_reduce %ge3A_1407 {dim = 0 : i64, kind = #tpu.reduction_kind<sum>} : vector<16xi1> -> vector<16xi32>
        %add3A_1409 = arith.addi %add3A_1404, %all_reduce_population_count3A_1408 : vector<16xi32>
        %get3A_1410 = arith.constant 464 : index
        %get3A_1411 = tpu.vector_load %arg4[%get3A_1410] {strides = array<i32>} : memref<512xi32, #tpu.memory_space<vmem>>, vector<16xi32>,
        %ge3A_1412 = arith.cmpi sge, %get3A_1411, %or3A_1262 : vector<16xi32>
        %all_reduce_population_count3A_1413 = tpu.all_reduce %ge3A_1412 {dim = 0 : i64, kind = #tpu.reduction_kind<sum>} : vector<16xi1> -> vector<16xi32>
        %add3A_1414 = arith.addi %add3A_1409, %all_reduce_population_count3A_1413 : vector<16xi32>
        %get3A_1415 = arith.constant 480 : index
        %get3A_1416 = tpu.vector_load %arg4[%get3A_1415] {strides = array<i32>} : memref<512xi32, #tpu.memory_space<vmem>>, vector<16xi32>,
        %ge3A_1417 = arith.cmpi sge, %get3A_1416, %or3A_1262 : vector<16xi32>
        %all_reduce_population_count3A_1418 = tpu.all_reduce %ge3A_1417 {dim = 0 : i64, kind = #tpu.reduction_kind<sum>} : vector<16xi1> -> vector<16xi32>
        %add3A_1419 = arith.addi %add3A_1414, %all_reduce_population_count3A_1418 : vector<16xi32>
        %get3A_1420 = arith.constant 496 : index
        %get3A_1421 = tpu.vector_load %arg4[%get3A_1420] {strides = array<i32>} : memref<512xi32, #tpu.memory_space<vmem>>, vector<16xi32>,
        %ge3A_1422 = arith.cmpi sge, %get3A_1421, %or3A_1262 : vector<16xi32>
        %all_reduce_population_count3A_1423 = tpu.all_reduce %ge3A_1422 {dim = 0 : i64, kind = #tpu.reduction_kind<sum>} : vector<16xi1> -> vector<16xi32>
        %add3A_1424 = arith.addi %add3A_1419, %all_reduce_population_count3A_1423 : vector<16xi32>
        %ge3A_1425 = arith.constant 128 : i32
        %ge3A_1426 = vector.broadcast %ge3A_1425 : i32 to vector<16xi32>
        %ge3A_1427 = arith.cmpi sge, %add3A_1424, %ge3A_1426 : vector<16xi32>
        %select_n3A = arith.select %ge3A_1427, %or3A_1262, %scan3A_1257 : vector<16xi1>, vector<16xi32>
        scf.yield %select_n3A : vector<16xi32>
      }
      %scan3A_228 = arith.constant 31 : i32
      %add3A = arith.constant 1 : i32
      %add3A_229 = vector.broadcast %add3A : i32 to vector<16xi32>
      %add3A_230 = arith.addi %scan3A_227, %add3A_229 : vector<16xi32>
      %broadcast_in_dim3A_231 = arith.constant 0 : i32
      %broadcast_in_dim3A_232 = vector.broadcast %broadcast_in_dim3A_231 : i32 to vector<16xi32>
      %get3A_233 = arith.constant 0 : index
      %get3A_234 = tpu.vector_load %arg4[%get3A_233] {strides = array<i32>} : memref<512xi32, #tpu.memory_space<vmem>>, vector<16xi32>,
      %ge3A = arith.cmpi sge, %get3A_234, %add3A_230 : vector<16xi32>
      %all_reduce_population_count3A = tpu.all_reduce %ge3A {dim = 0 : i64, kind = #tpu.reduction_kind<sum>} : vector<16xi1> -> vector<16xi32>
      %add3A_235 = arith.addi %broadcast_in_dim3A_232, %all_reduce_population_count3A : vector<16xi32>
      %get3A_236 = arith.constant 16 : index
      %get3A_237 = tpu.vector_load %arg4[%get3A_236] {strides = array<i32>} : memref<512xi32, #tpu.memory_space<vmem>>, vector<16xi32>,
      %ge3A_238 = arith.cmpi sge, %get3A_237, %add3A_230 : vector<16xi32>
      %all_reduce_population_count3A_239 = tpu.all_reduce %ge3A_238 {dim = 0 : i64, kind = #tpu.reduction_kind<sum>} : vector<16xi1> -> vector<16xi32>
      %add3A_240 = arith.addi %add3A_235, %all_reduce_population_count3A_239 : vector<16xi32>
      %get3A_241 = arith.constant 32 : index
      %get3A_242 = tpu.vector_load %arg4[%get3A_241] {strides = array<i32>} : memref<512xi32, #tpu.memory_space<vmem>>, vector<16xi32>,
      %ge3A_243 = arith.cmpi sge, %get3A_242, %add3A_230 : vector<16xi32>
      %all_reduce_population_count3A_244 = tpu.all_reduce %ge3A_243 {dim = 0 : i64, kind = #tpu.reduction_kind<sum>} : vector<16xi1> -> vector<16xi32>
      %add3A_245 = arith.addi %add3A_240, %all_reduce_population_count3A_244 : vector<16xi32>
      %get3A_246 = arith.constant 48 : index
      %get3A_247 = tpu.vector_load %arg4[%get3A_246] {strides = array<i32>} : memref<512xi32, #tpu.memory_space<vmem>>, vector<16xi32>,
      %ge3A_248 = arith.cmpi sge, %get3A_247, %add3A_230 : vector<16xi32>
      %all_reduce_population_count3A_249 = tpu.all_reduce %ge3A_248 {dim = 0 : i64, kind = #tpu.reduction_kind<sum>} : vector<16xi1> -> vector<16xi32>
      %add3A_250 = arith.addi %add3A_245, %all_reduce_population_count3A_249 : vector<16xi32>
      %get3A_251 = arith.constant 64 : index
      %get3A_252 = tpu.vector_load %arg4[%get3A_251] {strides = array<i32>} : memref<512xi32, #tpu.memory_space<vmem>>, vector<16xi32>,
      %ge3A_253 = arith.cmpi sge, %get3A_252, %add3A_230 : vector<16xi32>
      %all_reduce_population_count3A_254 = tpu.all_reduce %ge3A_253 {dim = 0 : i64, kind = #tpu.reduction_kind<sum>} : vector<16xi1> -> vector<16xi32>
      %add3A_255 = arith.addi %add3A_250, %all_reduce_population_count3A_254 : vector<16xi32>
      %get3A_256 = arith.constant 80 : index
      %get3A_257 = tpu.vector_load %arg4[%get3A_256] {strides = array<i32>} : memref<512xi32, #tpu.memory_space<vmem>>, vector<16xi32>,
      %ge3A_258 = arith.cmpi sge, %get3A_257, %add3A_230 : vector<16xi32>
      %all_reduce_population_count3A_259 = tpu.all_reduce %ge3A_258 {dim = 0 : i64, kind = #tpu.reduction_kind<sum>} : vector<16xi1> -> vector<16xi32>
      %add3A_260 = arith.addi %add3A_255, %all_reduce_population_count3A_259 : vector<16xi32>
      %get3A_261 = arith.constant 96 : index
      %get3A_262 = tpu.vector_load %arg4[%get3A_261] {strides = array<i32>} : memref<512xi32, #tpu.memory_space<vmem>>, vector<16xi32>,
      %ge3A_263 = arith.cmpi sge, %get3A_262, %add3A_230 : vector<16xi32>
      %all_reduce_population_count3A_264 = tpu.all_reduce %ge3A_263 {dim = 0 : i64, kind = #tpu.reduction_kind<sum>} : vector<16xi1> -> vector<16xi32>
      %add3A_265 = arith.addi %add3A_260, %all_reduce_population_count3A_264 : vector<16xi32>
      %get3A_266 = arith.constant 112 : index
      %get3A_267 = tpu.vector_load %arg4[%get3A_266] {strides = array<i32>} : memref<512xi32, #tpu.memory_space<vmem>>, vector<16xi32>,
      %ge3A_268 = arith.cmpi sge, %get3A_267, %add3A_230 : vector<16xi32>
      %all_reduce_population_count3A_269 = tpu.all_reduce %ge3A_268 {dim = 0 : i64, kind = #tpu.reduction_kind<sum>} : vector<16xi1> -> vector<16xi32>
      %add3A_270 = arith.addi %add3A_265, %all_reduce_population_count3A_269 : vector<16xi32>
      %get3A_271 = arith.constant 128 : index
      %get3A_272 = tpu.vector_load %arg4[%get3A_271] {strides = array<i32>} : memref<512xi32, #tpu.memory_space<vmem>>, vector<16xi32>,
      %ge3A_273 = arith.cmpi sge, %get3A_272, %add3A_230 : vector<16xi32>
      %all_reduce_population_count3A_274 = tpu.all_reduce %ge3A_273 {dim = 0 : i64, kind = #tpu.reduction_kind<sum>} : vector<16xi1> -> vector<16xi32>
      %add3A_275 = arith.addi %add3A_270, %all_reduce_population_count3A_274 : vector<16xi32>
      %get3A_276 = arith.constant 144 : index
      %get3A_277 = tpu.vector_load %arg4[%get3A_276] {strides = array<i32>} : memref<512xi32, #tpu.memory_space<vmem>>, vector<16xi32>,
      %ge3A_278 = arith.cmpi sge, %get3A_277, %add3A_230 : vector<16xi32>
      %all_reduce_population_count3A_279 = tpu.all_reduce %ge3A_278 {dim = 0 : i64, kind = #tpu.reduction_kind<sum>} : vector<16xi1> -> vector<16xi32>
      %add3A_280 = arith.addi %add3A_275, %all_reduce_population_count3A_279 : vector<16xi32>
      %get3A_281 = arith.constant 160 : index
      %get3A_282 = tpu.vector_load %arg4[%get3A_281] {strides = array<i32>} : memref<512xi32, #tpu.memory_space<vmem>>, vector<16xi32>,
      %ge3A_283 = arith.cmpi sge, %get3A_282, %add3A_230 : vector<16xi32>
      %all_reduce_population_count3A_284 = tpu.all_reduce %ge3A_283 {dim = 0 : i64, kind = #tpu.reduction_kind<sum>} : vector<16xi1> -> vector<16xi32>
      %add3A_285 = arith.addi %add3A_280, %all_reduce_population_count3A_284 : vector<16xi32>
      %get3A_286 = arith.constant 176 : index
      %get3A_287 = tpu.vector_load %arg4[%get3A_286] {strides = array<i32>} : memref<512xi32, #tpu.memory_space<vmem>>, vector<16xi32>,
      %ge3A_288 = arith.cmpi sge, %get3A_287, %add3A_230 : vector<16xi32>
      %all_reduce_population_count3A_289 = tpu.all_reduce %ge3A_288 {dim = 0 : i64, kind = #tpu.reduction_kind<sum>} : vector<16xi1> -> vector<16xi32>
      %add3A_290 = arith.addi %add3A_285, %all_reduce_population_count3A_289 : vector<16xi32>
      %get3A_291 = arith.constant 192 : index
      %get3A_292 = tpu.vector_load %arg4[%get3A_291] {strides = array<i32>} : memref<512xi32, #tpu.memory_space<vmem>>, vector<16xi32>,
      %ge3A_293 = arith.cmpi sge, %get3A_292, %add3A_230 : vector<16xi32>
      %all_reduce_population_count3A_294 = tpu.all_reduce %ge3A_293 {dim = 0 : i64, kind = #tpu.reduction_kind<sum>} : vector<16xi1> -> vector<16xi32>
      %add3A_295 = arith.addi %add3A_290, %all_reduce_population_count3A_294 : vector<16xi32>
      %get3A_296 = arith.constant 208 : index
      %get3A_297 = tpu.vector_load %arg4[%get3A_296] {strides = array<i32>} : memref<512xi32, #tpu.memory_space<vmem>>, vector<16xi32>,
      %ge3A_298 = arith.cmpi sge, %get3A_297, %add3A_230 : vector<16xi32>
      %all_reduce_population_count3A_299 = tpu.all_reduce %ge3A_298 {dim = 0 : i64, kind = #tpu.reduction_kind<sum>} : vector<16xi1> -> vector<16xi32>
      %add3A_300 = arith.addi %add3A_295, %all_reduce_population_count3A_299 : vector<16xi32>
      %get3A_301 = arith.constant 224 : index
      %get3A_302 = tpu.vector_load %arg4[%get3A_301] {strides = array<i32>} : memref<512xi32, #tpu.memory_space<vmem>>, vector<16xi32>,
      %ge3A_303 = arith.cmpi sge, %get3A_302, %add3A_230 : vector<16xi32>
      %all_reduce_population_count3A_304 = tpu.all_reduce %ge3A_303 {dim = 0 : i64, kind = #tpu.reduction_kind<sum>} : vector<16xi1> -> vector<16xi32>
      %add3A_305 = arith.addi %add3A_300, %all_reduce_population_count3A_304 : vector<16xi32>
      %get3A_306 = arith.constant 240 : index
      %get3A_307 = tpu.vector_load %arg4[%get3A_306] {strides = array<i32>} : memref<512xi32, #tpu.memory_space<vmem>>, vector<16xi32>,
      %ge3A_308 = arith.cmpi sge, %get3A_307, %add3A_230 : vector<16xi32>
      %all_reduce_population_count3A_309 = tpu.all_reduce %ge3A_308 {dim = 0 : i64, kind = #tpu.reduction_kind<sum>} : vector<16xi1> -> vector<16xi32>
      %add3A_310 = arith.addi %add3A_305, %all_reduce_population_count3A_309 : vector<16xi32>
      %get3A_311 = arith.constant 256 : index
      %get3A_312 = tpu.vector_load %arg4[%get3A_311] {strides = array<i32>} : memref<512xi32, #tpu.memory_space<vmem>>, vector<16xi32>,
      %ge3A_313 = arith.cmpi sge, %get3A_312, %add3A_230 : vector<16xi32>
      %all_reduce_population_count3A_314 = tpu.all_reduce %ge3A_313 {dim = 0 : i64, kind = #tpu.reduction_kind<sum>} : vector<16xi1> -> vector<16xi32>
      %add3A_315 = arith.addi %add3A_310, %all_reduce_population_count3A_314 : vector<16xi32>
      %get3A_316 = arith.constant 272 : index
      %get3A_317 = tpu.vector_load %arg4[%get3A_316] {strides = array<i32>} : memref<512xi32, #tpu.memory_space<vmem>>, vector<16xi32>,
      %ge3A_318 = arith.cmpi sge, %get3A_317, %add3A_230 : vector<16xi32>
      %all_reduce_population_count3A_319 = tpu.all_reduce %ge3A_318 {dim = 0 : i64, kind = #tpu.reduction_kind<sum>} : vector<16xi1> -> vector<16xi32>
      %add3A_320 = arith.addi %add3A_315, %all_reduce_population_count3A_319 : vector<16xi32>
      %get3A_321 = arith.constant 288 : index
      %get3A_322 = tpu.vector_load %arg4[%get3A_321] {strides = array<i32>} : memref<512xi32, #tpu.memory_space<vmem>>, vector<16xi32>,
      %ge3A_323 = arith.cmpi sge, %get3A_322, %add3A_230 : vector<16xi32>
      %all_reduce_population_count3A_324 = tpu.all_reduce %ge3A_323 {dim = 0 : i64, kind = #tpu.reduction_kind<sum>} : vector<16xi1> -> vector<16xi32>
      %add3A_325 = arith.addi %add3A_320, %all_reduce_population_count3A_324 : vector<16xi32>
      %get3A_326 = arith.constant 304 : index
      %get3A_327 = tpu.vector_load %arg4[%get3A_326] {strides = array<i32>} : memref<512xi32, #tpu.memory_space<vmem>>, vector<16xi32>,
      %ge3A_328 = arith.cmpi sge, %get3A_327, %add3A_230 : vector<16xi32>
      %all_reduce_population_count3A_329 = tpu.all_reduce %ge3A_328 {dim = 0 : i64, kind = #tpu.reduction_kind<sum>} : vector<16xi1> -> vector<16xi32>
      %add3A_330 = arith.addi %add3A_325, %all_reduce_population_count3A_329 : vector<16xi32>
      %get3A_331 = arith.constant 320 : index
      %get3A_332 = tpu.vector_load %arg4[%get3A_331] {strides = array<i32>} : memref<512xi32, #tpu.memory_space<vmem>>, vector<16xi32>,
      %ge3A_333 = arith.cmpi sge, %get3A_332, %add3A_230 : vector<16xi32>
      %all_reduce_population_count3A_334 = tpu.all_reduce %ge3A_333 {dim = 0 : i64, kind = #tpu.reduction_kind<sum>} : vector<16xi1> -> vector<16xi32>
      %add3A_335 = arith.addi %add3A_330, %all_reduce_population_count3A_334 : vector<16xi32>
      %get3A_336 = arith.constant 336 : index
      %get3A_337 = tpu.vector_load %arg4[%get3A_336] {strides = array<i32>} : memref<512xi32, #tpu.memory_space<vmem>>, vector<16xi32>,
      %ge3A_338 = arith.cmpi sge, %get3A_337, %add3A_230 : vector<16xi32>
      %all_reduce_population_count3A_339 = tpu.all_reduce %ge3A_338 {dim = 0 : i64, kind = #tpu.reduction_kind<sum>} : vector<16xi1> -> vector<16xi32>
      %add3A_340 = arith.addi %add3A_335, %all_reduce_population_count3A_339 : vector<16xi32>
      %get3A_341 = arith.constant 352 : index
      %get3A_342 = tpu.vector_load %arg4[%get3A_341] {strides = array<i32>} : memref<512xi32, #tpu.memory_space<vmem>>, vector<16xi32>,
      %ge3A_343 = arith.cmpi sge, %get3A_342, %add3A_230 : vector<16xi32>
      %all_reduce_population_count3A_344 = tpu.all_reduce %ge3A_343 {dim = 0 : i64, kind = #tpu.reduction_kind<sum>} : vector<16xi1> -> vector<16xi32>
      %add3A_345 = arith.addi %add3A_340, %all_reduce_population_count3A_344 : vector<16xi32>
      %get3A_346 = arith.constant 368 : index
      %get3A_347 = tpu.vector_load %arg4[%get3A_346] {strides = array<i32>} : memref<512xi32, #tpu.memory_space<vmem>>, vector<16xi32>,
      %ge3A_348 = arith.cmpi sge, %get3A_347, %add3A_230 : vector<16xi32>
      %all_reduce_population_count3A_349 = tpu.all_reduce %ge3A_348 {dim = 0 : i64, kind = #tpu.reduction_kind<sum>} : vector<16xi1> -> vector<16xi32>
      %add3A_350 = arith.addi %add3A_345, %all_reduce_population_count3A_349 : vector<16xi32>
      %get3A_351 = arith.constant 384 : index
      %get3A_352 = tpu.vector_load %arg4[%get3A_351] {strides = array<i32>} : memref<512xi32, #tpu.memory_space<vmem>>, vector<16xi32>,
      %ge3A_353 = arith.cmpi sge, %get3A_352, %add3A_230 : vector<16xi32>
      %all_reduce_population_count3A_354 = tpu.all_reduce %ge3A_353 {dim = 0 : i64, kind = #tpu.reduction_kind<sum>} : vector<16xi1> -> vector<16xi32>
      %add3A_355 = arith.addi %add3A_350, %all_reduce_population_count3A_354 : vector<16xi32>
      %get3A_356 = arith.constant 400 : index
      %get3A_357 = tpu.vector_load %arg4[%get3A_356] {strides = array<i32>} : memref<512xi32, #tpu.memory_space<vmem>>, vector<16xi32>,
      %ge3A_358 = arith.cmpi sge, %get3A_357, %add3A_230 : vector<16xi32>
      %all_reduce_population_count3A_359 = tpu.all_reduce %ge3A_358 {dim = 0 : i64, kind = #tpu.reduction_kind<sum>} : vector<16xi1> -> vector<16xi32>
      %add3A_360 = arith.addi %add3A_355, %all_reduce_population_count3A_359 : vector<16xi32>
      %get3A_361 = arith.constant 416 : index
      %get3A_362 = tpu.vector_load %arg4[%get3A_361] {strides = array<i32>} : memref<512xi32, #tpu.memory_space<vmem>>, vector<16xi32>,
      %ge3A_363 = arith.cmpi sge, %get3A_362, %add3A_230 : vector<16xi32>
      %all_reduce_population_count3A_364 = tpu.all_reduce %ge3A_363 {dim = 0 : i64, kind = #tpu.reduction_kind<sum>} : vector<16xi1> -> vector<16xi32>
      %add3A_365 = arith.addi %add3A_360, %all_reduce_population_count3A_364 : vector<16xi32>
      %get3A_366 = arith.constant 432 : index
      %get3A_367 = tpu.vector_load %arg4[%get3A_366] {strides = array<i32>} : memref<512xi32, #tpu.memory_space<vmem>>, vector<16xi32>,
      %ge3A_368 = arith.cmpi sge, %get3A_367, %add3A_230 : vector<16xi32>
      %all_reduce_population_count3A_369 = tpu.all_reduce %ge3A_368 {dim = 0 : i64, kind = #tpu.reduction_kind<sum>} : vector<16xi1> -> vector<16xi32>
      %add3A_370 = arith.addi %add3A_365, %all_reduce_population_count3A_369 : vector<16xi32>
      %get3A_371 = arith.constant 448 : index
      %get3A_372 = tpu.vector_load %arg4[%get3A_371] {strides = array<i32>} : memref<512xi32, #tpu.memory_space<vmem>>, vector<16xi32>,
      %ge3A_373 = arith.cmpi sge, %get3A_372, %add3A_230 : vector<16xi32>
      %all_reduce_population_count3A_374 = tpu.all_reduce %ge3A_373 {dim = 0 : i64, kind = #tpu.reduction_kind<sum>} : vector<16xi1> -> vector<16xi32>
      %add3A_375 = arith.addi %add3A_370, %all_reduce_population_count3A_374 : vector<16xi32>
      %get3A_376 = arith.constant 464 : index
      %get3A_377 = tpu.vector_load %arg4[%get3A_376] {strides = array<i32>} : memref<512xi32, #tpu.memory_space<vmem>>, vector<16xi32>,
      %ge3A_378 = arith.cmpi sge, %get3A_377, %add3A_230 : vector<16xi32>
      %all_reduce_population_count3A_379 = tpu.all_reduce %ge3A_378 {dim = 0 : i64, kind = #tpu.reduction_kind<sum>} : vector<16xi1> -> vector<16xi32>
      %add3A_380 = arith.addi %add3A_375, %all_reduce_population_count3A_379 : vector<16xi32>
      %get3A_381 = arith.constant 480 : index
      %get3A_382 = tpu.vector_load %arg4[%get3A_381] {strides = array<i32>} : memref<512xi32, #tpu.memory_space<vmem>>, vector<16xi32>,
      %ge3A_383 = arith.cmpi sge, %get3A_382, %add3A_230 : vector<16xi32>
      %all_reduce_population_count3A_384 = tpu.all_reduce %ge3A_383 {dim = 0 : i64, kind = #tpu.reduction_kind<sum>} : vector<16xi1> -> vector<16xi32>
      %add3A_385 = arith.addi %add3A_380, %all_reduce_population_count3A_384 : vector<16xi32>
      %get3A_386 = arith.constant 496 : index
      %get3A_387 = tpu.vector_load %arg4[%get3A_386] {strides = array<i32>} : memref<512xi32, #tpu.memory_space<vmem>>, vector<16xi32>,
      %ge3A_388 = arith.cmpi sge, %get3A_387, %add3A_230 : vector<16xi32>
      %all_reduce_population_count3A_389 = tpu.all_reduce %ge3A_388 {dim = 0 : i64, kind = #tpu.reduction_kind<sum>} : vector<16xi1> -> vector<16xi32>
      %add3A_390 = arith.addi %add3A_385, %all_reduce_population_count3A_389 : vector<16xi32>
      %sub3A = arith.constant 128 : i32
      %sub3A_391 = vector.broadcast %sub3A : i32 to vector<16xi32>
      %sub3A_392 = arith.subi %sub3A_391, %add3A_390 : vector<16xi32>
      %broadcast_in_dim3A_393 = arith.constant 0 : i32
      %broadcast_in_dim3A_394 = vector.broadcast %broadcast_in_dim3A_393 : i32 to vector<16xi32>
      %broadcast_in_dim3A_395 = arith.constant 0 : i32
      %broadcast_in_dim3A_396 = vector.broadcast %broadcast_in_dim3A_395 : i32 to vector<16xi32>
      %get3A_397 = arith.constant 0 : index
      %get3A_398 = tpu.vector_load %arg4[%get3A_397] {strides = array<i32>} : memref<512xi32, #tpu.memory_space<vmem>>, vector<16xi32>,
      %gt3A = arith.cmpi sgt, %get3A_398, %scan3A_227 : vector<16xi32>
      %eq3A = arith.cmpi eq, %get3A_398, %scan3A_227 : vector<16xi32>
      %convert_element_type3A_399 = arith.extui %eq3A : vector<16xi1> to vector<16xi32>
      %broadcast_in_dim3A_400 = arith.constant true
      %broadcast_in_dim3A_401 = vector.broadcast %broadcast_in_dim3A_400 : i1 to vector<16xi1>
      %masked_cumsum3A = tpu.scan <sum>, %convert_element_type3A_399 masked %broadcast_in_dim3A_401 : vector<16xi32>, vector<16xi1> -> vector<16xi32>
      %add3A_402 = arith.addi %broadcast_in_dim3A_394, %masked_cumsum3A : vector<16xi32>
      %sub3A_403 = arith.subi %add3A_402, %convert_element_type3A_399 : vector<16xi32>
      %lt3A_404 = arith.cmpi slt, %sub3A_403, %sub3A_392 : vector<16xi32>
      %and3A_405 = arith.andi %eq3A, %lt3A_404 : vector<16xi1>
      %or3A = arith.ori %gt3A, %and3A_405 : vector<16xi1>
      %convert_element_type3A_406 = arith.extui %or3A : vector<16xi1> to vector<16xi32>
      %broadcast_in_dim3A_407 = arith.constant true
      %broadcast_in_dim3A_408 = vector.broadcast %broadcast_in_dim3A_407 : i1 to vector<16xi1>
      %masked_cumsum3A_409 = tpu.scan <sum>, %convert_element_type3A_406 masked %broadcast_in_dim3A_408 : vector<16xi32>, vector<16xi1> -> vector<16xi32>
      %add3A_410 = arith.addi %broadcast_in_dim3A_396, %masked_cumsum3A_409 : vector<16xi32>
      %sub3A_411 = arith.subi %add3A_410, %convert_element_type3A_406 : vector<16xi32>
      %iota3A = tpu.iota {dimensions = array<i32: 0>} : vector<16xi32>
      %add3A_412 = arith.constant 0 : i32
      %add3A_413 = vector.broadcast %add3A_412 : i32 to vector<16xi32>
      %add3A_414 = arith.addi %iota3A, %add3A_413 : vector<16xi32>
      tpu.vector_store_idx %arg5[%sub3A_411], %add3A_414 masked %or3A : memref<128xi32, #tpu.memory_space<vmem>>[vector<16xi32>], vector<16xi32>, vector<16xi1>
      %all_reduce_population_count3A_415 = tpu.all_reduce %eq3A {dim = 0 : i64, kind = #tpu.reduction_kind<sum>} : vector<16xi1> -> vector<16xi32>
      %add3A_416 = arith.addi %broadcast_in_dim3A_394, %all_reduce_population_count3A_415 : vector<16xi32>
      %all_reduce_population_count3A_417 = tpu.all_reduce %or3A {dim = 0 : i64, kind = #tpu.reduction_kind<sum>} : vector<16xi1> -> vector<16xi32>
      %add3A_418 = arith.addi %broadcast_in_dim3A_396, %all_reduce_population_count3A_417 : vector<16xi32>
      %get3A_419 = arith.constant 16 : index
      %get3A_420 = tpu.vector_load %arg4[%get3A_419] {strides = array<i32>} : memref<512xi32, #tpu.memory_space<vmem>>, vector<16xi32>,
      %gt3A_421 = arith.cmpi sgt, %get3A_420, %scan3A_227 : vector<16xi32>
      %eq3A_422 = arith.cmpi eq, %get3A_420, %scan3A_227 : vector<16xi32>
      %convert_element_type3A_423 = arith.extui %eq3A_422 : vector<16xi1> to vector<16xi32>
      %broadcast_in_dim3A_424 = arith.constant true
      %broadcast_in_dim3A_425 = vector.broadcast %broadcast_in_dim3A_424 : i1 to vector<16xi1>
      %masked_cumsum3A_426 = tpu.scan <sum>, %convert_element_type3A_423 masked %broadcast_in_dim3A_425 : vector<16xi32>, vector<16xi1> -> vector<16xi32>
      %add3A_427 = arith.addi %add3A_416, %masked_cumsum3A_426 : vector<16xi32>
      %sub3A_428 = arith.subi %add3A_427, %convert_element_type3A_423 : vector<16xi32>
      %lt3A_429 = arith.cmpi slt, %sub3A_428, %sub3A_392 : vector<16xi32>
      %and3A_430 = arith.andi %eq3A_422, %lt3A_429 : vector<16xi1>
      %or3A_431 = arith.ori %gt3A_421, %and3A_430 : vector<16xi1>
      %convert_element_type3A_432 = arith.extui %or3A_431 : vector<16xi1> to vector<16xi32>
      %broadcast_in_dim3A_433 = arith.constant true
      %broadcast_in_dim3A_434 = vector.broadcast %broadcast_in_dim3A_433 : i1 to vector<16xi1>
      %masked_cumsum3A_435 = tpu.scan <sum>, %convert_element_type3A_432 masked %broadcast_in_dim3A_434 : vector<16xi32>, vector<16xi1> -> vector<16xi32>
      %add3A_436 = arith.addi %add3A_418, %masked_cumsum3A_435 : vector<16xi32>
      %sub3A_437 = arith.subi %add3A_436, %convert_element_type3A_432 : vector<16xi32>
      %iota3A_438 = tpu.iota {dimensions = array<i32: 0>} : vector<16xi32>
      %add3A_439 = arith.constant 16 : i32
      %add3A_440 = vector.broadcast %add3A_439 : i32 to vector<16xi32>
      %add3A_441 = arith.addi %iota3A_438, %add3A_440 : vector<16xi32>
      tpu.vector_store_idx %arg5[%sub3A_437], %add3A_441 masked %or3A_431 : memref<128xi32, #tpu.memory_space<vmem>>[vector<16xi32>], vector<16xi32>, vector<16xi1>
      %all_reduce_population_count3A_442 = tpu.all_reduce %eq3A_422 {dim = 0 : i64, kind = #tpu.reduction_kind<sum>} : vector<16xi1> -> vector<16xi32>
      %add3A_443 = arith.addi %add3A_416, %all_reduce_population_count3A_442 : vector<16xi32>
      %all_reduce_population_count3A_444 = tpu.all_reduce %or3A_431 {dim = 0 : i64, kind = #tpu.reduction_kind<sum>} : vector<16xi1> -> vector<16xi32>
      %add3A_445 = arith.addi %add3A_418, %all_reduce_population_count3A_444 : vector<16xi32>
      %get3A_446 = arith.constant 32 : index
      %get3A_447 = tpu.vector_load %arg4[%get3A_446] {strides = array<i32>} : memref<512xi32, #tpu.memory_space<vmem>>, vector<16xi32>,
      %gt3A_448 = arith.cmpi sgt, %get3A_447, %scan3A_227 : vector<16xi32>
      %eq3A_449 = arith.cmpi eq, %get3A_447, %scan3A_227 : vector<16xi32>
      %convert_element_type3A_450 = arith.extui %eq3A_449 : vector<16xi1> to vector<16xi32>
      %broadcast_in_dim3A_451 = arith.constant true
      %broadcast_in_dim3A_452 = vector.broadcast %broadcast_in_dim3A_451 : i1 to vector<16xi1>
      %masked_cumsum3A_453 = tpu.scan <sum>, %convert_element_type3A_450 masked %broadcast_in_dim3A_452 : vector<16xi32>, vector<16xi1> -> vector<16xi32>
      %add3A_454 = arith.addi %add3A_443, %masked_cumsum3A_453 : vector<16xi32>
      %sub3A_455 = arith.subi %add3A_454, %convert_element_type3A_450 : vector<16xi32>
      %lt3A_456 = arith.cmpi slt, %sub3A_455, %sub3A_392 : vector<16xi32>
      %and3A_457 = arith.andi %eq3A_449, %lt3A_456 : vector<16xi1>
      %or3A_458 = arith.ori %gt3A_448, %and3A_457 : vector<16xi1>
      %convert_element_type3A_459 = arith.extui %or3A_458 : vector<16xi1> to vector<16xi32>
      %broadcast_in_dim3A_460 = arith.constant true
      %broadcast_in_dim3A_461 = vector.broadcast %broadcast_in_dim3A_460 : i1 to vector<16xi1>
      %masked_cumsum3A_462 = tpu.scan <sum>, %convert_element_type3A_459 masked %broadcast_in_dim3A_461 : vector<16xi32>, vector<16xi1> -> vector<16xi32>
      %add3A_463 = arith.addi %add3A_445, %masked_cumsum3A_462 : vector<16xi32>
      %sub3A_464 = arith.subi %add3A_463, %convert_element_type3A_459 : vector<16xi32>
      %iota3A_465 = tpu.iota {dimensions = array<i32: 0>} : vector<16xi32>
      %add3A_466 = arith.constant 32 : i32
      %add3A_467 = vector.broadcast %add3A_466 : i32 to vector<16xi32>
      %add3A_468 = arith.addi %iota3A_465, %add3A_467 : vector<16xi32>
      tpu.vector_store_idx %arg5[%sub3A_464], %add3A_468 masked %or3A_458 : memref<128xi32, #tpu.memory_space<vmem>>[vector<16xi32>], vector<16xi32>, vector<16xi1>
      %all_reduce_population_count3A_469 = tpu.all_reduce %eq3A_449 {dim = 0 : i64, kind = #tpu.reduction_kind<sum>} : vector<16xi1> -> vector<16xi32>
      %add3A_470 = arith.addi %add3A_443, %all_reduce_population_count3A_469 : vector<16xi32>
      %all_reduce_population_count3A_471 = tpu.all_reduce %or3A_458 {dim = 0 : i64, kind = #tpu.reduction_kind<sum>} : vector<16xi1> -> vector<16xi32>
      %add3A_472 = arith.addi %add3A_445, %all_reduce_population_count3A_471 : vector<16xi32>
      %get3A_473 = arith.constant 48 : index
      %get3A_474 = tpu.vector_load %arg4[%get3A_473] {strides = array<i32>} : memref<512xi32, #tpu.memory_space<vmem>>, vector<16xi32>,
      %gt3A_475 = arith.cmpi sgt, %get3A_474, %scan3A_227 : vector<16xi32>
      %eq3A_476 = arith.cmpi eq, %get3A_474, %scan3A_227 : vector<16xi32>
      %convert_element_type3A_477 = arith.extui %eq3A_476 : vector<16xi1> to vector<16xi32>
      %broadcast_in_dim3A_478 = arith.constant true
      %broadcast_in_dim3A_479 = vector.broadcast %broadcast_in_dim3A_478 : i1 to vector<16xi1>
      %masked_cumsum3A_480 = tpu.scan <sum>, %convert_element_type3A_477 masked %broadcast_in_dim3A_479 : vector<16xi32>, vector<16xi1> -> vector<16xi32>
      %add3A_481 = arith.addi %add3A_470, %masked_cumsum3A_480 : vector<16xi32>
      %sub3A_482 = arith.subi %add3A_481, %convert_element_type3A_477 : vector<16xi32>
      %lt3A_483 = arith.cmpi slt, %sub3A_482, %sub3A_392 : vector<16xi32>
      %and3A_484 = arith.andi %eq3A_476, %lt3A_483 : vector<16xi1>
      %or3A_485 = arith.ori %gt3A_475, %and3A_484 : vector<16xi1>
      %convert_element_type3A_486 = arith.extui %or3A_485 : vector<16xi1> to vector<16xi32>
      %broadcast_in_dim3A_487 = arith.constant true
      %broadcast_in_dim3A_488 = vector.broadcast %broadcast_in_dim3A_487 : i1 to vector<16xi1>
      %masked_cumsum3A_489 = tpu.scan <sum>, %convert_element_type3A_486 masked %broadcast_in_dim3A_488 : vector<16xi32>, vector<16xi1> -> vector<16xi32>
      %add3A_490 = arith.addi %add3A_472, %masked_cumsum3A_489 : vector<16xi32>
      %sub3A_491 = arith.subi %add3A_490, %convert_element_type3A_486 : vector<16xi32>
      %iota3A_492 = tpu.iota {dimensions = array<i32: 0>} : vector<16xi32>
      %add3A_493 = arith.constant 48 : i32
      %add3A_494 = vector.broadcast %add3A_493 : i32 to vector<16xi32>
      %add3A_495 = arith.addi %iota3A_492, %add3A_494 : vector<16xi32>
      tpu.vector_store_idx %arg5[%sub3A_491], %add3A_495 masked %or3A_485 : memref<128xi32, #tpu.memory_space<vmem>>[vector<16xi32>], vector<16xi32>, vector<16xi1>
      %all_reduce_population_count3A_496 = tpu.all_reduce %eq3A_476 {dim = 0 : i64, kind = #tpu.reduction_kind<sum>} : vector<16xi1> -> vector<16xi32>
      %add3A_497 = arith.addi %add3A_470, %all_reduce_population_count3A_496 : vector<16xi32>
      %all_reduce_population_count3A_498 = tpu.all_reduce %or3A_485 {dim = 0 : i64, kind = #tpu.reduction_kind<sum>} : vector<16xi1> -> vector<16xi32>
      %add3A_499 = arith.addi %add3A_472, %all_reduce_population_count3A_498 : vector<16xi32>
      %get3A_500 = arith.constant 64 : index
      %get3A_501 = tpu.vector_load %arg4[%get3A_500] {strides = array<i32>} : memref<512xi32, #tpu.memory_space<vmem>>, vector<16xi32>,
      %gt3A_502 = arith.cmpi sgt, %get3A_501, %scan3A_227 : vector<16xi32>
      %eq3A_503 = arith.cmpi eq, %get3A_501, %scan3A_227 : vector<16xi32>
      %convert_element_type3A_504 = arith.extui %eq3A_503 : vector<16xi1> to vector<16xi32>
      %broadcast_in_dim3A_505 = arith.constant true
      %broadcast_in_dim3A_506 = vector.broadcast %broadcast_in_dim3A_505 : i1 to vector<16xi1>
      %masked_cumsum3A_507 = tpu.scan <sum>, %convert_element_type3A_504 masked %broadcast_in_dim3A_506 : vector<16xi32>, vector<16xi1> -> vector<16xi32>
      %add3A_508 = arith.addi %add3A_497, %masked_cumsum3A_507 : vector<16xi32>
      %sub3A_509 = arith.subi %add3A_508, %convert_element_type3A_504 : vector<16xi32>
      %lt3A_510 = arith.cmpi slt, %sub3A_509, %sub3A_392 : vector<16xi32>
      %and3A_511 = arith.andi %eq3A_503, %lt3A_510 : vector<16xi1>
      %or3A_512 = arith.ori %gt3A_502, %and3A_511 : vector<16xi1>
      %convert_element_type3A_513 = arith.extui %or3A_512 : vector<16xi1> to vector<16xi32>
      %broadcast_in_dim3A_514 = arith.constant true
      %broadcast_in_dim3A_515 = vector.broadcast %broadcast_in_dim3A_514 : i1 to vector<16xi1>
      %masked_cumsum3A_516 = tpu.scan <sum>, %convert_element_type3A_513 masked %broadcast_in_dim3A_515 : vector<16xi32>, vector<16xi1> -> vector<16xi32>
      %add3A_517 = arith.addi %add3A_499, %masked_cumsum3A_516 : vector<16xi32>
      %sub3A_518 = arith.subi %add3A_517, %convert_element_type3A_513 : vector<16xi32>
      %iota3A_519 = tpu.iota {dimensions = array<i32: 0>} : vector<16xi32>
      %add3A_520 = arith.constant 64 : i32
      %add3A_521 = vector.broadcast %add3A_520 : i32 to vector<16xi32>
      %add3A_522 = arith.addi %iota3A_519, %add3A_521 : vector<16xi32>
      tpu.vector_store_idx %arg5[%sub3A_518], %add3A_522 masked %or3A_512 : memref<128xi32, #tpu.memory_space<vmem>>[vector<16xi32>], vector<16xi32>, vector<16xi1>
      %all_reduce_population_count3A_523 = tpu.all_reduce %eq3A_503 {dim = 0 : i64, kind = #tpu.reduction_kind<sum>} : vector<16xi1> -> vector<16xi32>
      %add3A_524 = arith.addi %add3A_497, %all_reduce_population_count3A_523 : vector<16xi32>
      %all_reduce_population_count3A_525 = tpu.all_reduce %or3A_512 {dim = 0 : i64, kind = #tpu.reduction_kind<sum>} : vector<16xi1> -> vector<16xi32>
      %add3A_526 = arith.addi %add3A_499, %all_reduce_population_count3A_525 : vector<16xi32>
      %get3A_527 = arith.constant 80 : index
      %get3A_528 = tpu.vector_load %arg4[%get3A_527] {strides = array<i32>} : memref<512xi32, #tpu.memory_space<vmem>>, vector<16xi32>,
      %gt3A_529 = arith.cmpi sgt, %get3A_528, %scan3A_227 : vector<16xi32>
      %eq3A_530 = arith.cmpi eq, %get3A_528, %scan3A_227 : vector<16xi32>
      %convert_element_type3A_531 = arith.extui %eq3A_530 : vector<16xi1> to vector<16xi32>
      %broadcast_in_dim3A_532 = arith.constant true
      %broadcast_in_dim3A_533 = vector.broadcast %broadcast_in_dim3A_532 : i1 to vector<16xi1>
      %masked_cumsum3A_534 = tpu.scan <sum>, %convert_element_type3A_531 masked %broadcast_in_dim3A_533 : vector<16xi32>, vector<16xi1> -> vector<16xi32>
      %add3A_535 = arith.addi %add3A_524, %masked_cumsum3A_534 : vector<16xi32>
      %sub3A_536 = arith.subi %add3A_535, %convert_element_type3A_531 : vector<16xi32>
      %lt3A_537 = arith.cmpi slt, %sub3A_536, %sub3A_392 : vector<16xi32>
      %and3A_538 = arith.andi %eq3A_530, %lt3A_537 : vector<16xi1>
      %or3A_539 = arith.ori %gt3A_529, %and3A_538 : vector<16xi1>
      %convert_element_type3A_540 = arith.extui %or3A_539 : vector<16xi1> to vector<16xi32>
      %broadcast_in_dim3A_541 = arith.constant true
      %broadcast_in_dim3A_542 = vector.broadcast %broadcast_in_dim3A_541 : i1 to vector<16xi1>
      %masked_cumsum3A_543 = tpu.scan <sum>, %convert_element_type3A_540 masked %broadcast_in_dim3A_542 : vector<16xi32>, vector<16xi1> -> vector<16xi32>
      %add3A_544 = arith.addi %add3A_526, %masked_cumsum3A_543 : vector<16xi32>
      %sub3A_545 = arith.subi %add3A_544, %convert_element_type3A_540 : vector<16xi32>
      %iota3A_546 = tpu.iota {dimensions = array<i32: 0>} : vector<16xi32>
      %add3A_547 = arith.constant 80 : i32
      %add3A_548 = vector.broadcast %add3A_547 : i32 to vector<16xi32>
      %add3A_549 = arith.addi %iota3A_546, %add3A_548 : vector<16xi32>
      tpu.vector_store_idx %arg5[%sub3A_545], %add3A_549 masked %or3A_539 : memref<128xi32, #tpu.memory_space<vmem>>[vector<16xi32>], vector<16xi32>, vector<16xi1>
      %all_reduce_population_count3A_550 = tpu.all_reduce %eq3A_530 {dim = 0 : i64, kind = #tpu.reduction_kind<sum>} : vector<16xi1> -> vector<16xi32>
      %add3A_551 = arith.addi %add3A_524, %all_reduce_population_count3A_550 : vector<16xi32>
      %all_reduce_population_count3A_552 = tpu.all_reduce %or3A_539 {dim = 0 : i64, kind = #tpu.reduction_kind<sum>} : vector<16xi1> -> vector<16xi32>
      %add3A_553 = arith.addi %add3A_526, %all_reduce_population_count3A_552 : vector<16xi32>
      %get3A_554 = arith.constant 96 : index
      %get3A_555 = tpu.vector_load %arg4[%get3A_554] {strides = array<i32>} : memref<512xi32, #tpu.memory_space<vmem>>, vector<16xi32>,
      %gt3A_556 = arith.cmpi sgt, %get3A_555, %scan3A_227 : vector<16xi32>
      %eq3A_557 = arith.cmpi eq, %get3A_555, %scan3A_227 : vector<16xi32>
      %convert_element_type3A_558 = arith.extui %eq3A_557 : vector<16xi1> to vector<16xi32>
      %broadcast_in_dim3A_559 = arith.constant true
      %broadcast_in_dim3A_560 = vector.broadcast %broadcast_in_dim3A_559 : i1 to vector<16xi1>
      %masked_cumsum3A_561 = tpu.scan <sum>, %convert_element_type3A_558 masked %broadcast_in_dim3A_560 : vector<16xi32>, vector<16xi1> -> vector<16xi32>
      %add3A_562 = arith.addi %add3A_551, %masked_cumsum3A_561 : vector<16xi32>
      %sub3A_563 = arith.subi %add3A_562, %convert_element_type3A_558 : vector<16xi32>
      %lt3A_564 = arith.cmpi slt, %sub3A_563, %sub3A_392 : vector<16xi32>
      %and3A_565 = arith.andi %eq3A_557, %lt3A_564 : vector<16xi1>
      %or3A_566 = arith.ori %gt3A_556, %and3A_565 : vector<16xi1>
      %convert_element_type3A_567 = arith.extui %or3A_566 : vector<16xi1> to vector<16xi32>
      %broadcast_in_dim3A_568 = arith.constant true
      %broadcast_in_dim3A_569 = vector.broadcast %broadcast_in_dim3A_568 : i1 to vector<16xi1>
      %masked_cumsum3A_570 = tpu.scan <sum>, %convert_element_type3A_567 masked %broadcast_in_dim3A_569 : vector<16xi32>, vector<16xi1> -> vector<16xi32>
      %add3A_571 = arith.addi %add3A_553, %masked_cumsum3A_570 : vector<16xi32>
      %sub3A_572 = arith.subi %add3A_571, %convert_element_type3A_567 : vector<16xi32>
      %iota3A_573 = tpu.iota {dimensions = array<i32: 0>} : vector<16xi32>
      %add3A_574 = arith.constant 96 : i32
      %add3A_575 = vector.broadcast %add3A_574 : i32 to vector<16xi32>
      %add3A_576 = arith.addi %iota3A_573, %add3A_575 : vector<16xi32>
      tpu.vector_store_idx %arg5[%sub3A_572], %add3A_576 masked %or3A_566 : memref<128xi32, #tpu.memory_space<vmem>>[vector<16xi32>], vector<16xi32>, vector<16xi1>
      %all_reduce_population_count3A_577 = tpu.all_reduce %eq3A_557 {dim = 0 : i64, kind = #tpu.reduction_kind<sum>} : vector<16xi1> -> vector<16xi32>
      %add3A_578 = arith.addi %add3A_551, %all_reduce_population_count3A_577 : vector<16xi32>
      %all_reduce_population_count3A_579 = tpu.all_reduce %or3A_566 {dim = 0 : i64, kind = #tpu.reduction_kind<sum>} : vector<16xi1> -> vector<16xi32>
      %add3A_580 = arith.addi %add3A_553, %all_reduce_population_count3A_579 : vector<16xi32>
      %get3A_581 = arith.constant 112 : index
      %get3A_582 = tpu.vector_load %arg4[%get3A_581] {strides = array<i32>} : memref<512xi32, #tpu.memory_space<vmem>>, vector<16xi32>,
      %gt3A_583 = arith.cmpi sgt, %get3A_582, %scan3A_227 : vector<16xi32>
      %eq3A_584 = arith.cmpi eq, %get3A_582, %scan3A_227 : vector<16xi32>
      %convert_element_type3A_585 = arith.extui %eq3A_584 : vector<16xi1> to vector<16xi32>
      %broadcast_in_dim3A_586 = arith.constant true
      %broadcast_in_dim3A_587 = vector.broadcast %broadcast_in_dim3A_586 : i1 to vector<16xi1>
      %masked_cumsum3A_588 = tpu.scan <sum>, %convert_element_type3A_585 masked %broadcast_in_dim3A_587 : vector<16xi32>, vector<16xi1> -> vector<16xi32>
      %add3A_589 = arith.addi %add3A_578, %masked_cumsum3A_588 : vector<16xi32>
      %sub3A_590 = arith.subi %add3A_589, %convert_element_type3A_585 : vector<16xi32>
      %lt3A_591 = arith.cmpi slt, %sub3A_590, %sub3A_392 : vector<16xi32>
      %and3A_592 = arith.andi %eq3A_584, %lt3A_591 : vector<16xi1>
      %or3A_593 = arith.ori %gt3A_583, %and3A_592 : vector<16xi1>
      %convert_element_type3A_594 = arith.extui %or3A_593 : vector<16xi1> to vector<16xi32>
      %broadcast_in_dim3A_595 = arith.constant true
      %broadcast_in_dim3A_596 = vector.broadcast %broadcast_in_dim3A_595 : i1 to vector<16xi1>
      %masked_cumsum3A_597 = tpu.scan <sum>, %convert_element_type3A_594 masked %broadcast_in_dim3A_596 : vector<16xi32>, vector<16xi1> -> vector<16xi32>
      %add3A_598 = arith.addi %add3A_580, %masked_cumsum3A_597 : vector<16xi32>
      %sub3A_599 = arith.subi %add3A_598, %convert_element_type3A_594 : vector<16xi32>
      %iota3A_600 = tpu.iota {dimensions = array<i32: 0>} : vector<16xi32>
      %add3A_601 = arith.constant 112 : i32
      %add3A_602 = vector.broadcast %add3A_601 : i32 to vector<16xi32>
      %add3A_603 = arith.addi %iota3A_600, %add3A_602 : vector<16xi32>
      tpu.vector_store_idx %arg5[%sub3A_599], %add3A_603 masked %or3A_593 : memref<128xi32, #tpu.memory_space<vmem>>[vector<16xi32>], vector<16xi32>, vector<16xi1>
      %all_reduce_population_count3A_604 = tpu.all_reduce %eq3A_584 {dim = 0 : i64, kind = #tpu.reduction_kind<sum>} : vector<16xi1> -> vector<16xi32>
      %add3A_605 = arith.addi %add3A_578, %all_reduce_population_count3A_604 : vector<16xi32>
      %all_reduce_population_count3A_606 = tpu.all_reduce %or3A_593 {dim = 0 : i64, kind = #tpu.reduction_kind<sum>} : vector<16xi1> -> vector<16xi32>
      %add3A_607 = arith.addi %add3A_580, %all_reduce_population_count3A_606 : vector<16xi32>
      %get3A_608 = arith.constant 128 : index
      %get3A_609 = tpu.vector_load %arg4[%get3A_608] {strides = array<i32>} : memref<512xi32, #tpu.memory_space<vmem>>, vector<16xi32>,
      %gt3A_610 = arith.cmpi sgt, %get3A_609, %scan3A_227 : vector<16xi32>
      %eq3A_611 = arith.cmpi eq, %get3A_609, %scan3A_227 : vector<16xi32>
      %convert_element_type3A_612 = arith.extui %eq3A_611 : vector<16xi1> to vector<16xi32>
      %broadcast_in_dim3A_613 = arith.constant true
      %broadcast_in_dim3A_614 = vector.broadcast %broadcast_in_dim3A_613 : i1 to vector<16xi1>
      %masked_cumsum3A_615 = tpu.scan <sum>, %convert_element_type3A_612 masked %broadcast_in_dim3A_614 : vector<16xi32>, vector<16xi1> -> vector<16xi32>
      %add3A_616 = arith.addi %add3A_605, %masked_cumsum3A_615 : vector<16xi32>
      %sub3A_617 = arith.subi %add3A_616, %convert_element_type3A_612 : vector<16xi32>
      %lt3A_618 = arith.cmpi slt, %sub3A_617, %sub3A_392 : vector<16xi32>
      %and3A_619 = arith.andi %eq3A_611, %lt3A_618 : vector<16xi1>
      %or3A_620 = arith.ori %gt3A_610, %and3A_619 : vector<16xi1>
      %convert_element_type3A_621 = arith.extui %or3A_620 : vector<16xi1> to vector<16xi32>
      %broadcast_in_dim3A_622 = arith.constant true
      %broadcast_in_dim3A_623 = vector.broadcast %broadcast_in_dim3A_622 : i1 to vector<16xi1>
      %masked_cumsum3A_624 = tpu.scan <sum>, %convert_element_type3A_621 masked %broadcast_in_dim3A_623 : vector<16xi32>, vector<16xi1> -> vector<16xi32>
      %add3A_625 = arith.addi %add3A_607, %masked_cumsum3A_624 : vector<16xi32>
      %sub3A_626 = arith.subi %add3A_625, %convert_element_type3A_621 : vector<16xi32>
      %iota3A_627 = tpu.iota {dimensions = array<i32: 0>} : vector<16xi32>
      %add3A_628 = arith.constant 128 : i32
      %add3A_629 = vector.broadcast %add3A_628 : i32 to vector<16xi32>
      %add3A_630 = arith.addi %iota3A_627, %add3A_629 : vector<16xi32>
      tpu.vector_store_idx %arg5[%sub3A_626], %add3A_630 masked %or3A_620 : memref<128xi32, #tpu.memory_space<vmem>>[vector<16xi32>], vector<16xi32>, vector<16xi1>
      %all_reduce_population_count3A_631 = tpu.all_reduce %eq3A_611 {dim = 0 : i64, kind = #tpu.reduction_kind<sum>} : vector<16xi1> -> vector<16xi32>
      %add3A_632 = arith.addi %add3A_605, %all_reduce_population_count3A_631 : vector<16xi32>
      %all_reduce_population_count3A_633 = tpu.all_reduce %or3A_620 {dim = 0 : i64, kind = #tpu.reduction_kind<sum>} : vector<16xi1> -> vector<16xi32>
      %add3A_634 = arith.addi %add3A_607, %all_reduce_population_count3A_633 : vector<16xi32>
      %get3A_635 = arith.constant 144 : index
      %get3A_636 = tpu.vector_load %arg4[%get3A_635] {strides = array<i32>} : memref<512xi32, #tpu.memory_space<vmem>>, vector<16xi32>,
      %gt3A_637 = arith.cmpi sgt, %get3A_636, %scan3A_227 : vector<16xi32>
      %eq3A_638 = arith.cmpi eq, %get3A_636, %scan3A_227 : vector<16xi32>
      %convert_element_type3A_639 = arith.extui %eq3A_638 : vector<16xi1> to vector<16xi32>
      %broadcast_in_dim3A_640 = arith.constant true
      %broadcast_in_dim3A_641 = vector.broadcast %broadcast_in_dim3A_640 : i1 to vector<16xi1>
      %masked_cumsum3A_642 = tpu.scan <sum>, %convert_element_type3A_639 masked %broadcast_in_dim3A_641 : vector<16xi32>, vector<16xi1> -> vector<16xi32>
      %add3A_643 = arith.addi %add3A_632, %masked_cumsum3A_642 : vector<16xi32>
      %sub3A_644 = arith.subi %add3A_643, %convert_element_type3A_639 : vector<16xi32>
      %lt3A_645 = arith.cmpi slt, %sub3A_644, %sub3A_392 : vector<16xi32>
      %and3A_646 = arith.andi %eq3A_638, %lt3A_645 : vector<16xi1>
      %or3A_647 = arith.ori %gt3A_637, %and3A_646 : vector<16xi1>
      %convert_element_type3A_648 = arith.extui %or3A_647 : vector<16xi1> to vector<16xi32>
      %broadcast_in_dim3A_649 = arith.constant true
      %broadcast_in_dim3A_650 = vector.broadcast %broadcast_in_dim3A_649 : i1 to vector<16xi1>
      %masked_cumsum3A_651 = tpu.scan <sum>, %convert_element_type3A_648 masked %broadcast_in_dim3A_650 : vector<16xi32>, vector<16xi1> -> vector<16xi32>
      %add3A_652 = arith.addi %add3A_634, %masked_cumsum3A_651 : vector<16xi32>
      %sub3A_653 = arith.subi %add3A_652, %convert_element_type3A_648 : vector<16xi32>
      %iota3A_654 = tpu.iota {dimensions = array<i32: 0>} : vector<16xi32>
      %add3A_655 = arith.constant 144 : i32
      %add3A_656 = vector.broadcast %add3A_655 : i32 to vector<16xi32>
      %add3A_657 = arith.addi %iota3A_654, %add3A_656 : vector<16xi32>
      tpu.vector_store_idx %arg5[%sub3A_653], %add3A_657 masked %or3A_647 : memref<128xi32, #tpu.memory_space<vmem>>[vector<16xi32>], vector<16xi32>, vector<16xi1>
      %all_reduce_population_count3A_658 = tpu.all_reduce %eq3A_638 {dim = 0 : i64, kind = #tpu.reduction_kind<sum>} : vector<16xi1> -> vector<16xi32>
      %add3A_659 = arith.addi %add3A_632, %all_reduce_population_count3A_658 : vector<16xi32>
      %all_reduce_population_count3A_660 = tpu.all_reduce %or3A_647 {dim = 0 : i64, kind = #tpu.reduction_kind<sum>} : vector<16xi1> -> vector<16xi32>
      %add3A_661 = arith.addi %add3A_634, %all_reduce_population_count3A_660 : vector<16xi32>
      %get3A_662 = arith.constant 160 : index
      %get3A_663 = tpu.vector_load %arg4[%get3A_662] {strides = array<i32>} : memref<512xi32, #tpu.memory_space<vmem>>, vector<16xi32>,
      %gt3A_664 = arith.cmpi sgt, %get3A_663, %scan3A_227 : vector<16xi32>
      %eq3A_665 = arith.cmpi eq, %get3A_663, %scan3A_227 : vector<16xi32>
      %convert_element_type3A_666 = arith.extui %eq3A_665 : vector<16xi1> to vector<16xi32>
      %broadcast_in_dim3A_667 = arith.constant true
      %broadcast_in_dim3A_668 = vector.broadcast %broadcast_in_dim3A_667 : i1 to vector<16xi1>
      %masked_cumsum3A_669 = tpu.scan <sum>, %convert_element_type3A_666 masked %broadcast_in_dim3A_668 : vector<16xi32>, vector<16xi1> -> vector<16xi32>
      %add3A_670 = arith.addi %add3A_659, %masked_cumsum3A_669 : vector<16xi32>
      %sub3A_671 = arith.subi %add3A_670, %convert_element_type3A_666 : vector<16xi32>
      %lt3A_672 = arith.cmpi slt, %sub3A_671, %sub3A_392 : vector<16xi32>
      %and3A_673 = arith.andi %eq3A_665, %lt3A_672 : vector<16xi1>
      %or3A_674 = arith.ori %gt3A_664, %and3A_673 : vector<16xi1>
      %convert_element_type3A_675 = arith.extui %or3A_674 : vector<16xi1> to vector<16xi32>
      %broadcast_in_dim3A_676 = arith.constant true
      %broadcast_in_dim3A_677 = vector.broadcast %broadcast_in_dim3A_676 : i1 to vector<16xi1>
      %masked_cumsum3A_678 = tpu.scan <sum>, %convert_element_type3A_675 masked %broadcast_in_dim3A_677 : vector<16xi32>, vector<16xi1> -> vector<16xi32>
      %add3A_679 = arith.addi %add3A_661, %masked_cumsum3A_678 : vector<16xi32>
      %sub3A_680 = arith.subi %add3A_679, %convert_element_type3A_675 : vector<16xi32>
      %iota3A_681 = tpu.iota {dimensions = array<i32: 0>} : vector<16xi32>
      %add3A_682 = arith.constant 160 : i32
      %add3A_683 = vector.broadcast %add3A_682 : i32 to vector<16xi32>
      %add3A_684 = arith.addi %iota3A_681, %add3A_683 : vector<16xi32>
      tpu.vector_store_idx %arg5[%sub3A_680], %add3A_684 masked %or3A_674 : memref<128xi32, #tpu.memory_space<vmem>>[vector<16xi32>], vector<16xi32>, vector<16xi1>
      %all_reduce_population_count3A_685 = tpu.all_reduce %eq3A_665 {dim = 0 : i64, kind = #tpu.reduction_kind<sum>} : vector<16xi1> -> vector<16xi32>
      %add3A_686 = arith.addi %add3A_659, %all_reduce_population_count3A_685 : vector<16xi32>
      %all_reduce_population_count3A_687 = tpu.all_reduce %or3A_674 {dim = 0 : i64, kind = #tpu.reduction_kind<sum>} : vector<16xi1> -> vector<16xi32>
      %add3A_688 = arith.addi %add3A_661, %all_reduce_population_count3A_687 : vector<16xi32>
      %get3A_689 = arith.constant 176 : index
      %get3A_690 = tpu.vector_load %arg4[%get3A_689] {strides = array<i32>} : memref<512xi32, #tpu.memory_space<vmem>>, vector<16xi32>,
      %gt3A_691 = arith.cmpi sgt, %get3A_690, %scan3A_227 : vector<16xi32>
      %eq3A_692 = arith.cmpi eq, %get3A_690, %scan3A_227 : vector<16xi32>
      %convert_element_type3A_693 = arith.extui %eq3A_692 : vector<16xi1> to vector<16xi32>
      %broadcast_in_dim3A_694 = arith.constant true
      %broadcast_in_dim3A_695 = vector.broadcast %broadcast_in_dim3A_694 : i1 to vector<16xi1>
      %masked_cumsum3A_696 = tpu.scan <sum>, %convert_element_type3A_693 masked %broadcast_in_dim3A_695 : vector<16xi32>, vector<16xi1> -> vector<16xi32>
      %add3A_697 = arith.addi %add3A_686, %masked_cumsum3A_696 : vector<16xi32>
      %sub3A_698 = arith.subi %add3A_697, %convert_element_type3A_693 : vector<16xi32>
      %lt3A_699 = arith.cmpi slt, %sub3A_698, %sub3A_392 : vector<16xi32>
      %and3A_700 = arith.andi %eq3A_692, %lt3A_699 : vector<16xi1>
      %or3A_701 = arith.ori %gt3A_691, %and3A_700 : vector<16xi1>
      %convert_element_type3A_702 = arith.extui %or3A_701 : vector<16xi1> to vector<16xi32>
      %broadcast_in_dim3A_703 = arith.constant true
      %broadcast_in_dim3A_704 = vector.broadcast %broadcast_in_dim3A_703 : i1 to vector<16xi1>
      %masked_cumsum3A_705 = tpu.scan <sum>, %convert_element_type3A_702 masked %broadcast_in_dim3A_704 : vector<16xi32>, vector<16xi1> -> vector<16xi32>
      %add3A_706 = arith.addi %add3A_688, %masked_cumsum3A_705 : vector<16xi32>
      %sub3A_707 = arith.subi %add3A_706, %convert_element_type3A_702 : vector<16xi32>
      %iota3A_708 = tpu.iota {dimensions = array<i32: 0>} : vector<16xi32>
      %add3A_709 = arith.constant 176 : i32
      %add3A_710 = vector.broadcast %add3A_709 : i32 to vector<16xi32>
      %add3A_711 = arith.addi %iota3A_708, %add3A_710 : vector<16xi32>
      tpu.vector_store_idx %arg5[%sub3A_707], %add3A_711 masked %or3A_701 : memref<128xi32, #tpu.memory_space<vmem>>[vector<16xi32>], vector<16xi32>, vector<16xi1>
      %all_reduce_population_count3A_712 = tpu.all_reduce %eq3A_692 {dim = 0 : i64, kind = #tpu.reduction_kind<sum>} : vector<16xi1> -> vector<16xi32>
      %add3A_713 = arith.addi %add3A_686, %all_reduce_population_count3A_712 : vector<16xi32>
      %all_reduce_population_count3A_714 = tpu.all_reduce %or3A_701 {dim = 0 : i64, kind = #tpu.reduction_kind<sum>} : vector<16xi1> -> vector<16xi32>
      %add3A_715 = arith.addi %add3A_688, %all_reduce_population_count3A_714 : vector<16xi32>
      %get3A_716 = arith.constant 192 : index
      %get3A_717 = tpu.vector_load %arg4[%get3A_716] {strides = array<i32>} : memref<512xi32, #tpu.memory_space<vmem>>, vector<16xi32>,
      %gt3A_718 = arith.cmpi sgt, %get3A_717, %scan3A_227 : vector<16xi32>
      %eq3A_719 = arith.cmpi eq, %get3A_717, %scan3A_227 : vector<16xi32>
      %convert_element_type3A_720 = arith.extui %eq3A_719 : vector<16xi1> to vector<16xi32>
      %broadcast_in_dim3A_721 = arith.constant true
      %broadcast_in_dim3A_722 = vector.broadcast %broadcast_in_dim3A_721 : i1 to vector<16xi1>
      %masked_cumsum3A_723 = tpu.scan <sum>, %convert_element_type3A_720 masked %broadcast_in_dim3A_722 : vector<16xi32>, vector<16xi1> -> vector<16xi32>
      %add3A_724 = arith.addi %add3A_713, %masked_cumsum3A_723 : vector<16xi32>
      %sub3A_725 = arith.subi %add3A_724, %convert_element_type3A_720 : vector<16xi32>
      %lt3A_726 = arith.cmpi slt, %sub3A_725, %sub3A_392 : vector<16xi32>
      %and3A_727 = arith.andi %eq3A_719, %lt3A_726 : vector<16xi1>
      %or3A_728 = arith.ori %gt3A_718, %and3A_727 : vector<16xi1>
      %convert_element_type3A_729 = arith.extui %or3A_728 : vector<16xi1> to vector<16xi32>
      %broadcast_in_dim3A_730 = arith.constant true
      %broadcast_in_dim3A_731 = vector.broadcast %broadcast_in_dim3A_730 : i1 to vector<16xi1>
      %masked_cumsum3A_732 = tpu.scan <sum>, %convert_element_type3A_729 masked %broadcast_in_dim3A_731 : vector<16xi32>, vector<16xi1> -> vector<16xi32>
      %add3A_733 = arith.addi %add3A_715, %masked_cumsum3A_732 : vector<16xi32>
      %sub3A_734 = arith.subi %add3A_733, %convert_element_type3A_729 : vector<16xi32>
      %iota3A_735 = tpu.iota {dimensions = array<i32: 0>} : vector<16xi32>
      %add3A_736 = arith.constant 192 : i32
      %add3A_737 = vector.broadcast %add3A_736 : i32 to vector<16xi32>
      %add3A_738 = arith.addi %iota3A_735, %add3A_737 : vector<16xi32>
      tpu.vector_store_idx %arg5[%sub3A_734], %add3A_738 masked %or3A_728 : memref<128xi32, #tpu.memory_space<vmem>>[vector<16xi32>], vector<16xi32>, vector<16xi1>
      %all_reduce_population_count3A_739 = tpu.all_reduce %eq3A_719 {dim = 0 : i64, kind = #tpu.reduction_kind<sum>} : vector<16xi1> -> vector<16xi32>
      %add3A_740 = arith.addi %add3A_713, %all_reduce_population_count3A_739 : vector<16xi32>
      %all_reduce_population_count3A_741 = tpu.all_reduce %or3A_728 {dim = 0 : i64, kind = #tpu.reduction_kind<sum>} : vector<16xi1> -> vector<16xi32>
      %add3A_742 = arith.addi %add3A_715, %all_reduce_population_count3A_741 : vector<16xi32>
      %get3A_743 = arith.constant 208 : index
      %get3A_744 = tpu.vector_load %arg4[%get3A_743] {strides = array<i32>} : memref<512xi32, #tpu.memory_space<vmem>>, vector<16xi32>,
      %gt3A_745 = arith.cmpi sgt, %get3A_744, %scan3A_227 : vector<16xi32>
      %eq3A_746 = arith.cmpi eq, %get3A_744, %scan3A_227 : vector<16xi32>
      %convert_element_type3A_747 = arith.extui %eq3A_746 : vector<16xi1> to vector<16xi32>
      %broadcast_in_dim3A_748 = arith.constant true
      %broadcast_in_dim3A_749 = vector.broadcast %broadcast_in_dim3A_748 : i1 to vector<16xi1>
      %masked_cumsum3A_750 = tpu.scan <sum>, %convert_element_type3A_747 masked %broadcast_in_dim3A_749 : vector<16xi32>, vector<16xi1> -> vector<16xi32>
      %add3A_751 = arith.addi %add3A_740, %masked_cumsum3A_750 : vector<16xi32>
      %sub3A_752 = arith.subi %add3A_751, %convert_element_type3A_747 : vector<16xi32>
      %lt3A_753 = arith.cmpi slt, %sub3A_752, %sub3A_392 : vector<16xi32>
      %and3A_754 = arith.andi %eq3A_746, %lt3A_753 : vector<16xi1>
      %or3A_755 = arith.ori %gt3A_745, %and3A_754 : vector<16xi1>
      %convert_element_type3A_756 = arith.extui %or3A_755 : vector<16xi1> to vector<16xi32>
      %broadcast_in_dim3A_757 = arith.constant true
      %broadcast_in_dim3A_758 = vector.broadcast %broadcast_in_dim3A_757 : i1 to vector<16xi1>
      %masked_cumsum3A_759 = tpu.scan <sum>, %convert_element_type3A_756 masked %broadcast_in_dim3A_758 : vector<16xi32>, vector<16xi1> -> vector<16xi32>
      %add3A_760 = arith.addi %add3A_742, %masked_cumsum3A_759 : vector<16xi32>
      %sub3A_761 = arith.subi %add3A_760, %convert_element_type3A_756 : vector<16xi32>
      %iota3A_762 = tpu.iota {dimensions = array<i32: 0>} : vector<16xi32>
      %add3A_763 = arith.constant 208 : i32
      %add3A_764 = vector.broadcast %add3A_763 : i32 to vector<16xi32>
      %add3A_765 = arith.addi %iota3A_762, %add3A_764 : vector<16xi32>
      tpu.vector_store_idx %arg5[%sub3A_761], %add3A_765 masked %or3A_755 : memref<128xi32, #tpu.memory_space<vmem>>[vector<16xi32>], vector<16xi32>, vector<16xi1>
      %all_reduce_population_count3A_766 = tpu.all_reduce %eq3A_746 {dim = 0 : i64, kind = #tpu.reduction_kind<sum>} : vector<16xi1> -> vector<16xi32>
      %add3A_767 = arith.addi %add3A_740, %all_reduce_population_count3A_766 : vector<16xi32>
      %all_reduce_population_count3A_768 = tpu.all_reduce %or3A_755 {dim = 0 : i64, kind = #tpu.reduction_kind<sum>} : vector<16xi1> -> vector<16xi32>
      %add3A_769 = arith.addi %add3A_742, %all_reduce_population_count3A_768 : vector<16xi32>
      %get3A_770 = arith.constant 224 : index
      %get3A_771 = tpu.vector_load %arg4[%get3A_770] {strides = array<i32>} : memref<512xi32, #tpu.memory_space<vmem>>, vector<16xi32>,
      %gt3A_772 = arith.cmpi sgt, %get3A_771, %scan3A_227 : vector<16xi32>
      %eq3A_773 = arith.cmpi eq, %get3A_771, %scan3A_227 : vector<16xi32>
      %convert_element_type3A_774 = arith.extui %eq3A_773 : vector<16xi1> to vector<16xi32>
      %broadcast_in_dim3A_775 = arith.constant true
      %broadcast_in_dim3A_776 = vector.broadcast %broadcast_in_dim3A_775 : i1 to vector<16xi1>
      %masked_cumsum3A_777 = tpu.scan <sum>, %convert_element_type3A_774 masked %broadcast_in_dim3A_776 : vector<16xi32>, vector<16xi1> -> vector<16xi32>
      %add3A_778 = arith.addi %add3A_767, %masked_cumsum3A_777 : vector<16xi32>
      %sub3A_779 = arith.subi %add3A_778, %convert_element_type3A_774 : vector<16xi32>
      %lt3A_780 = arith.cmpi slt, %sub3A_779, %sub3A_392 : vector<16xi32>
      %and3A_781 = arith.andi %eq3A_773, %lt3A_780 : vector<16xi1>
      %or3A_782 = arith.ori %gt3A_772, %and3A_781 : vector<16xi1>
      %convert_element_type3A_783 = arith.extui %or3A_782 : vector<16xi1> to vector<16xi32>
      %broadcast_in_dim3A_784 = arith.constant true
      %broadcast_in_dim3A_785 = vector.broadcast %broadcast_in_dim3A_784 : i1 to vector<16xi1>
      %masked_cumsum3A_786 = tpu.scan <sum>, %convert_element_type3A_783 masked %broadcast_in_dim3A_785 : vector<16xi32>, vector<16xi1> -> vector<16xi32>
      %add3A_787 = arith.addi %add3A_769, %masked_cumsum3A_786 : vector<16xi32>
      %sub3A_788 = arith.subi %add3A_787, %convert_element_type3A_783 : vector<16xi32>
      %iota3A_789 = tpu.iota {dimensions = array<i32: 0>} : vector<16xi32>
      %add3A_790 = arith.constant 224 : i32
      %add3A_791 = vector.broadcast %add3A_790 : i32 to vector<16xi32>
      %add3A_792 = arith.addi %iota3A_789, %add3A_791 : vector<16xi32>
      tpu.vector_store_idx %arg5[%sub3A_788], %add3A_792 masked %or3A_782 : memref<128xi32, #tpu.memory_space<vmem>>[vector<16xi32>], vector<16xi32>, vector<16xi1>
      %all_reduce_population_count3A_793 = tpu.all_reduce %eq3A_773 {dim = 0 : i64, kind = #tpu.reduction_kind<sum>} : vector<16xi1> -> vector<16xi32>
      %add3A_794 = arith.addi %add3A_767, %all_reduce_population_count3A_793 : vector<16xi32>
      %all_reduce_population_count3A_795 = tpu.all_reduce %or3A_782 {dim = 0 : i64, kind = #tpu.reduction_kind<sum>} : vector<16xi1> -> vector<16xi32>
      %add3A_796 = arith.addi %add3A_769, %all_reduce_population_count3A_795 : vector<16xi32>
      %get3A_797 = arith.constant 240 : index
      %get3A_798 = tpu.vector_load %arg4[%get3A_797] {strides = array<i32>} : memref<512xi32, #tpu.memory_space<vmem>>, vector<16xi32>,
      %gt3A_799 = arith.cmpi sgt, %get3A_798, %scan3A_227 : vector<16xi32>
      %eq3A_800 = arith.cmpi eq, %get3A_798, %scan3A_227 : vector<16xi32>
      %convert_element_type3A_801 = arith.extui %eq3A_800 : vector<16xi1> to vector<16xi32>
      %broadcast_in_dim3A_802 = arith.constant true
      %broadcast_in_dim3A_803 = vector.broadcast %broadcast_in_dim3A_802 : i1 to vector<16xi1>
      %masked_cumsum3A_804 = tpu.scan <sum>, %convert_element_type3A_801 masked %broadcast_in_dim3A_803 : vector<16xi32>, vector<16xi1> -> vector<16xi32>
      %add3A_805 = arith.addi %add3A_794, %masked_cumsum3A_804 : vector<16xi32>
      %sub3A_806 = arith.subi %add3A_805, %convert_element_type3A_801 : vector<16xi32>
      %lt3A_807 = arith.cmpi slt, %sub3A_806, %sub3A_392 : vector<16xi32>
      %and3A_808 = arith.andi %eq3A_800, %lt3A_807 : vector<16xi1>
      %or3A_809 = arith.ori %gt3A_799, %and3A_808 : vector<16xi1>
      %convert_element_type3A_810 = arith.extui %or3A_809 : vector<16xi1> to vector<16xi32>
      %broadcast_in_dim3A_811 = arith.constant true
      %broadcast_in_dim3A_812 = vector.broadcast %broadcast_in_dim3A_811 : i1 to vector<16xi1>
      %masked_cumsum3A_813 = tpu.scan <sum>, %convert_element_type3A_810 masked %broadcast_in_dim3A_812 : vector<16xi32>, vector<16xi1> -> vector<16xi32>
      %add3A_814 = arith.addi %add3A_796, %masked_cumsum3A_813 : vector<16xi32>
      %sub3A_815 = arith.subi %add3A_814, %convert_element_type3A_810 : vector<16xi32>
      %iota3A_816 = tpu.iota {dimensions = array<i32: 0>} : vector<16xi32>
      %add3A_817 = arith.constant 240 : i32
      %add3A_818 = vector.broadcast %add3A_817 : i32 to vector<16xi32>
      %add3A_819 = arith.addi %iota3A_816, %add3A_818 : vector<16xi32>
      tpu.vector_store_idx %arg5[%sub3A_815], %add3A_819 masked %or3A_809 : memref<128xi32, #tpu.memory_space<vmem>>[vector<16xi32>], vector<16xi32>, vector<16xi1>
      %all_reduce_population_count3A_820 = tpu.all_reduce %eq3A_800 {dim = 0 : i64, kind = #tpu.reduction_kind<sum>} : vector<16xi1> -> vector<16xi32>
      %add3A_821 = arith.addi %add3A_794, %all_reduce_population_count3A_820 : vector<16xi32>
      %all_reduce_population_count3A_822 = tpu.all_reduce %or3A_809 {dim = 0 : i64, kind = #tpu.reduction_kind<sum>} : vector<16xi1> -> vector<16xi32>
      %add3A_823 = arith.addi %add3A_796, %all_reduce_population_count3A_822 : vector<16xi32>
      %get3A_824 = arith.constant 256 : index
      %get3A_825 = tpu.vector_load %arg4[%get3A_824] {strides = array<i32>} : memref<512xi32, #tpu.memory_space<vmem>>, vector<16xi32>,
      %gt3A_826 = arith.cmpi sgt, %get3A_825, %scan3A_227 : vector<16xi32>
      %eq3A_827 = arith.cmpi eq, %get3A_825, %scan3A_227 : vector<16xi32>
      %convert_element_type3A_828 = arith.extui %eq3A_827 : vector<16xi1> to vector<16xi32>
      %broadcast_in_dim3A_829 = arith.constant true
      %broadcast_in_dim3A_830 = vector.broadcast %broadcast_in_dim3A_829 : i1 to vector<16xi1>
      %masked_cumsum3A_831 = tpu.scan <sum>, %convert_element_type3A_828 masked %broadcast_in_dim3A_830 : vector<16xi32>, vector<16xi1> -> vector<16xi32>
      %add3A_832 = arith.addi %add3A_821, %masked_cumsum3A_831 : vector<16xi32>
      %sub3A_833 = arith.subi %add3A_832, %convert_element_type3A_828 : vector<16xi32>
      %lt3A_834 = arith.cmpi slt, %sub3A_833, %sub3A_392 : vector<16xi32>
      %and3A_835 = arith.andi %eq3A_827, %lt3A_834 : vector<16xi1>
      %or3A_836 = arith.ori %gt3A_826, %and3A_835 : vector<16xi1>
      %convert_element_type3A_837 = arith.extui %or3A_836 : vector<16xi1> to vector<16xi32>
      %broadcast_in_dim3A_838 = arith.constant true
      %broadcast_in_dim3A_839 = vector.broadcast %broadcast_in_dim3A_838 : i1 to vector<16xi1>
      %masked_cumsum3A_840 = tpu.scan <sum>, %convert_element_type3A_837 masked %broadcast_in_dim3A_839 : vector<16xi32>, vector<16xi1> -> vector<16xi32>
      %add3A_841 = arith.addi %add3A_823, %masked_cumsum3A_840 : vector<16xi32>
      %sub3A_842 = arith.subi %add3A_841, %convert_element_type3A_837 : vector<16xi32>
      %iota3A_843 = tpu.iota {dimensions = array<i32: 0>} : vector<16xi32>
      %add3A_844 = arith.constant 256 : i32
      %add3A_845 = vector.broadcast %add3A_844 : i32 to vector<16xi32>
      %add3A_846 = arith.addi %iota3A_843, %add3A_845 : vector<16xi32>
      tpu.vector_store_idx %arg5[%sub3A_842], %add3A_846 masked %or3A_836 : memref<128xi32, #tpu.memory_space<vmem>>[vector<16xi32>], vector<16xi32>, vector<16xi1>
      %all_reduce_population_count3A_847 = tpu.all_reduce %eq3A_827 {dim = 0 : i64, kind = #tpu.reduction_kind<sum>} : vector<16xi1> -> vector<16xi32>
      %add3A_848 = arith.addi %add3A_821, %all_reduce_population_count3A_847 : vector<16xi32>
      %all_reduce_population_count3A_849 = tpu.all_reduce %or3A_836 {dim = 0 : i64, kind = #tpu.reduction_kind<sum>} : vector<16xi1> -> vector<16xi32>
      %add3A_850 = arith.addi %add3A_823, %all_reduce_population_count3A_849 : vector<16xi32>
      %get3A_851 = arith.constant 272 : index
      %get3A_852 = tpu.vector_load %arg4[%get3A_851] {strides = array<i32>} : memref<512xi32, #tpu.memory_space<vmem>>, vector<16xi32>,
      %gt3A_853 = arith.cmpi sgt, %get3A_852, %scan3A_227 : vector<16xi32>
      %eq3A_854 = arith.cmpi eq, %get3A_852, %scan3A_227 : vector<16xi32>
      %convert_element_type3A_855 = arith.extui %eq3A_854 : vector<16xi1> to vector<16xi32>
      %broadcast_in_dim3A_856 = arith.constant true
      %broadcast_in_dim3A_857 = vector.broadcast %broadcast_in_dim3A_856 : i1 to vector<16xi1>
      %masked_cumsum3A_858 = tpu.scan <sum>, %convert_element_type3A_855 masked %broadcast_in_dim3A_857 : vector<16xi32>, vector<16xi1> -> vector<16xi32>
      %add3A_859 = arith.addi %add3A_848, %masked_cumsum3A_858 : vector<16xi32>
      %sub3A_860 = arith.subi %add3A_859, %convert_element_type3A_855 : vector<16xi32>
      %lt3A_861 = arith.cmpi slt, %sub3A_860, %sub3A_392 : vector<16xi32>
      %and3A_862 = arith.andi %eq3A_854, %lt3A_861 : vector<16xi1>
      %or3A_863 = arith.ori %gt3A_853, %and3A_862 : vector<16xi1>
      %convert_element_type3A_864 = arith.extui %or3A_863 : vector<16xi1> to vector<16xi32>
      %broadcast_in_dim3A_865 = arith.constant true
      %broadcast_in_dim3A_866 = vector.broadcast %broadcast_in_dim3A_865 : i1 to vector<16xi1>
      %masked_cumsum3A_867 = tpu.scan <sum>, %convert_element_type3A_864 masked %broadcast_in_dim3A_866 : vector<16xi32>, vector<16xi1> -> vector<16xi32>
      %add3A_868 = arith.addi %add3A_850, %masked_cumsum3A_867 : vector<16xi32>
      %sub3A_869 = arith.subi %add3A_868, %convert_element_type3A_864 : vector<16xi32>
      %iota3A_870 = tpu.iota {dimensions = array<i32: 0>} : vector<16xi32>
      %add3A_871 = arith.constant 272 : i32
      %add3A_872 = vector.broadcast %add3A_871 : i32 to vector<16xi32>
      %add3A_873 = arith.addi %iota3A_870, %add3A_872 : vector<16xi32>
      tpu.vector_store_idx %arg5[%sub3A_869], %add3A_873 masked %or3A_863 : memref<128xi32, #tpu.memory_space<vmem>>[vector<16xi32>], vector<16xi32>, vector<16xi1>
      %all_reduce_population_count3A_874 = tpu.all_reduce %eq3A_854 {dim = 0 : i64, kind = #tpu.reduction_kind<sum>} : vector<16xi1> -> vector<16xi32>
      %add3A_875 = arith.addi %add3A_848, %all_reduce_population_count3A_874 : vector<16xi32>
      %all_reduce_population_count3A_876 = tpu.all_reduce %or3A_863 {dim = 0 : i64, kind = #tpu.reduction_kind<sum>} : vector<16xi1> -> vector<16xi32>
      %add3A_877 = arith.addi %add3A_850, %all_reduce_population_count3A_876 : vector<16xi32>
      %get3A_878 = arith.constant 288 : index
      %get3A_879 = tpu.vector_load %arg4[%get3A_878] {strides = array<i32>} : memref<512xi32, #tpu.memory_space<vmem>>, vector<16xi32>,
      %gt3A_880 = arith.cmpi sgt, %get3A_879, %scan3A_227 : vector<16xi32>
      %eq3A_881 = arith.cmpi eq, %get3A_879, %scan3A_227 : vector<16xi32>
      %convert_element_type3A_882 = arith.extui %eq3A_881 : vector<16xi1> to vector<16xi32>
      %broadcast_in_dim3A_883 = arith.constant true
      %broadcast_in_dim3A_884 = vector.broadcast %broadcast_in_dim3A_883 : i1 to vector<16xi1>
      %masked_cumsum3A_885 = tpu.scan <sum>, %convert_element_type3A_882 masked %broadcast_in_dim3A_884 : vector<16xi32>, vector<16xi1> -> vector<16xi32>
      %add3A_886 = arith.addi %add3A_875, %masked_cumsum3A_885 : vector<16xi32>
      %sub3A_887 = arith.subi %add3A_886, %convert_element_type3A_882 : vector<16xi32>
      %lt3A_888 = arith.cmpi slt, %sub3A_887, %sub3A_392 : vector<16xi32>
      %and3A_889 = arith.andi %eq3A_881, %lt3A_888 : vector<16xi1>
      %or3A_890 = arith.ori %gt3A_880, %and3A_889 : vector<16xi1>
      %convert_element_type3A_891 = arith.extui %or3A_890 : vector<16xi1> to vector<16xi32>
      %broadcast_in_dim3A_892 = arith.constant true
      %broadcast_in_dim3A_893 = vector.broadcast %broadcast_in_dim3A_892 : i1 to vector<16xi1>
      %masked_cumsum3A_894 = tpu.scan <sum>, %convert_element_type3A_891 masked %broadcast_in_dim3A_893 : vector<16xi32>, vector<16xi1> -> vector<16xi32>
      %add3A_895 = arith.addi %add3A_877, %masked_cumsum3A_894 : vector<16xi32>
      %sub3A_896 = arith.subi %add3A_895, %convert_element_type3A_891 : vector<16xi32>
      %iota3A_897 = tpu.iota {dimensions = array<i32: 0>} : vector<16xi32>
      %add3A_898 = arith.constant 288 : i32
      %add3A_899 = vector.broadcast %add3A_898 : i32 to vector<16xi32>
      %add3A_900 = arith.addi %iota3A_897, %add3A_899 : vector<16xi32>
      tpu.vector_store_idx %arg5[%sub3A_896], %add3A_900 masked %or3A_890 : memref<128xi32, #tpu.memory_space<vmem>>[vector<16xi32>], vector<16xi32>, vector<16xi1>
      %all_reduce_population_count3A_901 = tpu.all_reduce %eq3A_881 {dim = 0 : i64, kind = #tpu.reduction_kind<sum>} : vector<16xi1> -> vector<16xi32>
      %add3A_902 = arith.addi %add3A_875, %all_reduce_population_count3A_901 : vector<16xi32>
      %all_reduce_population_count3A_903 = tpu.all_reduce %or3A_890 {dim = 0 : i64, kind = #tpu.reduction_kind<sum>} : vector<16xi1> -> vector<16xi32>
      %add3A_904 = arith.addi %add3A_877, %all_reduce_population_count3A_903 : vector<16xi32>
      %get3A_905 = arith.constant 304 : index
      %get3A_906 = tpu.vector_load %arg4[%get3A_905] {strides = array<i32>} : memref<512xi32, #tpu.memory_space<vmem>>, vector<16xi32>,
      %gt3A_907 = arith.cmpi sgt, %get3A_906, %scan3A_227 : vector<16xi32>
      %eq3A_908 = arith.cmpi eq, %get3A_906, %scan3A_227 : vector<16xi32>
      %convert_element_type3A_909 = arith.extui %eq3A_908 : vector<16xi1> to vector<16xi32>
      %broadcast_in_dim3A_910 = arith.constant true
      %broadcast_in_dim3A_911 = vector.broadcast %broadcast_in_dim3A_910 : i1 to vector<16xi1>
      %masked_cumsum3A_912 = tpu.scan <sum>, %convert_element_type3A_909 masked %broadcast_in_dim3A_911 : vector<16xi32>, vector<16xi1> -> vector<16xi32>
      %add3A_913 = arith.addi %add3A_902, %masked_cumsum3A_912 : vector<16xi32>
      %sub3A_914 = arith.subi %add3A_913, %convert_element_type3A_909 : vector<16xi32>
      %lt3A_915 = arith.cmpi slt, %sub3A_914, %sub3A_392 : vector<16xi32>
      %and3A_916 = arith.andi %eq3A_908, %lt3A_915 : vector<16xi1>
      %or3A_917 = arith.ori %gt3A_907, %and3A_916 : vector<16xi1>
      %convert_element_type3A_918 = arith.extui %or3A_917 : vector<16xi1> to vector<16xi32>
      %broadcast_in_dim3A_919 = arith.constant true
      %broadcast_in_dim3A_920 = vector.broadcast %broadcast_in_dim3A_919 : i1 to vector<16xi1>
      %masked_cumsum3A_921 = tpu.scan <sum>, %convert_element_type3A_918 masked %broadcast_in_dim3A_920 : vector<16xi32>, vector<16xi1> -> vector<16xi32>
      %add3A_922 = arith.addi %add3A_904, %masked_cumsum3A_921 : vector<16xi32>
      %sub3A_923 = arith.subi %add3A_922, %convert_element_type3A_918 : vector<16xi32>
      %iota3A_924 = tpu.iota {dimensions = array<i32: 0>} : vector<16xi32>
      %add3A_925 = arith.constant 304 : i32
      %add3A_926 = vector.broadcast %add3A_925 : i32 to vector<16xi32>
      %add3A_927 = arith.addi %iota3A_924, %add3A_926 : vector<16xi32>
      tpu.vector_store_idx %arg5[%sub3A_923], %add3A_927 masked %or3A_917 : memref<128xi32, #tpu.memory_space<vmem>>[vector<16xi32>], vector<16xi32>, vector<16xi1>
      %all_reduce_population_count3A_928 = tpu.all_reduce %eq3A_908 {dim = 0 : i64, kind = #tpu.reduction_kind<sum>} : vector<16xi1> -> vector<16xi32>
      %add3A_929 = arith.addi %add3A_902, %all_reduce_population_count3A_928 : vector<16xi32>
      %all_reduce_population_count3A_930 = tpu.all_reduce %or3A_917 {dim = 0 : i64, kind = #tpu.reduction_kind<sum>} : vector<16xi1> -> vector<16xi32>
      %add3A_931 = arith.addi %add3A_904, %all_reduce_population_count3A_930 : vector<16xi32>
      %get3A_932 = arith.constant 320 : index
      %get3A_933 = tpu.vector_load %arg4[%get3A_932] {strides = array<i32>} : memref<512xi32, #tpu.memory_space<vmem>>, vector<16xi32>,
      %gt3A_934 = arith.cmpi sgt, %get3A_933, %scan3A_227 : vector<16xi32>
      %eq3A_935 = arith.cmpi eq, %get3A_933, %scan3A_227 : vector<16xi32>
      %convert_element_type3A_936 = arith.extui %eq3A_935 : vector<16xi1> to vector<16xi32>
      %broadcast_in_dim3A_937 = arith.constant true
      %broadcast_in_dim3A_938 = vector.broadcast %broadcast_in_dim3A_937 : i1 to vector<16xi1>
      %masked_cumsum3A_939 = tpu.scan <sum>, %convert_element_type3A_936 masked %broadcast_in_dim3A_938 : vector<16xi32>, vector<16xi1> -> vector<16xi32>
      %add3A_940 = arith.addi %add3A_929, %masked_cumsum3A_939 : vector<16xi32>
      %sub3A_941 = arith.subi %add3A_940, %convert_element_type3A_936 : vector<16xi32>
      %lt3A_942 = arith.cmpi slt, %sub3A_941, %sub3A_392 : vector<16xi32>
      %and3A_943 = arith.andi %eq3A_935, %lt3A_942 : vector<16xi1>
      %or3A_944 = arith.ori %gt3A_934, %and3A_943 : vector<16xi1>
      %convert_element_type3A_945 = arith.extui %or3A_944 : vector<16xi1> to vector<16xi32>
      %broadcast_in_dim3A_946 = arith.constant true
      %broadcast_in_dim3A_947 = vector.broadcast %broadcast_in_dim3A_946 : i1 to vector<16xi1>
      %masked_cumsum3A_948 = tpu.scan <sum>, %convert_element_type3A_945 masked %broadcast_in_dim3A_947 : vector<16xi32>, vector<16xi1> -> vector<16xi32>
      %add3A_949 = arith.addi %add3A_931, %masked_cumsum3A_948 : vector<16xi32>
      %sub3A_950 = arith.subi %add3A_949, %convert_element_type3A_945 : vector<16xi32>
      %iota3A_951 = tpu.iota {dimensions = array<i32: 0>} : vector<16xi32>
      %add3A_952 = arith.constant 320 : i32
      %add3A_953 = vector.broadcast %add3A_952 : i32 to vector<16xi32>
      %add3A_954 = arith.addi %iota3A_951, %add3A_953 : vector<16xi32>
      tpu.vector_store_idx %arg5[%sub3A_950], %add3A_954 masked %or3A_944 : memref<128xi32, #tpu.memory_space<vmem>>[vector<16xi32>], vector<16xi32>, vector<16xi1>
      %all_reduce_population_count3A_955 = tpu.all_reduce %eq3A_935 {dim = 0 : i64, kind = #tpu.reduction_kind<sum>} : vector<16xi1> -> vector<16xi32>
      %add3A_956 = arith.addi %add3A_929, %all_reduce_population_count3A_955 : vector<16xi32>
      %all_reduce_population_count3A_957 = tpu.all_reduce %or3A_944 {dim = 0 : i64, kind = #tpu.reduction_kind<sum>} : vector<16xi1> -> vector<16xi32>
      %add3A_958 = arith.addi %add3A_931, %all_reduce_population_count3A_957 : vector<16xi32>
      %get3A_959 = arith.constant 336 : index
      %get3A_960 = tpu.vector_load %arg4[%get3A_959] {strides = array<i32>} : memref<512xi32, #tpu.memory_space<vmem>>, vector<16xi32>,
      %gt3A_961 = arith.cmpi sgt, %get3A_960, %scan3A_227 : vector<16xi32>
      %eq3A_962 = arith.cmpi eq, %get3A_960, %scan3A_227 : vector<16xi32>
      %convert_element_type3A_963 = arith.extui %eq3A_962 : vector<16xi1> to vector<16xi32>
      %broadcast_in_dim3A_964 = arith.constant true
      %broadcast_in_dim3A_965 = vector.broadcast %broadcast_in_dim3A_964 : i1 to vector<16xi1>
      %masked_cumsum3A_966 = tpu.scan <sum>, %convert_element_type3A_963 masked %broadcast_in_dim3A_965 : vector<16xi32>, vector<16xi1> -> vector<16xi32>
      %add3A_967 = arith.addi %add3A_956, %masked_cumsum3A_966 : vector<16xi32>
      %sub3A_968 = arith.subi %add3A_967, %convert_element_type3A_963 : vector<16xi32>
      %lt3A_969 = arith.cmpi slt, %sub3A_968, %sub3A_392 : vector<16xi32>
      %and3A_970 = arith.andi %eq3A_962, %lt3A_969 : vector<16xi1>
      %or3A_971 = arith.ori %gt3A_961, %and3A_970 : vector<16xi1>
      %convert_element_type3A_972 = arith.extui %or3A_971 : vector<16xi1> to vector<16xi32>
      %broadcast_in_dim3A_973 = arith.constant true
      %broadcast_in_dim3A_974 = vector.broadcast %broadcast_in_dim3A_973 : i1 to vector<16xi1>
      %masked_cumsum3A_975 = tpu.scan <sum>, %convert_element_type3A_972 masked %broadcast_in_dim3A_974 : vector<16xi32>, vector<16xi1> -> vector<16xi32>
      %add3A_976 = arith.addi %add3A_958, %masked_cumsum3A_975 : vector<16xi32>
      %sub3A_977 = arith.subi %add3A_976, %convert_element_type3A_972 : vector<16xi32>
      %iota3A_978 = tpu.iota {dimensions = array<i32: 0>} : vector<16xi32>
      %add3A_979 = arith.constant 336 : i32
      %add3A_980 = vector.broadcast %add3A_979 : i32 to vector<16xi32>
      %add3A_981 = arith.addi %iota3A_978, %add3A_980 : vector<16xi32>
      tpu.vector_store_idx %arg5[%sub3A_977], %add3A_981 masked %or3A_971 : memref<128xi32, #tpu.memory_space<vmem>>[vector<16xi32>], vector<16xi32>, vector<16xi1>
      %all_reduce_population_count3A_982 = tpu.all_reduce %eq3A_962 {dim = 0 : i64, kind = #tpu.reduction_kind<sum>} : vector<16xi1> -> vector<16xi32>
      %add3A_983 = arith.addi %add3A_956, %all_reduce_population_count3A_982 : vector<16xi32>
      %all_reduce_population_count3A_984 = tpu.all_reduce %or3A_971 {dim = 0 : i64, kind = #tpu.reduction_kind<sum>} : vector<16xi1> -> vector<16xi32>
      %add3A_985 = arith.addi %add3A_958, %all_reduce_population_count3A_984 : vector<16xi32>
      %get3A_986 = arith.constant 352 : index
      %get3A_987 = tpu.vector_load %arg4[%get3A_986] {strides = array<i32>} : memref<512xi32, #tpu.memory_space<vmem>>, vector<16xi32>,
      %gt3A_988 = arith.cmpi sgt, %get3A_987, %scan3A_227 : vector<16xi32>
      %eq3A_989 = arith.cmpi eq, %get3A_987, %scan3A_227 : vector<16xi32>
      %convert_element_type3A_990 = arith.extui %eq3A_989 : vector<16xi1> to vector<16xi32>
      %broadcast_in_dim3A_991 = arith.constant true
      %broadcast_in_dim3A_992 = vector.broadcast %broadcast_in_dim3A_991 : i1 to vector<16xi1>
      %masked_cumsum3A_993 = tpu.scan <sum>, %convert_element_type3A_990 masked %broadcast_in_dim3A_992 : vector<16xi32>, vector<16xi1> -> vector<16xi32>
      %add3A_994 = arith.addi %add3A_983, %masked_cumsum3A_993 : vector<16xi32>
      %sub3A_995 = arith.subi %add3A_994, %convert_element_type3A_990 : vector<16xi32>
      %lt3A_996 = arith.cmpi slt, %sub3A_995, %sub3A_392 : vector<16xi32>
      %and3A_997 = arith.andi %eq3A_989, %lt3A_996 : vector<16xi1>
      %or3A_998 = arith.ori %gt3A_988, %and3A_997 : vector<16xi1>
      %convert_element_type3A_999 = arith.extui %or3A_998 : vector<16xi1> to vector<16xi32>
      %broadcast_in_dim3A_1000 = arith.constant true
      %broadcast_in_dim3A_1001 = vector.broadcast %broadcast_in_dim3A_1000 : i1 to vector<16xi1>
      %masked_cumsum3A_1002 = tpu.scan <sum>, %convert_element_type3A_999 masked %broadcast_in_dim3A_1001 : vector<16xi32>, vector<16xi1> -> vector<16xi32>
      %add3A_1003 = arith.addi %add3A_985, %masked_cumsum3A_1002 : vector<16xi32>
      %sub3A_1004 = arith.subi %add3A_1003, %convert_element_type3A_999 : vector<16xi32>
      %iota3A_1005 = tpu.iota {dimensions = array<i32: 0>} : vector<16xi32>
      %add3A_1006 = arith.constant 352 : i32
      %add3A_1007 = vector.broadcast %add3A_1006 : i32 to vector<16xi32>
      %add3A_1008 = arith.addi %iota3A_1005, %add3A_1007 : vector<16xi32>
      tpu.vector_store_idx %arg5[%sub3A_1004], %add3A_1008 masked %or3A_998 : memref<128xi32, #tpu.memory_space<vmem>>[vector<16xi32>], vector<16xi32>, vector<16xi1>
      %all_reduce_population_count3A_1009 = tpu.all_reduce %eq3A_989 {dim = 0 : i64, kind = #tpu.reduction_kind<sum>} : vector<16xi1> -> vector<16xi32>
      %add3A_1010 = arith.addi %add3A_983, %all_reduce_population_count3A_1009 : vector<16xi32>
      %all_reduce_population_count3A_1011 = tpu.all_reduce %or3A_998 {dim = 0 : i64, kind = #tpu.reduction_kind<sum>} : vector<16xi1> -> vector<16xi32>
      %add3A_1012 = arith.addi %add3A_985, %all_reduce_population_count3A_1011 : vector<16xi32>
      %get3A_1013 = arith.constant 368 : index
      %get3A_1014 = tpu.vector_load %arg4[%get3A_1013] {strides = array<i32>} : memref<512xi32, #tpu.memory_space<vmem>>, vector<16xi32>,
      %gt3A_1015 = arith.cmpi sgt, %get3A_1014, %scan3A_227 : vector<16xi32>
      %eq3A_1016 = arith.cmpi eq, %get3A_1014, %scan3A_227 : vector<16xi32>
      %convert_element_type3A_1017 = arith.extui %eq3A_1016 : vector<16xi1> to vector<16xi32>
      %broadcast_in_dim3A_1018 = arith.constant true
      %broadcast_in_dim3A_1019 = vector.broadcast %broadcast_in_dim3A_1018 : i1 to vector<16xi1>
      %masked_cumsum3A_1020 = tpu.scan <sum>, %convert_element_type3A_1017 masked %broadcast_in_dim3A_1019 : vector<16xi32>, vector<16xi1> -> vector<16xi32>
      %add3A_1021 = arith.addi %add3A_1010, %masked_cumsum3A_1020 : vector<16xi32>
      %sub3A_1022 = arith.subi %add3A_1021, %convert_element_type3A_1017 : vector<16xi32>
      %lt3A_1023 = arith.cmpi slt, %sub3A_1022, %sub3A_392 : vector<16xi32>
      %and3A_1024 = arith.andi %eq3A_1016, %lt3A_1023 : vector<16xi1>
      %or3A_1025 = arith.ori %gt3A_1015, %and3A_1024 : vector<16xi1>
      %convert_element_type3A_1026 = arith.extui %or3A_1025 : vector<16xi1> to vector<16xi32>
      %broadcast_in_dim3A_1027 = arith.constant true
      %broadcast_in_dim3A_1028 = vector.broadcast %broadcast_in_dim3A_1027 : i1 to vector<16xi1>
      %masked_cumsum3A_1029 = tpu.scan <sum>, %convert_element_type3A_1026 masked %broadcast_in_dim3A_1028 : vector<16xi32>, vector<16xi1> -> vector<16xi32>
      %add3A_1030 = arith.addi %add3A_1012, %masked_cumsum3A_1029 : vector<16xi32>
      %sub3A_1031 = arith.subi %add3A_1030, %convert_element_type3A_1026 : vector<16xi32>
      %iota3A_1032 = tpu.iota {dimensions = array<i32: 0>} : vector<16xi32>
      %add3A_1033 = arith.constant 368 : i32
      %add3A_1034 = vector.broadcast %add3A_1033 : i32 to vector<16xi32>
      %add3A_1035 = arith.addi %iota3A_1032, %add3A_1034 : vector<16xi32>
      tpu.vector_store_idx %arg5[%sub3A_1031], %add3A_1035 masked %or3A_1025 : memref<128xi32, #tpu.memory_space<vmem>>[vector<16xi32>], vector<16xi32>, vector<16xi1>
      %all_reduce_population_count3A_1036 = tpu.all_reduce %eq3A_1016 {dim = 0 : i64, kind = #tpu.reduction_kind<sum>} : vector<16xi1> -> vector<16xi32>
      %add3A_1037 = arith.addi %add3A_1010, %all_reduce_population_count3A_1036 : vector<16xi32>
      %all_reduce_population_count3A_1038 = tpu.all_reduce %or3A_1025 {dim = 0 : i64, kind = #tpu.reduction_kind<sum>} : vector<16xi1> -> vector<16xi32>
      %add3A_1039 = arith.addi %add3A_1012, %all_reduce_population_count3A_1038 : vector<16xi32>
      %get3A_1040 = arith.constant 384 : index
      %get3A_1041 = tpu.vector_load %arg4[%get3A_1040] {strides = array<i32>} : memref<512xi32, #tpu.memory_space<vmem>>, vector<16xi32>,
      %gt3A_1042 = arith.cmpi sgt, %get3A_1041, %scan3A_227 : vector<16xi32>
      %eq3A_1043 = arith.cmpi eq, %get3A_1041, %scan3A_227 : vector<16xi32>
      %convert_element_type3A_1044 = arith.extui %eq3A_1043 : vector<16xi1> to vector<16xi32>
      %broadcast_in_dim3A_1045 = arith.constant true
      %broadcast_in_dim3A_1046 = vector.broadcast %broadcast_in_dim3A_1045 : i1 to vector<16xi1>
      %masked_cumsum3A_1047 = tpu.scan <sum>, %convert_element_type3A_1044 masked %broadcast_in_dim3A_1046 : vector<16xi32>, vector<16xi1> -> vector<16xi32>
      %add3A_1048 = arith.addi %add3A_1037, %masked_cumsum3A_1047 : vector<16xi32>
      %sub3A_1049 = arith.subi %add3A_1048, %convert_element_type3A_1044 : vector<16xi32>
      %lt3A_1050 = arith.cmpi slt, %sub3A_1049, %sub3A_392 : vector<16xi32>
      %and3A_1051 = arith.andi %eq3A_1043, %lt3A_1050 : vector<16xi1>
      %or3A_1052 = arith.ori %gt3A_1042, %and3A_1051 : vector<16xi1>
      %convert_element_type3A_1053 = arith.extui %or3A_1052 : vector<16xi1> to vector<16xi32>
      %broadcast_in_dim3A_1054 = arith.constant true
      %broadcast_in_dim3A_1055 = vector.broadcast %broadcast_in_dim3A_1054 : i1 to vector<16xi1>
      %masked_cumsum3A_1056 = tpu.scan <sum>, %convert_element_type3A_1053 masked %broadcast_in_dim3A_1055 : vector<16xi32>, vector<16xi1> -> vector<16xi32>
      %add3A_1057 = arith.addi %add3A_1039, %masked_cumsum3A_1056 : vector<16xi32>
      %sub3A_1058 = arith.subi %add3A_1057, %convert_element_type3A_1053 : vector<16xi32>
      %iota3A_1059 = tpu.iota {dimensions = array<i32: 0>} : vector<16xi32>
      %add3A_1060 = arith.constant 384 : i32
      %add3A_1061 = vector.broadcast %add3A_1060 : i32 to vector<16xi32>
      %add3A_1062 = arith.addi %iota3A_1059, %add3A_1061 : vector<16xi32>
      tpu.vector_store_idx %arg5[%sub3A_1058], %add3A_1062 masked %or3A_1052 : memref<128xi32, #tpu.memory_space<vmem>>[vector<16xi32>], vector<16xi32>, vector<16xi1>
      %all_reduce_population_count3A_1063 = tpu.all_reduce %eq3A_1043 {dim = 0 : i64, kind = #tpu.reduction_kind<sum>} : vector<16xi1> -> vector<16xi32>
      %add3A_1064 = arith.addi %add3A_1037, %all_reduce_population_count3A_1063 : vector<16xi32>
      %all_reduce_population_count3A_1065 = tpu.all_reduce %or3A_1052 {dim = 0 : i64, kind = #tpu.reduction_kind<sum>} : vector<16xi1> -> vector<16xi32>
      %add3A_1066 = arith.addi %add3A_1039, %all_reduce_population_count3A_1065 : vector<16xi32>
      %get3A_1067 = arith.constant 400 : index
      %get3A_1068 = tpu.vector_load %arg4[%get3A_1067] {strides = array<i32>} : memref<512xi32, #tpu.memory_space<vmem>>, vector<16xi32>,
      %gt3A_1069 = arith.cmpi sgt, %get3A_1068, %scan3A_227 : vector<16xi32>
      %eq3A_1070 = arith.cmpi eq, %get3A_1068, %scan3A_227 : vector<16xi32>
      %convert_element_type3A_1071 = arith.extui %eq3A_1070 : vector<16xi1> to vector<16xi32>
      %broadcast_in_dim3A_1072 = arith.constant true
      %broadcast_in_dim3A_1073 = vector.broadcast %broadcast_in_dim3A_1072 : i1 to vector<16xi1>
      %masked_cumsum3A_1074 = tpu.scan <sum>, %convert_element_type3A_1071 masked %broadcast_in_dim3A_1073 : vector<16xi32>, vector<16xi1> -> vector<16xi32>
      %add3A_1075 = arith.addi %add3A_1064, %masked_cumsum3A_1074 : vector<16xi32>
      %sub3A_1076 = arith.subi %add3A_1075, %convert_element_type3A_1071 : vector<16xi32>
      %lt3A_1077 = arith.cmpi slt, %sub3A_1076, %sub3A_392 : vector<16xi32>
      %and3A_1078 = arith.andi %eq3A_1070, %lt3A_1077 : vector<16xi1>
      %or3A_1079 = arith.ori %gt3A_1069, %and3A_1078 : vector<16xi1>
      %convert_element_type3A_1080 = arith.extui %or3A_1079 : vector<16xi1> to vector<16xi32>
      %broadcast_in_dim3A_1081 = arith.constant true
      %broadcast_in_dim3A_1082 = vector.broadcast %broadcast_in_dim3A_1081 : i1 to vector<16xi1>
      %masked_cumsum3A_1083 = tpu.scan <sum>, %convert_element_type3A_1080 masked %broadcast_in_dim3A_1082 : vector<16xi32>, vector<16xi1> -> vector<16xi32>
      %add3A_1084 = arith.addi %add3A_1066, %masked_cumsum3A_1083 : vector<16xi32>
      %sub3A_1085 = arith.subi %add3A_1084, %convert_element_type3A_1080 : vector<16xi32>
      %iota3A_1086 = tpu.iota {dimensions = array<i32: 0>} : vector<16xi32>
      %add3A_1087 = arith.constant 400 : i32
      %add3A_1088 = vector.broadcast %add3A_1087 : i32 to vector<16xi32>
      %add3A_1089 = arith.addi %iota3A_1086, %add3A_1088 : vector<16xi32>
      tpu.vector_store_idx %arg5[%sub3A_1085], %add3A_1089 masked %or3A_1079 : memref<128xi32, #tpu.memory_space<vmem>>[vector<16xi32>], vector<16xi32>, vector<16xi1>
      %all_reduce_population_count3A_1090 = tpu.all_reduce %eq3A_1070 {dim = 0 : i64, kind = #tpu.reduction_kind<sum>} : vector<16xi1> -> vector<16xi32>
      %add3A_1091 = arith.addi %add3A_1064, %all_reduce_population_count3A_1090 : vector<16xi32>
      %all_reduce_population_count3A_1092 = tpu.all_reduce %or3A_1079 {dim = 0 : i64, kind = #tpu.reduction_kind<sum>} : vector<16xi1> -> vector<16xi32>
      %add3A_1093 = arith.addi %add3A_1066, %all_reduce_population_count3A_1092 : vector<16xi32>
      %get3A_1094 = arith.constant 416 : index
      %get3A_1095 = tpu.vector_load %arg4[%get3A_1094] {strides = array<i32>} : memref<512xi32, #tpu.memory_space<vmem>>, vector<16xi32>,
      %gt3A_1096 = arith.cmpi sgt, %get3A_1095, %scan3A_227 : vector<16xi32>
      %eq3A_1097 = arith.cmpi eq, %get3A_1095, %scan3A_227 : vector<16xi32>
      %convert_element_type3A_1098 = arith.extui %eq3A_1097 : vector<16xi1> to vector<16xi32>
      %broadcast_in_dim3A_1099 = arith.constant true
      %broadcast_in_dim3A_1100 = vector.broadcast %broadcast_in_dim3A_1099 : i1 to vector<16xi1>
      %masked_cumsum3A_1101 = tpu.scan <sum>, %convert_element_type3A_1098 masked %broadcast_in_dim3A_1100 : vector<16xi32>, vector<16xi1> -> vector<16xi32>
      %add3A_1102 = arith.addi %add3A_1091, %masked_cumsum3A_1101 : vector<16xi32>
      %sub3A_1103 = arith.subi %add3A_1102, %convert_element_type3A_1098 : vector<16xi32>
      %lt3A_1104 = arith.cmpi slt, %sub3A_1103, %sub3A_392 : vector<16xi32>
      %and3A_1105 = arith.andi %eq3A_1097, %lt3A_1104 : vector<16xi1>
      %or3A_1106 = arith.ori %gt3A_1096, %and3A_1105 : vector<16xi1>
      %convert_element_type3A_1107 = arith.extui %or3A_1106 : vector<16xi1> to vector<16xi32>
      %broadcast_in_dim3A_1108 = arith.constant true
      %broadcast_in_dim3A_1109 = vector.broadcast %broadcast_in_dim3A_1108 : i1 to vector<16xi1>
      %masked_cumsum3A_1110 = tpu.scan <sum>, %convert_element_type3A_1107 masked %broadcast_in_dim3A_1109 : vector<16xi32>, vector<16xi1> -> vector<16xi32>
      %add3A_1111 = arith.addi %add3A_1093, %masked_cumsum3A_1110 : vector<16xi32>
      %sub3A_1112 = arith.subi %add3A_1111, %convert_element_type3A_1107 : vector<16xi32>
      %iota3A_1113 = tpu.iota {dimensions = array<i32: 0>} : vector<16xi32>
      %add3A_1114 = arith.constant 416 : i32
      %add3A_1115 = vector.broadcast %add3A_1114 : i32 to vector<16xi32>
      %add3A_1116 = arith.addi %iota3A_1113, %add3A_1115 : vector<16xi32>
      tpu.vector_store_idx %arg5[%sub3A_1112], %add3A_1116 masked %or3A_1106 : memref<128xi32, #tpu.memory_space<vmem>>[vector<16xi32>], vector<16xi32>, vector<16xi1>
      %all_reduce_population_count3A_1117 = tpu.all_reduce %eq3A_1097 {dim = 0 : i64, kind = #tpu.reduction_kind<sum>} : vector<16xi1> -> vector<16xi32>
      %add3A_1118 = arith.addi %add3A_1091, %all_reduce_population_count3A_1117 : vector<16xi32>
      %all_reduce_population_count3A_1119 = tpu.all_reduce %or3A_1106 {dim = 0 : i64, kind = #tpu.reduction_kind<sum>} : vector<16xi1> -> vector<16xi32>
      %add3A_1120 = arith.addi %add3A_1093, %all_reduce_population_count3A_1119 : vector<16xi32>
      %get3A_1121 = arith.constant 432 : index
      %get3A_1122 = tpu.vector_load %arg4[%get3A_1121] {strides = array<i32>} : memref<512xi32, #tpu.memory_space<vmem>>, vector<16xi32>,
      %gt3A_1123 = arith.cmpi sgt, %get3A_1122, %scan3A_227 : vector<16xi32>
      %eq3A_1124 = arith.cmpi eq, %get3A_1122, %scan3A_227 : vector<16xi32>
      %convert_element_type3A_1125 = arith.extui %eq3A_1124 : vector<16xi1> to vector<16xi32>
      %broadcast_in_dim3A_1126 = arith.constant true
      %broadcast_in_dim3A_1127 = vector.broadcast %broadcast_in_dim3A_1126 : i1 to vector<16xi1>
      %masked_cumsum3A_1128 = tpu.scan <sum>, %convert_element_type3A_1125 masked %broadcast_in_dim3A_1127 : vector<16xi32>, vector<16xi1> -> vector<16xi32>
      %add3A_1129 = arith.addi %add3A_1118, %masked_cumsum3A_1128 : vector<16xi32>
      %sub3A_1130 = arith.subi %add3A_1129, %convert_element_type3A_1125 : vector<16xi32>
      %lt3A_1131 = arith.cmpi slt, %sub3A_1130, %sub3A_392 : vector<16xi32>
      %and3A_1132 = arith.andi %eq3A_1124, %lt3A_1131 : vector<16xi1>
      %or3A_1133 = arith.ori %gt3A_1123, %and3A_1132 : vector<16xi1>
      %convert_element_type3A_1134 = arith.extui %or3A_1133 : vector<16xi1> to vector<16xi32>
      %broadcast_in_dim3A_1135 = arith.constant true
      %broadcast_in_dim3A_1136 = vector.broadcast %broadcast_in_dim3A_1135 : i1 to vector<16xi1>
      %masked_cumsum3A_1137 = tpu.scan <sum>, %convert_element_type3A_1134 masked %broadcast_in_dim3A_1136 : vector<16xi32>, vector<16xi1> -> vector<16xi32>
      %add3A_1138 = arith.addi %add3A_1120, %masked_cumsum3A_1137 : vector<16xi32>
      %sub3A_1139 = arith.subi %add3A_1138, %convert_element_type3A_1134 : vector<16xi32>
      %iota3A_1140 = tpu.iota {dimensions = array<i32: 0>} : vector<16xi32>
      %add3A_1141 = arith.constant 432 : i32
      %add3A_1142 = vector.broadcast %add3A_1141 : i32 to vector<16xi32>
      %add3A_1143 = arith.addi %iota3A_1140, %add3A_1142 : vector<16xi32>
      tpu.vector_store_idx %arg5[%sub3A_1139], %add3A_1143 masked %or3A_1133 : memref<128xi32, #tpu.memory_space<vmem>>[vector<16xi32>], vector<16xi32>, vector<16xi1>
      %all_reduce_population_count3A_1144 = tpu.all_reduce %eq3A_1124 {dim = 0 : i64, kind = #tpu.reduction_kind<sum>} : vector<16xi1> -> vector<16xi32>
      %add3A_1145 = arith.addi %add3A_1118, %all_reduce_population_count3A_1144 : vector<16xi32>
      %all_reduce_population_count3A_1146 = tpu.all_reduce %or3A_1133 {dim = 0 : i64, kind = #tpu.reduction_kind<sum>} : vector<16xi1> -> vector<16xi32>
      %add3A_1147 = arith.addi %add3A_1120, %all_reduce_population_count3A_1146 : vector<16xi32>
      %get3A_1148 = arith.constant 448 : index
      %get3A_1149 = tpu.vector_load %arg4[%get3A_1148] {strides = array<i32>} : memref<512xi32, #tpu.memory_space<vmem>>, vector<16xi32>,
      %gt3A_1150 = arith.cmpi sgt, %get3A_1149, %scan3A_227 : vector<16xi32>
      %eq3A_1151 = arith.cmpi eq, %get3A_1149, %scan3A_227 : vector<16xi32>
      %convert_element_type3A_1152 = arith.extui %eq3A_1151 : vector<16xi1> to vector<16xi32>
      %broadcast_in_dim3A_1153 = arith.constant true
      %broadcast_in_dim3A_1154 = vector.broadcast %broadcast_in_dim3A_1153 : i1 to vector<16xi1>
      %masked_cumsum3A_1155 = tpu.scan <sum>, %convert_element_type3A_1152 masked %broadcast_in_dim3A_1154 : vector<16xi32>, vector<16xi1> -> vector<16xi32>
      %add3A_1156 = arith.addi %add3A_1145, %masked_cumsum3A_1155 : vector<16xi32>
      %sub3A_1157 = arith.subi %add3A_1156, %convert_element_type3A_1152 : vector<16xi32>
      %lt3A_1158 = arith.cmpi slt, %sub3A_1157, %sub3A_392 : vector<16xi32>
      %and3A_1159 = arith.andi %eq3A_1151, %lt3A_1158 : vector<16xi1>
      %or3A_1160 = arith.ori %gt3A_1150, %and3A_1159 : vector<16xi1>
      %convert_element_type3A_1161 = arith.extui %or3A_1160 : vector<16xi1> to vector<16xi32>
      %broadcast_in_dim3A_1162 = arith.constant true
      %broadcast_in_dim3A_1163 = vector.broadcast %broadcast_in_dim3A_1162 : i1 to vector<16xi1>
      %masked_cumsum3A_1164 = tpu.scan <sum>, %convert_element_type3A_1161 masked %broadcast_in_dim3A_1163 : vector<16xi32>, vector<16xi1> -> vector<16xi32>
      %add3A_1165 = arith.addi %add3A_1147, %masked_cumsum3A_1164 : vector<16xi32>
      %sub3A_1166 = arith.subi %add3A_1165, %convert_element_type3A_1161 : vector<16xi32>
      %iota3A_1167 = tpu.iota {dimensions = array<i32: 0>} : vector<16xi32>
      %add3A_1168 = arith.constant 448 : i32
      %add3A_1169 = vector.broadcast %add3A_1168 : i32 to vector<16xi32>
      %add3A_1170 = arith.addi %iota3A_1167, %add3A_1169 : vector<16xi32>
      tpu.vector_store_idx %arg5[%sub3A_1166], %add3A_1170 masked %or3A_1160 : memref<128xi32, #tpu.memory_space<vmem>>[vector<16xi32>], vector<16xi32>, vector<16xi1>
      %all_reduce_population_count3A_1171 = tpu.all_reduce %eq3A_1151 {dim = 0 : i64, kind = #tpu.reduction_kind<sum>} : vector<16xi1> -> vector<16xi32>
      %add3A_1172 = arith.addi %add3A_1145, %all_reduce_population_count3A_1171 : vector<16xi32>
      %all_reduce_population_count3A_1173 = tpu.all_reduce %or3A_1160 {dim = 0 : i64, kind = #tpu.reduction_kind<sum>} : vector<16xi1> -> vector<16xi32>
      %add3A_1174 = arith.addi %add3A_1147, %all_reduce_population_count3A_1173 : vector<16xi32>
      %get3A_1175 = arith.constant 464 : index
      %get3A_1176 = tpu.vector_load %arg4[%get3A_1175] {strides = array<i32>} : memref<512xi32, #tpu.memory_space<vmem>>, vector<16xi32>,
      %gt3A_1177 = arith.cmpi sgt, %get3A_1176, %scan3A_227 : vector<16xi32>
      %eq3A_1178 = arith.cmpi eq, %get3A_1176, %scan3A_227 : vector<16xi32>
      %convert_element_type3A_1179 = arith.extui %eq3A_1178 : vector<16xi1> to vector<16xi32>
      %broadcast_in_dim3A_1180 = arith.constant true
      %broadcast_in_dim3A_1181 = vector.broadcast %broadcast_in_dim3A_1180 : i1 to vector<16xi1>
      %masked_cumsum3A_1182 = tpu.scan <sum>, %convert_element_type3A_1179 masked %broadcast_in_dim3A_1181 : vector<16xi32>, vector<16xi1> -> vector<16xi32>
      %add3A_1183 = arith.addi %add3A_1172, %masked_cumsum3A_1182 : vector<16xi32>
      %sub3A_1184 = arith.subi %add3A_1183, %convert_element_type3A_1179 : vector<16xi32>
      %lt3A_1185 = arith.cmpi slt, %sub3A_1184, %sub3A_392 : vector<16xi32>
      %and3A_1186 = arith.andi %eq3A_1178, %lt3A_1185 : vector<16xi1>
      %or3A_1187 = arith.ori %gt3A_1177, %and3A_1186 : vector<16xi1>
      %convert_element_type3A_1188 = arith.extui %or3A_1187 : vector<16xi1> to vector<16xi32>
      %broadcast_in_dim3A_1189 = arith.constant true
      %broadcast_in_dim3A_1190 = vector.broadcast %broadcast_in_dim3A_1189 : i1 to vector<16xi1>
      %masked_cumsum3A_1191 = tpu.scan <sum>, %convert_element_type3A_1188 masked %broadcast_in_dim3A_1190 : vector<16xi32>, vector<16xi1> -> vector<16xi32>
      %add3A_1192 = arith.addi %add3A_1174, %masked_cumsum3A_1191 : vector<16xi32>
      %sub3A_1193 = arith.subi %add3A_1192, %convert_element_type3A_1188 : vector<16xi32>
      %iota3A_1194 = tpu.iota {dimensions = array<i32: 0>} : vector<16xi32>
      %add3A_1195 = arith.constant 464 : i32
      %add3A_1196 = vector.broadcast %add3A_1195 : i32 to vector<16xi32>
      %add3A_1197 = arith.addi %iota3A_1194, %add3A_1196 : vector<16xi32>
      tpu.vector_store_idx %arg5[%sub3A_1193], %add3A_1197 masked %or3A_1187 : memref<128xi32, #tpu.memory_space<vmem>>[vector<16xi32>], vector<16xi32>, vector<16xi1>
      %all_reduce_population_count3A_1198 = tpu.all_reduce %eq3A_1178 {dim = 0 : i64, kind = #tpu.reduction_kind<sum>} : vector<16xi1> -> vector<16xi32>
      %add3A_1199 = arith.addi %add3A_1172, %all_reduce_population_count3A_1198 : vector<16xi32>
      %all_reduce_population_count3A_1200 = tpu.all_reduce %or3A_1187 {dim = 0 : i64, kind = #tpu.reduction_kind<sum>} : vector<16xi1> -> vector<16xi32>
      %add3A_1201 = arith.addi %add3A_1174, %all_reduce_population_count3A_1200 : vector<16xi32>
      %get3A_1202 = arith.constant 480 : index
      %get3A_1203 = tpu.vector_load %arg4[%get3A_1202] {strides = array<i32>} : memref<512xi32, #tpu.memory_space<vmem>>, vector<16xi32>,
      %gt3A_1204 = arith.cmpi sgt, %get3A_1203, %scan3A_227 : vector<16xi32>
      %eq3A_1205 = arith.cmpi eq, %get3A_1203, %scan3A_227 : vector<16xi32>
      %convert_element_type3A_1206 = arith.extui %eq3A_1205 : vector<16xi1> to vector<16xi32>
      %broadcast_in_dim3A_1207 = arith.constant true
      %broadcast_in_dim3A_1208 = vector.broadcast %broadcast_in_dim3A_1207 : i1 to vector<16xi1>
      %masked_cumsum3A_1209 = tpu.scan <sum>, %convert_element_type3A_1206 masked %broadcast_in_dim3A_1208 : vector<16xi32>, vector<16xi1> -> vector<16xi32>
      %add3A_1210 = arith.addi %add3A_1199, %masked_cumsum3A_1209 : vector<16xi32>
      %sub3A_1211 = arith.subi %add3A_1210, %convert_element_type3A_1206 : vector<16xi32>
      %lt3A_1212 = arith.cmpi slt, %sub3A_1211, %sub3A_392 : vector<16xi32>
      %and3A_1213 = arith.andi %eq3A_1205, %lt3A_1212 : vector<16xi1>
      %or3A_1214 = arith.ori %gt3A_1204, %and3A_1213 : vector<16xi1>
      %convert_element_type3A_1215 = arith.extui %or3A_1214 : vector<16xi1> to vector<16xi32>
      %broadcast_in_dim3A_1216 = arith.constant true
      %broadcast_in_dim3A_1217 = vector.broadcast %broadcast_in_dim3A_1216 : i1 to vector<16xi1>
      %masked_cumsum3A_1218 = tpu.scan <sum>, %convert_element_type3A_1215 masked %broadcast_in_dim3A_1217 : vector<16xi32>, vector<16xi1> -> vector<16xi32>
      %add3A_1219 = arith.addi %add3A_1201, %masked_cumsum3A_1218 : vector<16xi32>
      %sub3A_1220 = arith.subi %add3A_1219, %convert_element_type3A_1215 : vector<16xi32>
      %iota3A_1221 = tpu.iota {dimensions = array<i32: 0>} : vector<16xi32>
      %add3A_1222 = arith.constant 480 : i32
      %add3A_1223 = vector.broadcast %add3A_1222 : i32 to vector<16xi32>
      %add3A_1224 = arith.addi %iota3A_1221, %add3A_1223 : vector<16xi32>
      tpu.vector_store_idx %arg5[%sub3A_1220], %add3A_1224 masked %or3A_1214 : memref<128xi32, #tpu.memory_space<vmem>>[vector<16xi32>], vector<16xi32>, vector<16xi1>
      %all_reduce_population_count3A_1225 = tpu.all_reduce %eq3A_1205 {dim = 0 : i64, kind = #tpu.reduction_kind<sum>} : vector<16xi1> -> vector<16xi32>
      %add3A_1226 = arith.addi %add3A_1199, %all_reduce_population_count3A_1225 : vector<16xi32>
      %all_reduce_population_count3A_1227 = tpu.all_reduce %or3A_1214 {dim = 0 : i64, kind = #tpu.reduction_kind<sum>} : vector<16xi1> -> vector<16xi32>
      %add3A_1228 = arith.addi %add3A_1201, %all_reduce_population_count3A_1227 : vector<16xi32>
      %get3A_1229 = arith.constant 496 : index
      %get3A_1230 = tpu.vector_load %arg4[%get3A_1229] {strides = array<i32>} : memref<512xi32, #tpu.memory_space<vmem>>, vector<16xi32>,
      %gt3A_1231 = arith.cmpi sgt, %get3A_1230, %scan3A_227 : vector<16xi32>
      %eq3A_1232 = arith.cmpi eq, %get3A_1230, %scan3A_227 : vector<16xi32>
      %convert_element_type3A_1233 = arith.extui %eq3A_1232 : vector<16xi1> to vector<16xi32>
      %broadcast_in_dim3A_1234 = arith.constant true
      %broadcast_in_dim3A_1235 = vector.broadcast %broadcast_in_dim3A_1234 : i1 to vector<16xi1>
      %masked_cumsum3A_1236 = tpu.scan <sum>, %convert_element_type3A_1233 masked %broadcast_in_dim3A_1235 : vector<16xi32>, vector<16xi1> -> vector<16xi32>
      %add3A_1237 = arith.addi %add3A_1226, %masked_cumsum3A_1236 : vector<16xi32>
      %sub3A_1238 = arith.subi %add3A_1237, %convert_element_type3A_1233 : vector<16xi32>
      %lt3A_1239 = arith.cmpi slt, %sub3A_1238, %sub3A_392 : vector<16xi32>
      %and3A_1240 = arith.andi %eq3A_1232, %lt3A_1239 : vector<16xi1>
      %or3A_1241 = arith.ori %gt3A_1231, %and3A_1240 : vector<16xi1>
      %convert_element_type3A_1242 = arith.extui %or3A_1241 : vector<16xi1> to vector<16xi32>
      %broadcast_in_dim3A_1243 = arith.constant true
      %broadcast_in_dim3A_1244 = vector.broadcast %broadcast_in_dim3A_1243 : i1 to vector<16xi1>
      %masked_cumsum3A_1245 = tpu.scan <sum>, %convert_element_type3A_1242 masked %broadcast_in_dim3A_1244 : vector<16xi32>, vector<16xi1> -> vector<16xi32>
      %add3A_1246 = arith.addi %add3A_1228, %masked_cumsum3A_1245 : vector<16xi32>
      %sub3A_1247 = arith.subi %add3A_1246, %convert_element_type3A_1242 : vector<16xi32>
      %iota3A_1248 = tpu.iota {dimensions = array<i32: 0>} : vector<16xi32>
      %add3A_1249 = arith.constant 496 : i32
      %add3A_1250 = vector.broadcast %add3A_1249 : i32 to vector<16xi32>
      %add3A_1251 = arith.addi %iota3A_1248, %add3A_1250 : vector<16xi32>
      tpu.vector_store_idx %arg5[%sub3A_1247], %add3A_1251 masked %or3A_1241 : memref<128xi32, #tpu.memory_space<vmem>>[vector<16xi32>], vector<16xi32>, vector<16xi1>
      %all_reduce_population_count3A_1252 = tpu.all_reduce %eq3A_1232 {dim = 0 : i64, kind = #tpu.reduction_kind<sum>} : vector<16xi1> -> vector<16xi32>
      %add3A_1253 = arith.addi %add3A_1226, %all_reduce_population_count3A_1252 : vector<16xi32>
      %all_reduce_population_count3A_1254 = tpu.all_reduce %or3A_1241 {dim = 0 : i64, kind = #tpu.reduction_kind<sum>} : vector<16xi1> -> vector<16xi32>
      %add3A_1255 = arith.addi %add3A_1228, %all_reduce_population_count3A_1254 : vector<16xi32>
      "tpu.region"() ({
        %run_scoped3A = tpu.sem_alloc : memref<!tpu.dma_semaphore, #tpu.memory_space<semaphore_mem>>
        %dma_start3A = arith.constant 0 : i32
        %dma_start3A_1256 = tpu.memref_slice %arg3[%arg1, %dma_start3A] : memref<16x128xi32, #tpu.memory_space<hbm>> -> memref<1x128xi32, #tpu.memory_space<hbm>>
        %dma_start3A_1257 = tpu.memref_squeeze %dma_start3A_1256 : memref<1x128xi32, #tpu.memory_space<hbm>> -> memref<128xi32, #tpu.memory_space<hbm>>
        %dma_start3A_1258 = arith.constant 0 : i32
        %dma_start3A_1259 = tpu.memref_slice %arg3[%arg1, %dma_start3A_1258] : memref<16x128xi32, #tpu.memory_space<hbm>> -> memref<1x128xi32, #tpu.memory_space<hbm>>
        %dma_start3A_1260 = tpu.memref_squeeze %dma_start3A_1259 : memref<1x128xi32, #tpu.memory_space<hbm>> -> memref<128xi32, #tpu.memory_space<hbm>>
        tpu.enqueue_dma source(%arg5 : memref<128xi32, #tpu.memory_space<vmem>>) target(%dma_start3A_1260 : memref<128xi32, #tpu.memory_space<hbm>>) target_semaphore(%run_scoped3A : memref<!tpu.dma_semaphore, #tpu.memory_space<semaphore_mem>>)
        %dma_wait3A = arith.constant 0 : i32
        %dma_wait3A_1261 = tpu.memref_slice %arg3[%arg1, %dma_wait3A] : memref<16x128xi32, #tpu.memory_space<hbm>> -> memref<1x128xi32, #tpu.memory_space<hbm>>
        %dma_wait3A_1262 = tpu.memref_squeeze %dma_wait3A_1261 : memref<1x128xi32, #tpu.memory_space<hbm>> -> memref<128xi32, #tpu.memory_space<hbm>>
        %dma_wait3A_1263 = arith.constant 0 : i32
        %dma_wait3A_1264 = tpu.memref_slice %arg3[%arg1, %dma_wait3A_1263] : memref<16x128xi32, #tpu.memory_space<hbm>> -> memref<1x128xi32, #tpu.memory_space<hbm>>
        %dma_wait3A_1265 = tpu.memref_squeeze %dma_wait3A_1264 : memref<1x128xi32, #tpu.memory_space<hbm>> -> memref<128xi32, #tpu.memory_space<hbm>>
        tpu.wait_dma2 semaphore(%run_scoped3A : memref<!tpu.dma_semaphore, #tpu.memory_space<semaphore_mem>>) src(%arg5 : memref<128xi32, #tpu.memory_space<vmem>>) dst(%dma_wait3A_1265 : memref<128xi32, #tpu.memory_space<hbm>>)
        tpu.yield
      }) : () -> ()
    } else {
    }
    return
  }
}

module attributes {stable_mosaic.version = 14 : i64} {
  func.func @_tc_body(%arg0: i32, %arg1: memref<1x1x128xi32, #tpu.memory_space<vmem>>, %arg2: memref<1x512x512xf32, #tpu.memory_space<vmem>>, %arg3: memref<1x512x512xf32, #tpu.memory_space<vmem>>, %arg4: memref<1x512x512xf32, #tpu.memory_space<vmem>>, %arg5: memref<1x512x512xf32, #tpu.memory_space<vmem>>, %arg6: memref<1x512x512xf32, #tpu.memory_space<vmem>>, %arg7: memref<1x512x1xf32, #tpu.memory_space<vmem>>) attributes {dimension_semantics = [#tpu.dimension_semantics<parallel>], iteration_bounds = array<i64: 16>, scalar_prefetch = 0 : i64, scratch_operands = 0 : i64, tpu.core_type = #tpu.core_type<tc>, window_params = [{transform_indices = @transform_0, window_bounds = array<i64: 1, 1, 128>}, {transform_indices = @transform_1, window_bounds = array<i64: 1, 512, 512>}, {transform_indices = @transform_2, window_bounds = array<i64: 1, 512, 512>}, {transform_indices = @transform_3, window_bounds = array<i64: 1, 512, 512>}, {transform_indices = @transform_4, window_bounds = array<i64: 1, 512, 512>}, {transform_indices = @transform_5, window_bounds = array<i64: 1, 512, 512>}, {transform_indices = @transform_6, window_bounds = array<i64: 1, 512, 1>}]} {
    %get3A = arith.constant 0 : index
    %get3A_0 = arith.constant 0 : index
    %get3A_1 = arith.constant 0 : index
    %get3A_2 = vector.load %arg1[%get3A, %get3A_0, %get3A_1] : memref<1x1x128xi32, #tpu.memory_space<vmem>>, vector<1x1x128xi32>
    %get3A_3 = vector.shape_cast %get3A_2 : vector<1x1x128xi32> to vector<1x128xi32>
    %iota3A = tpu.iota {dimensions = array<i32: 0>} : vector<512x128xi32>
    %eq3A = vector.broadcast %get3A_3 : vector<1x128xi32> to vector<512x128xi32>
    %eq3A_4 = arith.cmpi eq, %iota3A, %eq3A : vector<512x128xi32>
    %jit3A = arith.constant 1.000000e+00 : f32
    %jit3A_5 = arith.constant 0.000000e+00 : f32
    %broadcast_in_dim3A = vector.broadcast %jit3A : f32 to vector<512x128xf32>
    %broadcast_in_dim3A_6 = vector.broadcast %jit3A_5 : f32 to vector<512x128xf32>
    %select_n3A = arith.select %eq3A_4, %broadcast_in_dim3A, %broadcast_in_dim3A_6 : vector<512x128xi1>, vector<512x128xf32>
    %get3A_7 = arith.constant 0 : index
    %get3A_8 = arith.constant 0 : index
    %get3A_9 = arith.constant 0 : index
    %get3A_10 = vector.load %arg2[%get3A_7, %get3A_8, %get3A_9] : memref<1x512x512xf32, #tpu.memory_space<vmem>>, vector<1x512x512xf32>
    %get3A_11 = vector.shape_cast %get3A_10 : vector<1x512x512xf32> to vector<512x512xf32>
    %get3A_12 = arith.constant 0 : index
    %get3A_13 = arith.constant 0 : index
    %get3A_14 = arith.constant 0 : index
    %get3A_15 = vector.load %arg3[%get3A_12, %get3A_13, %get3A_14] : memref<1x512x512xf32, #tpu.memory_space<vmem>>, vector<1x512x512xf32>
    %get3A_16 = vector.shape_cast %get3A_15 : vector<1x512x512xf32> to vector<512x512xf32>
    %get3A_17 = arith.constant 0 : index
    %get3A_18 = arith.constant 0 : index
    %get3A_19 = arith.constant 0 : index
    %get3A_20 = vector.load %arg4[%get3A_17, %get3A_18, %get3A_19] : memref<1x512x512xf32, #tpu.memory_space<vmem>>, vector<1x512x512xf32>
    %get3A_21 = vector.shape_cast %get3A_20 : vector<1x512x512xf32> to vector<512x512xf32>
    %get3A_22 = arith.constant 0 : index
    %get3A_23 = arith.constant 0 : index
    %get3A_24 = arith.constant 0 : index
    %get3A_25 = vector.load %arg5[%get3A_22, %get3A_23, %get3A_24] : memref<1x512x512xf32, #tpu.memory_space<vmem>>, vector<1x512x512xf32>
    %get3A_26 = vector.shape_cast %get3A_25 : vector<1x512x512xf32> to vector<512x512xf32>
    %get3A_27 = arith.constant 0 : index
    %get3A_28 = arith.constant 0 : index
    %get3A_29 = arith.constant 0 : index
    %get3A_30 = vector.load %arg6[%get3A_27, %get3A_28, %get3A_29] : memref<1x512x512xf32, #tpu.memory_space<vmem>>, vector<1x512x512xf32>
    %get3A_31 = vector.shape_cast %get3A_30 : vector<1x512x512xf32> to vector<512x512xf32>
    %dot_general3A = arith.constant dense<0.000000e+00> : vector<512x128xf32>
    %dot_general3A_32 = tpu.matmul %get3A_31, %select_n3A, %dot_general3A {dimension_numbers = #tpu.dot_dimension_numbers<[1], [0], [0], [1], [0, 0, 1, 1], [], []>, transpose_lhs_hint = false} : vector<512x512xf32>, vector<512x128xf32>, vector<512x128xf32> -> vector<512x128xf32>
    %dot_general3A_33 = arith.constant dense<0.000000e+00> : vector<512x128xf32>
    %dot_general3A_34 = tpu.matmul %get3A_11, %dot_general3A_32, %dot_general3A_33 {dimension_numbers = #tpu.dot_dimension_numbers<[1], [0], [0], [1], [0, 0, 1, 1], [], []>, transpose_lhs_hint = false} : vector<512x512xf32>, vector<512x128xf32>, vector<512x128xf32> -> vector<512x128xf32>
    %dot_general3A_35 = arith.constant dense<0.000000e+00> : vector<128x512xf32>
    %dot_general3A_36 = tpu.matmul %dot_general3A_34, %get3A_21, %dot_general3A_35 {dimension_numbers = #tpu.dot_dimension_numbers<[0], [0], [1], [1], [0, 1, 1, 1], [], []>, transpose_lhs_hint = false} : vector<512x128xf32>, vector<512x512xf32>, vector<128x512xf32> -> vector<128x512xf32>
    %dot_general3A_37 = arith.constant dense<0.000000e+00> : vector<128x512xf32>
    %dot_general3A_38 = tpu.matmul %select_n3A, %get3A_26, %dot_general3A_37 {dimension_numbers = #tpu.dot_dimension_numbers<[0], [0], [1], [1], [0, 1, 1, 1], [], []>, transpose_lhs_hint = false} : vector<512x128xf32>, vector<512x512xf32>, vector<128x512xf32> -> vector<128x512xf32>
    %dot_general3A_39 = arith.constant dense<0.000000e+00> : vector<128x512xf32>
    %dot_general3A_40 = tpu.matmul %dot_general3A_38, %get3A_16, %dot_general3A_39 {dimension_numbers = #tpu.dot_dimension_numbers<[1], [0], [0], [1], [0, 0, 1, 1], [], []>, transpose_lhs_hint = false} : vector<128x512xf32>, vector<512x512xf32>, vector<128x512xf32> -> vector<128x512xf32>
    %mul3A = arith.mulf %dot_general3A_36, %dot_general3A_40 : vector<128x512xf32>
    %reduce_sum3A = arith.constant dense<0.000000e+00> : vector<128xf32>
    %reduce_sum3A_41 = vector.multi_reduction <add>, %mul3A, %reduce_sum3A [1] : vector<128x512xf32> to vector<128xf32>
    %broadcast_in_dim3A_42 = vector.shape_cast %reduce_sum3A_41 : vector<128xf32> to vector<128x1xf32>
    %dot_general3A_43 = arith.constant dense<0.000000e+00> : vector<512x1xf32>
    %dot_general3A_44 = tpu.matmul %select_n3A, %broadcast_in_dim3A_42, %dot_general3A_43 {dimension_numbers = #tpu.dot_dimension_numbers<[1], [0], [0], [1], [0, 0, 1, 1], [], []>, transpose_lhs_hint = false} : vector<512x128xf32>, vector<128x1xf32>, vector<512x1xf32> -> vector<512x1xf32>
    %swap3A = arith.constant 0 : index
    %swap3A_45 = arith.constant 0 : index
    %swap3A_46 = arith.constant 0 : index
    %swap3A_47 = vector.load %arg7[%swap3A, %swap3A_45, %swap3A_46] : memref<1x512x1xf32, #tpu.memory_space<vmem>>, vector<1x512x1xf32>
    %swap3A_48 = vector.shape_cast %swap3A_47 : vector<1x512x1xf32> to vector<512x1xf32>
    %swap3A_49 = vector.shape_cast %dot_general3A_44 : vector<512x1xf32> to vector<1x512x1xf32>
    tpu.vector_store %arg7[%swap3A, %swap3A_45, %swap3A_46], %swap3A_49 {strides = array<i32>} : memref<1x512x1xf32, #tpu.memory_space<vmem>>, vector<1x512x1xf32>,
    return
  }
  func.func @transform_0(%arg0: i32) -> (i32, i32, i32) {
    %c0_i32 = arith.constant 0 : i32
    %c0_i32_0 = arith.constant 0 : i32
    %c0_i32_1 = arith.constant 0 : i32
    return %arg0, %c0_i32, %c0_i32_0 : i32, i32, i32
  }
  func.func @transform_1(%arg0: i32) -> (i32, i32, i32) {
    %c0_i32 = arith.constant 0 : i32
    %c0_i32_0 = arith.constant 0 : i32
    %c0_i32_1 = arith.constant 0 : i32
    return %arg0, %c0_i32, %c0_i32_0 : i32, i32, i32
  }
  func.func @transform_2(%arg0: i32) -> (i32, i32, i32) {
    %c0_i32 = arith.constant 0 : i32
    %c0_i32_0 = arith.constant 0 : i32
    %c0_i32_1 = arith.constant 0 : i32
    return %arg0, %c0_i32, %c0_i32_0 : i32, i32, i32
  }
  func.func @transform_3(%arg0: i32) -> (i32, i32, i32) {
    %c0_i32 = arith.constant 0 : i32
    %c0_i32_0 = arith.constant 0 : i32
    %c0_i32_1 = arith.constant 0 : i32
    return %arg0, %c0_i32, %c0_i32_0 : i32, i32, i32
  }
  func.func @transform_4(%arg0: i32) -> (i32, i32, i32) {
    %c0_i32 = arith.constant 0 : i32
    %c0_i32_0 = arith.constant 0 : i32
    %c0_i32_1 = arith.constant 0 : i32
    return %arg0, %c0_i32, %c0_i32_0 : i32, i32, i32
  }
  func.func @transform_5(%arg0: i32) -> (i32, i32, i32) {
    %c0_i32 = arith.constant 0 : i32
    %c0_i32_0 = arith.constant 0 : i32
    %c0_i32_1 = arith.constant 0 : i32
    return %arg0, %c0_i32, %c0_i32_0 : i32, i32, i32
  }
  func.func @transform_6(%arg0: i32) -> (i32, i32, i32) {
    %c0_i32 = arith.constant 0 : i32
    %c0_i32_0 = arith.constant 0 : i32
    %c0_i32_1 = arith.constant 0 : i32
    return %arg0, %c0_i32, %c0_i32_0 : i32, i32, i32
  }
}

</mosaic_0001>

<sc_bundles>
// kernel: kernel.4.cloned.1.call-start
scs
__scs_entry_jumppad:
0x0: {  	(pc) =	sbr.rel $0x88, $3  }
0x1: {  	(tag) =	ssettag $0x0;
	lr =	simm.s32 $0x1  }
0x2: {  	[smem:$0x3F9B] =	sst lr;
	_ =	strace $0xD0000000  }
0x3: {  	_ = 	snop  }
0x4: {  	_ = 	snop  }
0x5: {  	_ = 	snop  }
0x6: {  	_ = 	snop  }
0x7: {  	_ = 	snop  }
__scs_overlays_trampoline_lowered:
0x8: {  	[smem:$0x3FAA] =	sst s0  }
0x9: {  	[smem:$0x3FAB] =	sst s1  }
0xa: {  	[smem:$0x3FAC] =	sst s2  }
0xb: {  	[smem:$0x3FAD] =	sst s3  }
0xc: {  	[smem:$0x3FAE] =	sst s4  }
0xd: {  	[smem:$0x3FAF] =	sst s5  }
0xe: {  	[smem:$0x3FB0] =	sst s6  }
0xf: {  	[smem:$0x3FB1] =	sst s7  }
0x10: {  	[smem:$0x3FB2] =	sst s8  }
0x11: {  	[smem:$0x3FB3] =	sst s9;
	s0 =	simm.s32 @!p0 $0x0  }
0x12: {  	s1 =	sld [smem:$0x3F99];
	s0 =	simm.s32 @p0 $0x1  }
0x13: {  	[smem:$0x3FB4] =	sst s0;
	s0 =	simm.s32 @!p1 $0x0  }
0x14: {  	s2 =	sld [smem:$0x3F98];
	s0 =	simm.s32 @p1 $0x1  }
0x15: {  	[smem:$0x3FB5] =	sst s0;
	s0 =	simm.s32 @!p2 $0x0  }
0x16: {  	s3 =	sld [smem:$0x3FDB];
	s0 =	simm.s32 @p2 $0x1  }
0x17: {  	s4 =	simm.s32 $0x1BF5;
	[smem:$0x3FB7] =	sst s0  }
0x18: {  	s0 =	sld [smem:$0x3F9A];
	_ =	swait.ge [sflag:s4], $0x0  }
0x19: {  	s7 =	sld [smem:$0x3F9B]  }
0x1a: {  	s8 =	sadd.s32 $0xFFFFE003, lr  }
0x1b: {  	s9 =	sadd.s32 $0xFFFFFEF7, lr;
	s5 =	simm.s32 $0xFFFFFFFF;
	p2 =	slt.u32 s8, $0xFFFFF086  }
0x1c: {  	p1 =	slt.u32 s9, $0xF7A;
	s5 =	simm.s32 @!p2 $0x0  }
0x1d: {  	s5 =	simm.s32 @p1 $0x1;
	p0 =	seq.s32 s7, s2  }
0x1e: {  	s7 =	smul.u32 @!p0 $0xF7A, s2;
	p2 =	seq.s32 @!p0 s5, $0x0  }
0x1f: {  	s9 =	smul.u32 $0xF7A, s1;
	s8 =	simm.s32 @!p0 $0x1BF5;
	p2 =	por !p2, p0  }
0x20: {  	[sflag:s8] =	ssyncset.s32 @!p0 $0xFFFFF086;
	s6 =	sadd.s32 @!p0 s3, s7;
	s7 =	simm.s32 @!p0 $0x108  }
0x21: {  	s3 =	sadd.s32 s3, s9;
	s6 =	sadd.s32 @!p0 $0x88, s6;
	s7 =	simm.s32 @p2 $0x1082  }
0x22: {  	[simem:s7], [sflag:s8] =	dma.local @!p0 [hbm:s6], $0xF7A  }
0x23: {  	s9 =	sor.u32 $0xD0000000, s2;
	s6 =	simm.s32 $0x108;
	_ =	swait.ge @!p0 [sflag:s8], $0x0  }
0x24: {  	s3 =	sadd.s32 $0x88, s3;
	s6 =	simm.s32 @!p1 $0x1082;
	[sflag:s4] =	ssyncset.s32 $0xFFFFF086  }
0x25: {  	[simem:s6], [sflag:s4] =	dma.local [hbm:s3], $0xF7A  }
0x26: {  	[smem:$0x3F9B] =	sst s1;
	(tag) =	ssettag s2;
	_ =	strace s9  }
0x27: {  	s1 =	sld [smem:$0x3FAB]  }
0x28: {  	s2 =	sld [smem:$0x3FAC]  }
0x29: {  	s4 =	sld [smem:$0x3FAE]  }
0x2a: {  	p0 =	seq.s32 s5, $0x0;
	s5 =	sld [smem:$0x3FAF]  }
0x2b: {  	s6 =	sld [smem:$0x3FB0]  }
0x2c: {  	s7 =	sld [smem:$0x3FB1]  }
0x2d: {  	s3 =	simm.s32 $0x108;
	s8 =	sld [smem:$0x3FB2]  }
0x2e: {  	s3 =	simm.s32 @!p0 $0x1082;
	s9 =	sld [smem:$0x3FB3]  }
0x2f: {  	lr =	sadd.s32 s0, s3;
	s0 =	sld [smem:$0x3FAA]  }
0x30: {  	s3 =	sld [smem:$0x3FAD]  }
0x31: {  	[smem:$0x3FB6] =	sst s10  }
0x32: {  	s10 =	sld [smem:$0x3FB4];
	_ =	sdelay $0x3  }
0x33: {  	p0 =	seq.s32 s10, $0x1;
	s10 =	sld [smem:$0x3FB6];
	_ =	sdelay $0x3  }
0x34: {  	[smem:$0x3FB6] =	sst s10  }
0x35: {  	s10 =	sld [smem:$0x3FB5];
	_ =	sdelay $0x3  }
0x36: {  	p1 =	seq.s32 s10, $0x1;
	s10 =	sld [smem:$0x3FB6];
	_ =	sdelay $0x3  }
0x37: {  	[smem:$0x3FB6] =	sst s10  }
0x38: {  	s10 =	sld [smem:$0x3FB7]  }
0x39: {  	_ = 	snop;
	(pc) =	sbr.ind lr, $3  }
0x3a: {  	_ = 	snop  }
0x3b: {  	_ = 	snop  }
0x3c: {  	p2 =	seq.s32 s10, $0x1;
	s10 =	sld [smem:$0x3FB6]  }
0x3d: {  	_ =	shalt  }
0x3e: {  	_ =	shalt  }
0x3f: {  	_ =	shalt  }
0x40: {  	_ =	shalt  }
0x41: {  	_ =	shalt  }
0x42: {  	_ =	shalt  }
0x43: {  	_ =	shalt  }
0x44: {  	_ =	shalt  }
0x45: {  	_ =	shalt  }
0x46: {  	_ =	shalt  }
0x47: {  	_ =	shalt  }
0x48: {  	_ =	shalt  }
0x49: {  	_ =	shalt  }
0x4a: {  	_ =	shalt  }
0x4b: {  	_ =	shalt  }
0x4c: {  	_ =	shalt  }
0x4d: {  	_ =	shalt  }
0x4e: {  	_ =	shalt  }
0x4f: {  	_ =	shalt  }
0x50: {  	_ =	shalt  }
0x51: {  	_ =	shalt  }
0x52: {  	_ =	shalt  }
0x53: {  	_ =	shalt  }
0x54: {  	_ =	shalt  }
0x55: {  	_ =	shalt  }
0x56: {  	_ =	shalt  }
0x57: {  	_ =	shalt  }
0x58: {  	_ =	shalt  }
0x59: {  	_ =	shalt  }
0x5a: {  	_ =	shalt  }
0x5b: {  	_ =	shalt  }
0x5c: {  	_ =	shalt  }
0x5d: {  	_ =	shalt  }
0x5e: {  	_ =	shalt  }
0x5f: {  	_ =	shalt  }
0x60: {  	_ =	shalt  }
0x61: {  	_ =	shalt  }
0x62: {  	_ =	shalt  }
0x63: {  	_ =	shalt  }
0x64: {  	_ =	shalt  }
0x65: {  	_ =	shalt  }
0x66: {  	_ =	shalt  }
0x67: {  	_ =	shalt  }
0x68: {  	_ =	shalt  }
0x69: {  	_ =	shalt  }
0x6a: {  	_ =	shalt  }
0x6b: {  	_ =	shalt  }
0x6c: {  	_ =	shalt  }
0x6d: {  	_ =	shalt  }
0x6e: {  	_ =	shalt  }
0x6f: {  	_ =	shalt  }
0x70: {  	_ =	shalt  }
0x71: {  	_ =	shalt  }
0x72: {  	_ =	shalt  }
0x73: {  	_ =	shalt  }
0x74: {  	_ =	shalt  }
0x75: {  	_ =	shalt  }
0x76: {  	_ =	shalt  }
0x77: {  	_ =	shalt  }
0x78: {  	_ =	shalt  }
0x79: {  	_ =	shalt  }
0x7a: {  	_ =	shalt  }
0x7b: {  	_ =	shalt  }
0x7c: {  	_ =	shalt  }
0x7d: {  	_ =	shalt  }
0x7e: {  	_ =	shalt  }
0x7f: {  	_ =	shalt  }
0x80: {  	_ =	shalt  }
0x81: {  	_ =	shalt  }
0x82: {  	_ =	shalt  }
0x83: {  	_ =	shalt  }
0x84: {  	_ =	shalt  }
0x85: {  	_ =	shalt  }
0x86: {  	_ =	shalt  }
0x87: {  	_ =	shalt  }
.Lfunc_end0:
.L_simem_size_0:
called_computation_lowered:
.L_overlay_start_0:
0x88: {  	s0 =	sld [smem:$0x3FD9]  }
0x89: {  	s1 =	sld [smem:$0x3FFE];
	_ =	sdelay $0x3  }
0x8a: {  	s0 =	sadd.s32 s1, s0  }
0x8b: {  	[smem:$0x3FC2] =	sst s0  }
0x8c: {  	_ = 	snop  }
0x8d: {  	s0 =	sld [smem:$0x3FD0];
	(tm) =	ssettm $0x1  }
0x8e: {  	s16 =	sld [smem:$0x3FFB];
	_ =	sdelay $0x3  }
0x8f: {  	_ =	strace s16  }
0x90: {  	s1 =	sld [smem:$0x3FFC];
	_ =	sdelay $0x3  }
0x91: {  	_ =	strace s1  }
0x92: {  	s1 =	sld [smem:$0x3FFD];
	_ =	sdelay $0x3  }
0x93: {  	_ =	strace s1  }
0x94: {  	_ =	strace $0x8FFFFFFF  }
0x95: {  	s17 =	sld [smem:$0x3FDB];
	_ =	sdelay $0x1  }
0x96: {  	s2 =	simm.s32 $_scs_section_size  }
0x97: {  	s3 =	simm.s32 $_size__tile_overlayer_lowered;
	s4 =	simm.s32 $_tile_overlayer_lowered  }
0x98: {  	s20 =	simm.s32 $0x1BFF;
	s19 =	sshll.u32 s4, $0x1;
	s1 =	sadd.s32 s2, s17  }
0x99: {  	s5 =	simm.s32 $0x0;
	s18 =	sshll.u32 s3, $0x1;
	s3 =	sadd.s32 s19, s1  }
0x9a: {  	[timem:s5], [sflag:s20] =	dma.local [hbm:s3], s18  }
0x9b: {  	_ =	swait.ge [sflag:s20], s18  }
0x9c: {  	s2 =	ssub.s32 $0x0, s18;
	[sflag:s20] =	ssyncset.done $0x0  }
0x9d: {  	[sflag:s20] =	ssyncadd.s32 s2;
	_ =	sdelay $0x1  }
0x9e: {  	s21 =	simm.s32 $0x1B8B  }
0x9f: {  	_ =	swait.ge [sflag:s21], $0x1  }
0xa0: {  	[sflag:s21] =	ssyncset.done $0x0  }
0xa1: {  	s23 =	simm.s32 $0x1B8E;
	s22 =	sld [smem:$0x3FFE];
	[sflag:s21] =	ssyncadd.s32 $0xFFFFFFFF  }
0xa2: {  	s24 =	simm.s32 $execute0_lowered;
	[smem:$0x3FD2] =	sst s23  }
0xa3: {  	s3 =	sshll.u32 s24, $0x1;
	_ =	strace $0x80000046;
	[dreg:$0x1] =	wrdreg $0xFFFFFFFF  }
0xa4: {  	s25 =	simm.s32 $_size_execute0_lowered;
	s1 =	sadd.s32 s1, s3;
	[dreg:$0x0] =	wrdreg $0x0  }
0xa5: {  	s3 =	sshll.u32 s25, $0x1;
	[dreg:$0x2] =	wrdreg s1  }
0xa6: {  	[dreg:$0x3] =	wrdreg s3  }
0xa7: {  	[dreg:$0x4] =	wrdreg $0xC0  }
0xa8: {  	_ =	task [dreg:s5], $0x5FFFF  }
0xa9: {  	[dreg:$0x1] =	wrdreg $0xFFFFFFFF  }
0xaa: {  	[dreg:$0x0] =	wrdreg $0x60  }
0xab: {  	[dreg:$0x2] =	wrdreg s0  }
0xac: {  	[dreg:$0x3] =	wrdreg s22  }
0xad: {  	[dreg:$0x4] =	wrdreg $0x9  }
0xae: {  	_ =	task.clear_ibuf [dreg:s5], $0x5FFFF;
	_ =	strace $0x90000046  }
0xaf: {  	s26 =	simm.s32 $0x9;
	_ =	strace $0x80000048  }
0xb0: {  	_ =	swait.ge [sflag:s26], $0x1  }
0xb1: {  	[sflag:s26] =	ssyncadd.s32 $0xFFFFFFFF  }
0xb2: {  	_ =	strace $0x90000048  }
0xb3: {  	_ =	sfence  }
0xb4: {  	s28 =	sld [smem:$0x0];
	_ =	sdelay $0x1  }
0xb5: {  	s29 =	srdreg.scid  }
0xb6: {  	s30 =	sshll.u32 s29, $0xD;
	s31 =	sshrl.u32 s29, $0x2  }
0xb7: {  	s2 =	sand.u32 $0x4000, s30;
	s1 =	sand.u32 $0x1, s29;
	s0 =	sadd.s32 s31, s28  }
0xb8: {  	s1 =	sor.u32 s2, s1;
	s0 =	sshll.u32 s0, $0x11  }
0xb9: {  	s0 =	sor.u32 s0, s1  }
0xba: {  	s0 =	sadd.s32 $0x8F2B, s0  }
0xbb: {  	[sflag:s0] =	ssyncadd.remote.s32 $0x1  }
0xbc: {  	_ =	sfence.sel $0xFFFF  }
0xbd: {  	[dreg:$0x0] =	wrdreg $0xFFFFFFFF;
	(pc) =	sbr.abs _section_cstart, $3  }
0xbe: {  	[dreg:$0x1] =	wrdreg $0xFFFFFFFF  }
0xbf: {  	_ =	task.clear_ibuf [dreg:s5], $0x2FFFF;
	_ =	strace $0x9FFFFFFF  }
0xc0: {  	(tm) =	ssettm $0x7FFFFFFF  }
0xc1: {  	_ =	shalt  }
tec
execute0_lowered:
.L_overlay_start_1:
0x0: {  	(tag) =	ssettag $0x1  }
0x1: {  	s5 =	rddreg [dreg:$0x0];
	s1 =	stileid.u32  }
0x2: {  	s4 =	rddreg [dreg:$0x1];
	s2 =	sshrl.u32 s1, $0x3;
	s3 =	sshll.u32 s1, $0x7  }
0x3: {  	s0 =	rddreg [dreg:$0x2];
	s3 =	sand.u32 $0x380, s3;
	s7 =	sshll.u32 s2, $0xC  }
0x4: {  	s6 =	simm.s32 $0x0;
	s30 =	simm.s32 $0x80;
	s7 =	sor.u32 s3, s7  }
0x5: {  	s8 =	simm.s32 $0x400;
	[smem:$0x7FF] =	sst s6;
	s7 =	sshrl.u32 s7, $0x3  }
0x6: {  	s31 =	simm.s32 $0x1;
	_ =	strace $0x80000047;
	s5 =	sadd.s32 s5, s7  }
0x7: {  	[tilespmem:s6], [sflag:$0x1] =	stream.strided.gather [hbm4b:s5+s30], $0x200, s8, s30, $0x38;
	[tilespmem:$0x280] =	vst v63  }
0x8: {  	_ =	swait.ge [sflag:s31], $0x200  }
0x9: {  	[sflag:s31] =	ssyncset.done $0x0  }
0xa: {  	[sflag:s31] =	ssyncadd.s32 $0xFFFFFE00  }
0xb: {  	v0 =	vld [tilespmem:$0x0]  }
0xc: {  	v1 =	vld [tilespmem:$0x10]  }
0xd: {  	v3 =	vld [tilespmem:$0x20]  }
0xe: {  	v4 =	vld [tilespmem:$0x30]  }
0xf: {  	v5 =	vld [tilespmem:$0x40]  }
0x10: {  	v6 =	vld [tilespmem:$0x60];
	v2 =	vand.u32 $0x7FFFFFFF, v0  }
0x11: {  	v0 =	vld [tilespmem:$0x50];
	v1 =	vand.u32 $0x7FFFFFFF, v1;
	[tilespmem:$0x0] =	vst v2  }
0x12: {  	v7 =	vand.u32 $0x7FFFFFFF, v3;
	v3 =	vld [tilespmem:$0x70];
	[tilespmem:$0x10] =	vst v1  }
0x13: {  	v9 =	vand.u32 $0x7FFFFFFF, v4;
	v4 =	vld [tilespmem:$0x80];
	[tilespmem:$0x20] =	vst v7  }
0x14: {  	v10 =	vand.u32 $0x7FFFFFFF, v5;
	v5 =	vld [tilespmem:$0x90];
	[tilespmem:$0x30] =	vst v9  }
0x15: {  	v22 =	vand.u32 $0x7FFFFFFF, v6;
	v6 =	vld [tilespmem:$0xB0];
	[tilespmem:$0x40] =	vst v10  }
0x16: {  	[tilespmem:$0x60] =	vst v22;
	v11 =	vand.u32 $0x7FFFFFFF, v0;
	v0 =	vld [tilespmem:$0xA0]  }
0x17: {  	v12 =	vand.u32 $0x7FFFFFFF, v3;
	v3 =	vld [tilespmem:$0xC0];
	[tilespmem:$0x50] =	vst v11  }
0x18: {  	v23 =	vand.u32 $0x7FFFFFFF, v4;
	v4 =	vld [tilespmem:$0xD0];
	[tilespmem:$0x70] =	vst v12  }
0x19: {  	v13 =	vand.u32 $0x7FFFFFFF, v5;
	v5 =	vld [tilespmem:$0xE0];
	[tilespmem:$0x80] =	vst v23  }
0x1a: {  	v14 =	vand.u32 $0x7FFFFFFF, v6;
	v6 =	vld [tilespmem:$0x100];
	[tilespmem:$0x90] =	vst v13  }
0x1b: {  	[tilespmem:$0xB0] =	vst v14;
	v24 =	vand.u32 $0x7FFFFFFF, v0;
	v0 =	vld [tilespmem:$0xF0]  }
0x1c: {  	v25 =	vand.u32 $0x7FFFFFFF, v3;
	v3 =	vld [tilespmem:$0x110];
	[tilespmem:$0xA0] =	vst v24  }
0x1d: {  	v15 =	vand.u32 $0x7FFFFFFF, v4;
	v4 =	vld [tilespmem:$0x120];
	[tilespmem:$0xC0] =	vst v25  }
0x1e: {  	v26 =	vand.u32 $0x7FFFFFFF, v5;
	v5 =	vld [tilespmem:$0x130];
	[tilespmem:$0xD0] =	vst v15  }
0x1f: {  	v27 =	vand.u32 $0x7FFFFFFF, v6;
	v6 =	vld [tilespmem:$0x150];
	[tilespmem:$0xE0] =	vst v26  }
0x20: {  	[tilespmem:$0x100] =	vst v27;
	v16 =	vand.u32 $0x7FFFFFFF, v0;
	v0 =	vld [tilespmem:$0x140]  }
0x21: {  	v17 =	vand.u32 $0x7FFFFFFF, v3;
	v3 =	vld [tilespmem:$0x160];
	[tilespmem:$0xF0] =	vst v16  }
0x22: {  	v28 =	vand.u32 $0x7FFFFFFF, v4;
	v4 =	vld [tilespmem:$0x170];
	[tilespmem:$0x110] =	vst v17  }
0x23: {  	v18 =	vand.u32 $0x7FFFFFFF, v5;
	v5 =	vld [tilespmem:$0x180];
	[tilespmem:$0x120] =	vst v28  }
0x24: {  	v19 =	vand.u32 $0x7FFFFFFF, v6;
	v6 =	vld [tilespmem:$0x1A0];
	[tilespmem:$0x130] =	vst v18  }
0x25: {  	[tilespmem:$0x150] =	vst v19;
	v29 =	vand.u32 $0x7FFFFFFF, v0;
	v0 =	vld [tilespmem:$0x190]  }
0x26: {  	v30 =	vand.u32 $0x7FFFFFFF, v3;
	v3 =	vld [tilespmem:$0x1B0];
	[tilespmem:$0x140] =	vst v29  }
0x27: {  	v20 =	vand.u32 $0x7FFFFFFF, v4;
	v4 =	vld [tilespmem:$0x1C0];
	[tilespmem:$0x160] =	vst v30  }
0x28: {  	v31 =	vand.u32 $0x7FFFFFFF, v5;
	v5 =	vld [tilespmem:$0x1D0];
	[tilespmem:$0x170] =	vst v20  }
0x29: {  	v33 =	vld [tilespmem:$0x1F0];
	v32 =	vand.u32 $0x7FFFFFFF, v6;
	[tilespmem:$0x180] =	vst v31  }
0x2a: {  	[tilespmem:$0x1A0] =	vst v32;
	v21 =	vand.u32 $0x7FFFFFFF, v0;
	v0 =	vld [tilespmem:$0x1E0]  }
0x2b: {  	v8 =	vand.u32 $0x7FFFFFFF, v3;
	[tilespmem:$0x190] =	vst v21  }
0x2c: {  	v6 =	vand.u32 $0x7FFFFFFF, v4;
	[tilespmem:$0x1B0] =	vst v8  }
0x2d: {  	v5 =	vand.u32 $0x7FFFFFFF, v5;
	[tilespmem:$0x1C0] =	vst v6  }
0x2e: {  	v4 =	vand.u32 $0x7FFFFFFF, v33;
	[tilespmem:$0x1D0] =	vst v5  }
0x2f: {  	s4 =	sadd.s32 $0x400, s4;
	[tilespmem:$0x1F0] =	vst v4;
	v3 =	vand.u32 $0x7FFFFFFF, v0  }
0x30: {  	s7 =	simm.s32 $0x40000000;
	s5 =	simm.s32 $0x40000000;
	s6 =	simm.s32 $0x1;
	v0 =	vimm.s32 $0x0;
	[tilespmem:$0x1E0] =	vst v3  }
.LBB2_1:
0x31: {  	p0 =	sne.s32 s6, $0x1E;
	v33 =	vor.u32 s7, v0  }
0x32: {  	vm0 =	vge.s32 v2, v33;
	vm1 =	vge.s32 v1, v33  }
0x33: {  	v34 =	vmpcnt.ones.xlane vm0;
	v35 =	vmpcnt.ones.xlane vm1;
	vm0 =	vge.s32 v7, v33  }
0x34: {  	v36 =	vmpcnt.ones.xlane vm0;
	vm0 =	vge.s32 v9, v33  }
0x35: {  	v34 =	vadd.s32 v34, v35;
	v35 =	vmpcnt.ones.xlane vm0;
	vm0 =	vge.s32 v10, v33  }
0x36: {  	v34 =	vadd.s32 v36, v34;
	v36 =	vmpcnt.ones.xlane vm0;
	vm0 =	vge.s32 v11, v33  }
0x37: {  	v34 =	vadd.s32 v35, v34;
	v35 =	vmpcnt.ones.xlane vm0;
	vm0 =	vge.s32 v22, v33  }
0x38: {  	v34 =	vadd.s32 v36, v34;
	v36 =	vmpcnt.ones.xlane vm0;
	vm0 =	vge.s32 v12, v33  }
0x39: {  	v34 =	vadd.s32 v35, v34;
	v35 =	vmpcnt.ones.xlane vm0;
	vm0 =	vge.s32 v23, v33  }
0x3a: {  	v34 =	vadd.s32 v36, v34;
	v36 =	vmpcnt.ones.xlane vm0;
	vm0 =	vge.s32 v13, v33  }
0x3b: {  	v34 =	vadd.s32 v35, v34;
	v35 =	vmpcnt.ones.xlane vm0;
	vm0 =	vge.s32 v24, v33  }
0x3c: {  	v34 =	vadd.s32 v36, v34;
	v36 =	vmpcnt.ones.xlane vm0;
	vm0 =	vge.s32 v14, v33  }
0x3d: {  	v34 =	vadd.s32 v35, v34;
	v35 =	vmpcnt.ones.xlane vm0;
	vm0 =	vge.s32 v25, v33  }
0x3e: {  	v34 =	vadd.s32 v36, v34;
	v36 =	vmpcnt.ones.xlane vm0;
	vm0 =	vge.s32 v15, v33  }
0x3f: {  	v34 =	vadd.s32 v35, v34;
	v35 =	vmpcnt.ones.xlane vm0;
	vm0 =	vge.s32 v26, v33  }
0x40: {  	v34 =	vadd.s32 v36, v34;
	v36 =	vmpcnt.ones.xlane vm0;
	vm0 =	vge.s32 v16, v33  }
0x41: {  	v34 =	vadd.s32 v35, v34;
	v35 =	vmpcnt.ones.xlane vm0;
	vm0 =	vge.s32 v27, v33  }
0x42: {  	v34 =	vadd.s32 v36, v34;
	v36 =	vmpcnt.ones.xlane vm0;
	vm0 =	vge.s32 v17, v33  }
0x43: {  	v34 =	vadd.s32 v35, v34;
	v35 =	vmpcnt.ones.xlane vm0;
	vm0 =	vge.s32 v28, v33  }
0x44: {  	v34 =	vadd.s32 v36, v34;
	v36 =	vmpcnt.ones.xlane vm0;
	vm0 =	vge.s32 v18, v33  }
0x45: {  	v34 =	vadd.s32 v35, v34;
	v35 =	vmpcnt.ones.xlane vm0;
	vm0 =	vge.s32 v29, v33  }
0x46: {  	v34 =	vadd.s32 v36, v34;
	v36 =	vmpcnt.ones.xlane vm0;
	vm0 =	vge.s32 v19, v33  }
0x47: {  	v34 =	vadd.s32 v35, v34;
	v35 =	vmpcnt.ones.xlane vm0;
	vm0 =	vge.s32 v30, v33  }
0x48: {  	v34 =	vadd.s32 v36, v34;
	v36 =	vmpcnt.ones.xlane vm0;
	vm0 =	vge.s32 v20, v33  }
0x49: {  	v34 =	vadd.s32 v35, v34;
	v35 =	vmpcnt.ones.xlane vm0;
	vm0 =	vge.s32 v31, v33  }
0x4a: {  	v34 =	vadd.s32 v36, v34;
	v36 =	vmpcnt.ones.xlane vm0;
	vm0 =	vge.s32 v21, v33  }
0x4b: {  	v34 =	vadd.s32 v35, v34;
	v35 =	vmpcnt.ones.xlane vm0;
	vm0 =	vge.s32 v32, v33  }
0x4c: {  	v34 =	vadd.s32 v36, v34;
	v36 =	vmpcnt.ones.xlane vm0;
	vm0 =	vge.s32 v8, v33  }
0x4d: {  	v34 =	vadd.s32 v35, v34;
	v35 =	vmpcnt.ones.xlane vm0;
	vm0 =	vge.s32 v6, v33  }
0x4e: {  	v34 =	vadd.s32 v36, v34;
	v36 =	vmpcnt.ones.xlane vm0;
	vm0 =	vge.s32 v5, v33  }
0x4f: {  	v34 =	vadd.s32 v35, v34;
	v35 =	vmpcnt.ones.xlane vm0;
	vm0 =	vge.s32 v3, v33  }
0x50: {  	v34 =	vadd.s32 v36, v34;
	v36 =	vmpcnt.ones.xlane vm0;
	vm0 =	vge.s32 v4, v33  }
.Ltmp0:
0x51: {  	v34 =	vadd.s32 v35, v34;
	v35 =	vmpcnt.ones.xlane vm0;
	(pc) =	sbr.rel @p0 .LBB2_1-.Ltmp0, $4  }
0x52: {  	v34 =	vadd.s32 v36, v34  }
0x53: {  	v34 =	vadd.s32 v35, v34  }
0x54: {  	vm0 =	vgt.s32 v34, $0x7F  }
0x55: {  	s7 =	sshrl.u32 s5, s6;
	s6 =	sadd.s32 $0x1, s6;
	v0 =	vsel vm0, v33, v0  }
0x56: {  	v33 =	vor.u32 s7, v0  }
0x57: {  	vm0 =	vge.s32 v2, v33;
	vm1 =	vge.s32 v1, v33  }
0x58: {  	vm9 =	vge.s32 v7, v33;
	v34 =	vmpcnt.ones.xlane vm0;
	v35 =	vmpcnt.ones.xlane vm1  }
0x59: {  	vm10 =	vge.s32 v9, v33;
	v36 =	vmpcnt.ones.xlane vm9  }
0x5a: {  	vm11 =	vge.s32 v10, v33;
	v54 =	vmpcnt.ones.xlane vm10;
	v34 =	vadd.s32 v34, v35  }
0x5b: {  	vm12 =	vge.s32 v11, v33;
	v55 =	vmpcnt.ones.xlane vm11;
	v34 =	vadd.s32 v36, v34  }
0x5c: {  	vm13 =	vge.s32 v22, v33;
	v56 =	vmpcnt.ones.xlane vm12;
	v34 =	vadd.s32 v54, v34  }
0x5d: {  	vm14 =	vge.s32 v12, v33;
	v57 =	vmpcnt.ones.xlane vm13;
	v34 =	vadd.s32 v55, v34  }
0x5e: {  	vm15 =	vge.s32 v23, v33;
	v58 =	vmpcnt.ones.xlane vm14;
	v34 =	vadd.s32 v56, v34  }
0x5f: {  	vm4 =	vge.s32 v13, v33;
	v59 =	vmpcnt.ones.xlane vm15;
	v34 =	vadd.s32 v57, v34  }
0x60: {  	vm5 =	vge.s32 v24, v33;
	v60 =	vmpcnt.ones.xlane vm4;
	v34 =	vadd.s32 v58, v34  }
0x61: {  	vm6 =	vge.s32 v14, v33;
	v61 =	vmpcnt.ones.xlane vm5;
	v34 =	vadd.s32 v59, v34  }
0x62: {  	vm7 =	vge.s32 v25, v33;
	v62 =	vmpcnt.ones.xlane vm6;
	v34 =	vadd.s32 v60, v34  }
0x63: {  	vm8 =	vge.s32 v15, v33;
	v63 =	vmpcnt.ones.xlane vm7;
	v34 =	vadd.s32 v61, v34  }
0x64: {  	v40 =	vmpcnt.ones.xlane vm8;
	vm9 =	vge.s32 v26, v33;
	v34 =	vadd.s32 v62, v34  }
0x65: {  	vm10 =	vge.s32 v16, v33;
	v41 =	vmpcnt.ones.xlane vm9;
	v34 =	vadd.s32 v63, v34  }
0x66: {  	vm11 =	vge.s32 v27, v33;
	v42 =	vmpcnt.ones.xlane vm10;
	v34 =	vadd.s32 v40, v34  }
0x67: {  	vm12 =	vge.s32 v17, v33;
	v43 =	vmpcnt.ones.xlane vm11;
	v34 =	vadd.s32 v41, v34  }
0x68: {  	vm13 =	vge.s32 v28, v33;
	v44 =	vmpcnt.ones.xlane vm12;
	v34 =	vadd.s32 v42, v34  }
0x69: {  	vm14 =	vge.s32 v18, v33;
	v45 =	vmpcnt.ones.xlane vm13;
	v34 =	vadd.s32 v43, v34  }
0x6a: {  	vm15 =	vge.s32 v29, v33;
	v46 =	vmpcnt.ones.xlane vm14;
	v34 =	vadd.s32 v44, v34  }
0x6b: {  	vm4 =	vge.s32 v19, v33;
	v47 =	vmpcnt.ones.xlane vm15;
	v34 =	vadd.s32 v45, v34  }
0x6c: {  	vm5 =	vge.s32 v30, v33;
	v48 =	vmpcnt.ones.xlane vm4;
	v34 =	vadd.s32 v46, v34  }
0x6d: {  	vm6 =	vge.s32 v20, v33;
	v49 =	vmpcnt.ones.xlane vm5;
	v34 =	vadd.s32 v47, v34  }
0x6e: {  	vm7 =	vge.s32 v31, v33;
	v50 =	vmpcnt.ones.xlane vm6;
	v34 =	vadd.s32 v48, v34  }
0x6f: {  	vm8 =	vge.s32 v21, v33;
	v51 =	vmpcnt.ones.xlane vm7;
	v34 =	vadd.s32 v49, v34  }
0x70: {  	v52 =	vmpcnt.ones.xlane vm8;
	vm9 =	vge.s32 v32, v33;
	v34 =	vadd.s32 v50, v34  }
0x71: {  	vm10 =	vge.s32 v8, v33;
	v53 =	vmpcnt.ones.xlane vm9;
	v34 =	vadd.s32 v51, v34  }
0x72: {  	vm11 =	vge.s32 v6, v33;
	v54 =	vmpcnt.ones.xlane vm10;
	v34 =	vadd.s32 v52, v34  }
0x73: {  	vm12 =	vge.s32 v5, v33;
	v55 =	vmpcnt.ones.xlane vm11;
	v34 =	vadd.s32 v53, v34  }
0x74: {  	vm13 =	vge.s32 v3, v33;
	v56 =	vmpcnt.ones.xlane vm12;
	v34 =	vadd.s32 v54, v34  }
0x75: {  	vm14 =	vge.s32 v4, v33;
	v57 =	vmpcnt.ones.xlane vm13;
	v34 =	vadd.s32 v55, v34  }
0x76: {  	v58 =	vmpcnt.ones.xlane vm14;
	v34 =	vadd.s32 v56, v34  }
0x77: {  	v34 =	vadd.s32 v57, v34  }
0x78: {  	v34 =	vadd.s32 v58, v34  }
0x79: {  	vm15 =	vgt.s32 v34, $0x7F  }
0x7a: {  	v0 =	vsel vm15, v33, v0  }
0x7b: {  	v33 =	vadd.s32 $0x1, v0  }
0x7c: {  	vm4 =	vge.s32 v2, v33  }
0x7d: {  	vm5 =	vge.s32 v1, v33;
	vm6 =	vge.s32 v7, v33;
	vm7 =	vge.s32 v9, v33  }
0x7e: {  	vm8 =	vge.s32 v10, v33;
	v59 =	vmpcnt.ones.xlane vm4;
	v60 =	vmpcnt.ones.xlane vm5  }
0x7f: {  	vm9 =	vge.s32 v11, v33;
	vm10 =	vge.s32 v22, v33;
	v7 =	vmpcnt.ones.xlane vm6  }
0x80: {  	vm11 =	vge.s32 v12, v33;
	v9 =	vmpcnt.ones.xlane vm7;
	v1 =	vadd.s32 v60, v59  }
0x81: {  	vm12 =	vge.s32 v23, v33;
	v10 =	vmpcnt.ones.xlane vm8;
	v1 =	vadd.s32 v7, v1  }
0x82: {  	vm13 =	vge.s32 v13, v33;
	v11 =	vmpcnt.ones.xlane vm9;
	v1 =	vadd.s32 v9, v1  }
0x83: {  	vm14 =	vge.s32 v24, v33;
	v22 =	vmpcnt.ones.xlane vm10;
	v1 =	vadd.s32 v10, v1  }
0x84: {  	vm15 =	vge.s32 v14, v33;
	v61 =	vmpcnt.ones.xlane vm11;
	v1 =	vadd.s32 v11, v1  }
0x85: {  	v62 =	vmpcnt.ones.xlane vm12;
	v63 =	vmpcnt.ones.xlane vm13;
	v1 =	vadd.s32 v22, v1  }
0x86: {  	v23 =	vmpcnt.ones.xlane vm14;
	vm4 =	vge.s32 v25, v33;
	v1 =	vadd.s32 v61, v1  }
0x87: {  	v24 =	vmpcnt.ones.xlane vm15;
	vm5 =	vge.s32 v15, v33;
	v1 =	vadd.s32 v62, v1  }
0x88: {  	vm6 =	vge.s32 v26, v33;
	vm7 =	vge.s32 v16, v33;
	v1 =	vadd.s32 v63, v1  }
0x89: {  	vm8 =	vge.s32 v27, v33;
	v25 =	vmpcnt.ones.xlane vm4;
	v1 =	vadd.s32 v23, v1  }
0x8a: {  	vm9 =	vge.s32 v17, v33;
	v26 =	vmpcnt.ones.xlane vm5;
	v1 =	vadd.s32 v24, v1  }
0x8b: {  	vm10 =	vge.s32 v28, v33;
	v34 =	vmpcnt.ones.xlane vm6;
	v1 =	vadd.s32 v25, v1  }
0x8c: {  	vm11 =	vge.s32 v18, v33;
	v35 =	vmpcnt.ones.xlane vm7;
	v1 =	vadd.s32 v26, v1  }
0x8d: {  	vm12 =	vge.s32 v29, v33;
	v36 =	vmpcnt.ones.xlane vm8;
	v1 =	vadd.s32 v34, v1  }
0x8e: {  	vm13 =	vge.s32 v19, v33;
	v37 =	vmpcnt.ones.xlane vm9;
	v1 =	vadd.s32 v35, v1  }
0x8f: {  	vm14 =	vge.s32 v30, v33;
	v38 =	vmpcnt.ones.xlane vm10;
	v1 =	vadd.s32 v36, v1  }
0x90: {  	vm15 =	vge.s32 v20, v33;
	v39 =	vmpcnt.ones.xlane vm11;
	v1 =	vadd.s32 v37, v1  }
0x91: {  	v40 =	vmpcnt.ones.xlane vm12;
	v41 =	vmpcnt.ones.xlane vm13;
	v1 =	vadd.s32 v38, v1  }
0x92: {  	v42 =	vmpcnt.ones.xlane vm14;
	vm4 =	vge.s32 v31, v33;
	v1 =	vadd.s32 v39, v1  }
0x93: {  	v43 =	vmpcnt.ones.xlane vm15;
	vm5 =	vge.s32 v21, v33;
	v1 =	vadd.s32 v40, v1  }
0x94: {  	vm6 =	vge.s32 v32, v33;
	vm7 =	veq.s32 v2, v0;
	v1 =	vadd.s32 v41, v1  }
0x95: {  	vm8 =	vge.s32 v8, v33;
	v44 =	vmpcnt.ones.xlane vm4;
	v1 =	vadd.s32 v42, v1  }
0x96: {  	v45 =	vmpcnt.ones.xlane vm5;
	v7 =	vadd.s32 v43, v1;
	v1 =	vimm.s32 $0x0  }
0x97: {  	v46 =	vmpcnt.ones.xlane vm6;
	v7 =	vadd.s32 v44, v7;
	v47 =	vsel vm7, $0x1, v1  }
0x98: {  	vm9 =	vge.s32 v6, v33;
	v48 =	vmpcnt.ones.xlane vm8;
	v49 =	vadd.s32 v45, v7;
	(xrf0) =	vadd.scan.msk.s32 $0xffff, v47  }
0x99: {  	vm10 =	vge.s32 v5, v33;
	v50 =	vmpcnt.ones.xlane vm9;
	v51 =	vadd.s32 v46, v49  }
0x9a: {  	vm11 =	vge.s32 v3, v33;
	v52 =	vmpcnt.ones.xlane vm10;
	v53 =	vadd.s32 v48, v51  }
0x9b: {  	vm12 =	vge.s32 v4, v33;
	v54 =	vmpcnt.ones.xlane vm11;
	v3 =	vadd.s32 v50, v53  }
0x9c: {  	v4 =	vmpcnt.ones.xlane vm12;
	v3 =	vadd.s32 v52, v3  }
0x9d: {  	v3 =	vadd.s32 v54, v3  }
0x9e: {  	v3 =	vadd.s32 v4, v3;
	v55, _, _ =	vpop (xrf0)  }
0x9f: {  	v3 =	vsub.s32 $0x80, v3;
	v4 =	vsub.s32 v55, v47  }
0xa0: {  	vm13 =	vlt.s32 v4, v3  }
0xa1: {  	vm2 =	vgt.s32 v2, v0;
	vm1 =	vmand vm7, vm13  }
0xa2: {  	vm1 =	vmor vm2, vm1  }
0xa3: {  	v56 =	vsel vm1, $0x1, v1  }
0xa4: {  	(xrf0) =	vadd.scan.msk.s32 $0xffff, v56;
	_ =	sdelay $0x5  }
0xa5: {  	v57, _, _ =	vpop (xrf0)  }
0xa6: {  	v4 =	vsub.s32 v57, v56;
	_ =	sdelay $0x3  }
0xa7: {  	s5 =	simm.s32 $0x200;
	v2 =	vlaneseq.u32  }
0xa8: {  	[tilespmem:v4+s5+$0x0] =	vst.idx.msk vm1, v2  }
0xa9: {  	v4 =	vld [tilespmem:$0x10];
	_ =	sdelay $0x4  }
0xaa: {  	vm14 =	veq.s32 v4, v0  }
0xab: {  	v58 =	vsel vm14, $0x1, v1  }
0xac: {  	(xrf0) =	vadd.scan.msk.s32 $0xffff, v58;
	_ =	sdelay $0x3  }
0xad: {  	v59 =	vmpcnt.ones.xlane vm7  }
0xae: {  	v60 =	vsel vm14, $0xFFFFFFFF, v1  }
0xaf: {  	v6 =	vadd.s32 v60, v59;
	v61, _, _ =	vpop (xrf0)  }
0xb0: {  	v6 =	vadd.s32 v61, v6  }
0xb1: {  	vm15 =	vlt.s32 v6, v3  }
0xb2: {  	vm3 =	vgt.s32 v4, v0;
	vm0 =	vmand vm14, vm15  }
0xb3: {  	vm0 =	vmor vm3, vm0  }
0xb4: {  	v62 =	vsel vm0, $0x1, v1  }
0xb5: {  	(xrf0) =	vadd.scan.msk.s32 $0xffff, v62;
	_ =	sdelay $0x3  }
0xb6: {  	v63 =	vmpcnt.ones.xlane vm1  }
0xb7: {  	v12 =	vsel vm0, $0xFFFFFFFF, v1  }
0xb8: {  	v6 =	vadd.s32 v12, v63;
	v13, _, _ =	vpop (xrf0)  }
0xb9: {  	v6 =	vadd.s32 v13, v6;
	_ =	sdelay $0x3  }
0xba: {  	v14 =	vor.u32 $0x10, v2  }
0xbb: {  	[tilespmem:v6+s5+$0x0] =	vst.idx.msk vm0, v14  }
0xbc: {  	v6 =	vld [tilespmem:$0x20];
	_ =	sdelay $0x4  }
0xbd: {  	vm6 =	veq.s32 v6, v0  }
0xbe: {  	v15 =	vsel vm6, $0x1, v1  }
0xbf: {  	(xrf0) =	vadd.scan.msk.s32 $0xffff, v15;
	_ =	sdelay $0x2  }
0xc0: {  	v16 =	vmpcnt.ones.xlane vm14;
	_ =	sdelay $0x1  }
0xc1: {  	v5 =	vadd.s32 v59, v16;
	v17 =	vsel vm6, $0xFFFFFFFF, v1  }
0xc2: {  	v7 =	vadd.s32 v17, v5;
	v18, _, _ =	vpop (xrf0)  }
0xc3: {  	v7 =	vadd.s32 v18, v7  }
0xc4: {  	vm7 =	vlt.s32 v7, v3  }
0xc5: {  	vm8 =	vgt.s32 v6, v0;
	vm2 =	vmand vm6, vm7  }
0xc6: {  	vm2 =	vmor vm8, vm2  }
0xc7: {  	v19 =	vsel vm2, $0x1, v1  }
0xc8: {  	(xrf0) =	vadd.scan.msk.s32 $0xffff, v19;
	_ =	sdelay $0x2  }
0xc9: {  	v20 =	vmpcnt.ones.xlane vm0;
	_ =	sdelay $0x1  }
0xca: {  	v4 =	vadd.s32 v63, v20;
	v21 =	vsel vm2, $0xFFFFFFFF, v1  }
0xcb: {  	v6 =	vadd.s32 v21, v4;
	v22, _, _ =	vpop (xrf0)  }
0xcc: {  	v6 =	vadd.s32 v22, v6;
	_ =	sdelay $0x3  }
0xcd: {  	v23 =	vor.u32 $0x20, v2  }
0xce: {  	[tilespmem:v6+s5+$0x0] =	vst.idx.msk vm2, v23  }
0xcf: {  	v6 =	vld [tilespmem:$0x30];
	_ =	sdelay $0x4  }
0xd0: {  	vm9 =	veq.s32 v6, v0  }
0xd1: {  	v24 =	vsel vm9, $0x1, v1  }
0xd2: {  	(xrf0) =	vadd.scan.msk.s32 $0xffff, v24;
	_ =	sdelay $0x2  }
0xd3: {  	v25 =	vmpcnt.ones.xlane vm6;
	_ =	sdelay $0x1  }
0xd4: {  	v5 =	vadd.s32 v5, v25;
	v26 =	vsel vm9, $0xFFFFFFFF, v1  }
0xd5: {  	v7 =	vadd.s32 v26, v5;
	v27, _, _ =	vpop (xrf0)  }
0xd6: {  	v7 =	vadd.s32 v27, v7  }
0xd7: {  	vm10 =	vlt.s32 v7, v3  }
0xd8: {  	vm11 =	vgt.s32 v6, v0;
	vm1 =	vmand vm9, vm10  }
0xd9: {  	vm1 =	vmor vm11, vm1  }
0xda: {  	v28 =	vsel vm1, $0x1, v1  }
0xdb: {  	(xrf0) =	vadd.scan.msk.s32 $0xffff, v28;
	_ =	sdelay $0x2  }
0xdc: {  	v29 =	vmpcnt.ones.xlane vm2;
	_ =	sdelay $0x1  }
0xdd: {  	v4 =	vadd.s32 v4, v29;
	v30 =	vsel vm1, $0xFFFFFFFF, v1  }
0xde: {  	v6 =	vadd.s32 v30, v4;
	v31, _, _ =	vpop (xrf0)  }
0xdf: {  	v6 =	vadd.s32 v31, v6;
	_ =	sdelay $0x3  }
0xe0: {  	v32 =	vor.u32 $0x30, v2  }
0xe1: {  	[tilespmem:v6+s5+$0x0] =	vst.idx.msk vm1, v32  }
0xe2: {  	v6 =	vld [tilespmem:$0x40];
	_ =	sdelay $0x4  }
0xe3: {  	vm12 =	veq.s32 v6, v0  }
0xe4: {  	v33 =	vsel vm12, $0x1, v1  }
0xe5: {  	(xrf0) =	vadd.scan.msk.s32 $0xffff, v33;
	_ =	sdelay $0x2  }
0xe6: {  	v34 =	vmpcnt.ones.xlane vm9;
	_ =	sdelay $0x1  }
0xe7: {  	v5 =	vadd.s32 v5, v34;
	v35 =	vsel vm12, $0xFFFFFFFF, v1  }
0xe8: {  	v7 =	vadd.s32 v35, v5;
	v36, _, _ =	vpop (xrf0)  }
0xe9: {  	v7 =	vadd.s32 v36, v7  }
0xea: {  	vm13 =	vlt.s32 v7, v3  }
0xeb: {  	vm14 =	vgt.s32 v6, v0;
	vm0 =	vmand vm12, vm13  }
0xec: {  	vm0 =	vmor vm14, vm0  }
0xed: {  	v37 =	vsel vm0, $0x1, v1  }
0xee: {  	(xrf0) =	vadd.scan.msk.s32 $0xffff, v37;
	_ =	sdelay $0x2  }
0xef: {  	v38 =	vmpcnt.ones.xlane vm1;
	_ =	sdelay $0x1  }
0xf0: {  	v4 =	vadd.s32 v4, v38;
	v39 =	vsel vm0, $0xFFFFFFFF, v1  }
0xf1: {  	v6 =	vadd.s32 v39, v4;
	v40, _, _ =	vpop (xrf0)  }
0xf2: {  	v6 =	vadd.s32 v40, v6;
	_ =	sdelay $0x3  }
0xf3: {  	v41 =	vor.u32 $0x40, v2  }
0xf4: {  	[tilespmem:v6+s5+$0x0] =	vst.idx.msk vm0, v41  }
0xf5: {  	v6 =	vld [tilespmem:$0x50];
	_ =	sdelay $0x4  }
0xf6: {  	vm15 =	veq.s32 v6, v0  }
0xf7: {  	v42 =	vsel vm15, $0x1, v1  }
0xf8: {  	(xrf0) =	vadd.scan.msk.s32 $0xffff, v42;
	_ =	sdelay $0x2  }
0xf9: {  	v43 =	vmpcnt.ones.xlane vm12;
	_ =	sdelay $0x1  }
0xfa: {  	v5 =	vadd.s32 v5, v43;
	v44 =	vsel vm15, $0xFFFFFFFF, v1  }
0xfb: {  	v7 =	vadd.s32 v44, v5;
	v45, _, _ =	vpop (xrf0)  }
0xfc: {  	v7 =	vadd.s32 v45, v7  }
0xfd: {  	vm6 =	vlt.s32 v7, v3  }
0xfe: {  	vm7 =	vgt.s32 v6, v0;
	vm2 =	vmand vm15, vm6  }
0xff: {  	vm2 =	vmor vm7, vm2  }
0x100: {  	v46 =	vsel vm2, $0x1, v1  }
0x101: {  	(xrf0) =	vadd.scan.msk.s32 $0xffff, v46;
	_ =	sdelay $0x2  }
0x102: {  	v47 =	vmpcnt.ones.xlane vm0;
	_ =	sdelay $0x1  }
0x103: {  	v4 =	vadd.s32 v4, v47;
	v48 =	vsel vm2, $0xFFFFFFFF, v1  }
0x104: {  	v6 =	vadd.s32 v48, v4;
	v49, _, _ =	vpop (xrf0)  }
0x105: {  	v6 =	vadd.s32 v49, v6;
	_ =	sdelay $0x3  }
0x106: {  	v50 =	vor.u32 $0x50, v2  }
0x107: {  	[tilespmem:v6+s5+$0x0] =	vst.idx.msk vm2, v50  }
0x108: {  	v6 =	vld [tilespmem:$0x60];
	_ =	sdelay $0x4  }
0x109: {  	vm8 =	veq.s32 v6, v0  }
0x10a: {  	v51 =	vsel vm8, $0x1, v1  }
0x10b: {  	(xrf0) =	vadd.scan.msk.s32 $0xffff, v51;
	_ =	sdelay $0x2  }
0x10c: {  	v52 =	vmpcnt.ones.xlane vm15;
	_ =	sdelay $0x1  }
0x10d: {  	v5 =	vadd.s32 v5, v52;
	v53 =	vsel vm8, $0xFFFFFFFF, v1  }
0x10e: {  	v7 =	vadd.s32 v53, v5;
	v54, _, _ =	vpop (xrf0)  }
0x10f: {  	v7 =	vadd.s32 v54, v7  }
0x110: {  	vm9 =	vlt.s32 v7, v3  }
0x111: {  	vm10 =	vgt.s32 v6, v0;
	vm1 =	vmand vm8, vm9  }
0x112: {  	vm1 =	vmor vm10, vm1  }
0x113: {  	v55 =	vsel vm1, $0x1, v1  }
0x114: {  	(xrf0) =	vadd.scan.msk.s32 $0xffff, v55;
	_ =	sdelay $0x2  }
0x115: {  	v56 =	vmpcnt.ones.xlane vm2;
	_ =	sdelay $0x1  }
0x116: {  	v4 =	vadd.s32 v4, v56;
	v57 =	vsel vm1, $0xFFFFFFFF, v1  }
0x117: {  	v6 =	vadd.s32 v57, v4;
	v58, _, _ =	vpop (xrf0)  }
0x118: {  	v6 =	vadd.s32 v58, v6;
	_ =	sdelay $0x3  }
0x119: {  	v59 =	vor.u32 $0x60, v2  }
0x11a: {  	[tilespmem:v6+s5+$0x0] =	vst.idx.msk vm1, v59  }
0x11b: {  	v6 =	vld [tilespmem:$0x70];
	_ =	sdelay $0x4  }
0x11c: {  	vm11 =	veq.s32 v6, v0  }
0x11d: {  	v60 =	vsel vm11, $0x1, v1  }
0x11e: {  	(xrf0) =	vadd.scan.msk.s32 $0xffff, v60;
	_ =	sdelay $0x2  }
0x11f: {  	v61 =	vmpcnt.ones.xlane vm8;
	_ =	sdelay $0x1  }
0x120: {  	v5 =	vadd.s32 v5, v61;
	v62 =	vsel vm11, $0xFFFFFFFF, v1  }
0x121: {  	v7 =	vadd.s32 v62, v5;
	v63, _, _ =	vpop (xrf0)  }
0x122: {  	v7 =	vadd.s32 v63, v7  }
0x123: {  	vm12 =	vlt.s32 v7, v3  }
0x124: {  	vm13 =	vgt.s32 v6, v0;
	vm0 =	vmand vm11, vm12  }
0x125: {  	vm0 =	vmor vm13, vm0  }
0x126: {  	v9 =	vsel vm0, $0x1, v1  }
0x127: {  	(xrf0) =	vadd.scan.msk.s32 $0xffff, v9;
	_ =	sdelay $0x2  }
0x128: {  	v10 =	vmpcnt.ones.xlane vm1;
	_ =	sdelay $0x1  }
0x129: {  	v4 =	vadd.s32 v4, v10;
	v11 =	vsel vm0, $0xFFFFFFFF, v1  }
0x12a: {  	v6 =	vadd.s32 v11, v4;
	v12, _, _ =	vpop (xrf0)  }
0x12b: {  	v6 =	vadd.s32 v12, v6;
	_ =	sdelay $0x3  }
0x12c: {  	v13 =	vor.u32 $0x70, v2  }
0x12d: {  	[tilespmem:v6+s5+$0x0] =	vst.idx.msk vm0, v13  }
0x12e: {  	v6 =	vld [tilespmem:$0x80];
	_ =	sdelay $0x4  }
0x12f: {  	vm14 =	veq.s32 v6, v0  }
0x130: {  	v14 =	vsel vm14, $0x1, v1  }
0x131: {  	(xrf0) =	vadd.scan.msk.s32 $0xffff, v14;
	_ =	sdelay $0x2  }
0x132: {  	v15 =	vmpcnt.ones.xlane vm11;
	_ =	sdelay $0x1  }
0x133: {  	v5 =	vadd.s32 v5, v15;
	v16 =	vsel vm14, $0xFFFFFFFF, v1  }
0x134: {  	v7 =	vadd.s32 v16, v5;
	v17, _, _ =	vpop (xrf0)  }
0x135: {  	v7 =	vadd.s32 v17, v7  }
0x136: {  	vm15 =	vlt.s32 v7, v3  }
0x137: {  	vm6 =	vgt.s32 v6, v0;
	vm2 =	vmand vm14, vm15  }
0x138: {  	vm2 =	vmor vm6, vm2  }
0x139: {  	v18 =	vsel vm2, $0x1, v1  }
0x13a: {  	(xrf0) =	vadd.scan.msk.s32 $0xffff, v18;
	_ =	sdelay $0x2  }
0x13b: {  	v19 =	vmpcnt.ones.xlane vm0;
	_ =	sdelay $0x1  }
0x13c: {  	v4 =	vadd.s32 v4, v19;
	v20 =	vsel vm2, $0xFFFFFFFF, v1  }
0x13d: {  	v6 =	vadd.s32 v20, v4;
	v21, _, _ =	vpop (xrf0)  }
0x13e: {  	v6 =	vadd.s32 v21, v6;
	_ =	sdelay $0x3  }
0x13f: {  	v22 =	vor.u32 $0x80, v2  }
0x140: {  	[tilespmem:v6+s5+$0x0] =	vst.idx.msk vm2, v22  }
0x141: {  	v6 =	vld [tilespmem:$0x90];
	_ =	sdelay $0x4  }
0x142: {  	vm7 =	veq.s32 v6, v0  }
0x143: {  	v23 =	vsel vm7, $0x1, v1  }
0x144: {  	(xrf0) =	vadd.scan.msk.s32 $0xffff, v23;
	_ =	sdelay $0x2  }
0x145: {  	v24 =	vmpcnt.ones.xlane vm14;
	_ =	sdelay $0x1  }
0x146: {  	v5 =	vadd.s32 v5, v24;
	v25 =	vsel vm7, $0xFFFFFFFF, v1  }
0x147: {  	v7 =	vadd.s32 v25, v5;
	v26, _, _ =	vpop (xrf0)  }
0x148: {  	v7 =	vadd.s32 v26, v7  }
0x149: {  	vm8 =	vlt.s32 v7, v3  }
0x14a: {  	vm9 =	vgt.s32 v6, v0;
	vm1 =	vmand vm7, vm8  }
0x14b: {  	vm1 =	vmor vm9, vm1  }
0x14c: {  	v27 =	vsel vm1, $0x1, v1  }
0x14d: {  	(xrf0) =	vadd.scan.msk.s32 $0xffff, v27;
	_ =	sdelay $0x2  }
0x14e: {  	v28 =	vmpcnt.ones.xlane vm2;
	_ =	sdelay $0x1  }
0x14f: {  	v4 =	vadd.s32 v4, v28;
	v29 =	vsel vm1, $0xFFFFFFFF, v1  }
0x150: {  	v6 =	vadd.s32 v29, v4;
	v30, _, _ =	vpop (xrf0)  }
0x151: {  	v6 =	vadd.s32 v30, v6;
	_ =	sdelay $0x3  }
0x152: {  	v31 =	vor.u32 $0x90, v2  }
0x153: {  	[tilespmem:v6+s5+$0x0] =	vst.idx.msk vm1, v31  }
0x154: {  	v6 =	vld [tilespmem:$0xA0];
	_ =	sdelay $0x4  }
0x155: {  	vm10 =	veq.s32 v6, v0  }
0x156: {  	v32 =	vsel vm10, $0x1, v1  }
0x157: {  	(xrf0) =	vadd.scan.msk.s32 $0xffff, v32;
	_ =	sdelay $0x2  }
0x158: {  	v33 =	vmpcnt.ones.xlane vm7;
	_ =	sdelay $0x1  }
0x159: {  	v5 =	vadd.s32 v5, v33;
	v34 =	vsel vm10, $0xFFFFFFFF, v1  }
0x15a: {  	v7 =	vadd.s32 v34, v5;
	v35, _, _ =	vpop (xrf0)  }
0x15b: {  	v7 =	vadd.s32 v35, v7  }
0x15c: {  	vm11 =	vlt.s32 v7, v3  }
0x15d: {  	vm12 =	vgt.s32 v6, v0;
	vm0 =	vmand vm10, vm11  }
0x15e: {  	vm0 =	vmor vm12, vm0  }
0x15f: {  	v36 =	vsel vm0, $0x1, v1  }
0x160: {  	(xrf0) =	vadd.scan.msk.s32 $0xffff, v36;
	_ =	sdelay $0x2  }
0x161: {  	v37 =	vmpcnt.ones.xlane vm1;
	_ =	sdelay $0x1  }
0x162: {  	v4 =	vadd.s32 v4, v37;
	v38 =	vsel vm0, $0xFFFFFFFF, v1  }
0x163: {  	v6 =	vadd.s32 v38, v4;
	v39, _, _ =	vpop (xrf0)  }
0x164: {  	v6 =	vadd.s32 v39, v6;
	_ =	sdelay $0x3  }
0x165: {  	v40 =	vor.u32 $0xA0, v2  }
0x166: {  	[tilespmem:v6+s5+$0x0] =	vst.idx.msk vm0, v40  }
0x167: {  	v6 =	vld [tilespmem:$0xB0];
	_ =	sdelay $0x4  }
0x168: {  	vm13 =	veq.s32 v6, v0  }
0x169: {  	v41 =	vsel vm13, $0x1, v1  }
0x16a: {  	(xrf0) =	vadd.scan.msk.s32 $0xffff, v41;
	_ =	sdelay $0x2  }
0x16b: {  	v42 =	vmpcnt.ones.xlane vm10;
	_ =	sdelay $0x1  }
0x16c: {  	v5 =	vadd.s32 v5, v42;
	v43 =	vsel vm13, $0xFFFFFFFF, v1  }
0x16d: {  	v7 =	vadd.s32 v43, v5;
	v44, _, _ =	vpop (xrf0)  }
0x16e: {  	v7 =	vadd.s32 v44, v7  }
0x16f: {  	vm14 =	vlt.s32 v7, v3  }
0x170: {  	vm15 =	vgt.s32 v6, v0;
	vm2 =	vmand vm13, vm14  }
0x171: {  	vm2 =	vmor vm15, vm2  }
0x172: {  	v45 =	vsel vm2, $0x1, v1  }
0x173: {  	(xrf0) =	vadd.scan.msk.s32 $0xffff, v45;
	_ =	sdelay $0x2  }
0x174: {  	v46 =	vmpcnt.ones.xlane vm0;
	_ =	sdelay $0x1  }
0x175: {  	v4 =	vadd.s32 v4, v46;
	v47 =	vsel vm2, $0xFFFFFFFF, v1  }
0x176: {  	v6 =	vadd.s32 v47, v4;
	v48, _, _ =	vpop (xrf0)  }
0x177: {  	v6 =	vadd.s32 v48, v6;
	_ =	sdelay $0x3  }
0x178: {  	v49 =	vor.u32 $0xB0, v2  }
0x179: {  	[tilespmem:v6+s5+$0x0] =	vst.idx.msk vm2, v49  }
0x17a: {  	v6 =	vld [tilespmem:$0xC0];
	_ =	sdelay $0x4  }
0x17b: {  	vm6 =	veq.s32 v6, v0  }
0x17c: {  	v50 =	vsel vm6, $0x1, v1  }
0x17d: {  	(xrf0) =	vadd.scan.msk.s32 $0xffff, v50;
	_ =	sdelay $0x2  }
0x17e: {  	v51 =	vmpcnt.ones.xlane vm13;
	_ =	sdelay $0x1  }
0x17f: {  	v5 =	vadd.s32 v5, v51;
	v52 =	vsel vm6, $0xFFFFFFFF, v1  }
0x180: {  	v7 =	vadd.s32 v52, v5;
	v53, _, _ =	vpop (xrf0)  }
0x181: {  	v7 =	vadd.s32 v53, v7  }
0x182: {  	vm7 =	vlt.s32 v7, v3  }
0x183: {  	vm8 =	vgt.s32 v6, v0;
	vm1 =	vmand vm6, vm7  }
0x184: {  	vm1 =	vmor vm8, vm1  }
0x185: {  	v54 =	vsel vm1, $0x1, v1  }
0x186: {  	(xrf0) =	vadd.scan.msk.s32 $0xffff, v54;
	_ =	sdelay $0x2  }
0x187: {  	v55 =	vmpcnt.ones.xlane vm2;
	_ =	sdelay $0x1  }
0x188: {  	v4 =	vadd.s32 v4, v55;
	v56 =	vsel vm1, $0xFFFFFFFF, v1  }
0x189: {  	v6 =	vadd.s32 v56, v4;
	v57, _, _ =	vpop (xrf0)  }
0x18a: {  	v6 =	vadd.s32 v57, v6;
	_ =	sdelay $0x3  }
0x18b: {  	v58 =	vor.u32 $0xC0, v2  }
0x18c: {  	[tilespmem:v6+s5+$0x0] =	vst.idx.msk vm1, v58  }
0x18d: {  	v6 =	vld [tilespmem:$0xD0];
	_ =	sdelay $0x4  }
0x18e: {  	vm9 =	veq.s32 v6, v0  }
0x18f: {  	v59 =	vsel vm9, $0x1, v1  }
0x190: {  	(xrf0) =	vadd.scan.msk.s32 $0xffff, v59;
	_ =	sdelay $0x2  }
0x191: {  	v60 =	vmpcnt.ones.xlane vm6;
	_ =	sdelay $0x1  }
0x192: {  	v5 =	vadd.s32 v5, v60;
	v61 =	vsel vm9, $0xFFFFFFFF, v1  }
0x193: {  	v7 =	vadd.s32 v61, v5;
	v62, _, _ =	vpop (xrf0)  }
0x194: {  	v7 =	vadd.s32 v62, v7  }
0x195: {  	vm10 =	vlt.s32 v7, v3  }
0x196: {  	vm11 =	vgt.s32 v6, v0;
	vm0 =	vmand vm9, vm10  }
0x197: {  	vm0 =	vmor vm11, vm0  }
0x198: {  	v63 =	vsel vm0, $0x1, v1  }
0x199: {  	(xrf0) =	vadd.scan.msk.s32 $0xffff, v63;
	_ =	sdelay $0x2  }
0x19a: {  	v9 =	vmpcnt.ones.xlane vm1;
	_ =	sdelay $0x1  }
0x19b: {  	v4 =	vadd.s32 v4, v9;
	v10 =	vsel vm0, $0xFFFFFFFF, v1  }
0x19c: {  	v6 =	vadd.s32 v10, v4;
	v11, _, _ =	vpop (xrf0)  }
0x19d: {  	v6 =	vadd.s32 v11, v6;
	_ =	sdelay $0x3  }
0x19e: {  	v12 =	vor.u32 $0xD0, v2  }
0x19f: {  	[tilespmem:v6+s5+$0x0] =	vst.idx.msk vm0, v12  }
0x1a0: {  	v6 =	vld [tilespmem:$0xE0];
	_ =	sdelay $0x4  }
0x1a1: {  	vm12 =	veq.s32 v6, v0  }
0x1a2: {  	v13 =	vsel vm12, $0x1, v1  }
0x1a3: {  	(xrf0) =	vadd.scan.msk.s32 $0xffff, v13;
	_ =	sdelay $0x2  }
0x1a4: {  	v14 =	vmpcnt.ones.xlane vm9;
	_ =	sdelay $0x1  }
0x1a5: {  	v5 =	vadd.s32 v5, v14;
	v15 =	vsel vm12, $0xFFFFFFFF, v1  }
0x1a6: {  	v7 =	vadd.s32 v15, v5;
	v16, _, _ =	vpop (xrf0)  }
0x1a7: {  	v7 =	vadd.s32 v16, v7  }
0x1a8: {  	vm13 =	vlt.s32 v7, v3  }
0x1a9: {  	vm14 =	vgt.s32 v6, v0;
	vm2 =	vmand vm12, vm13  }
0x1aa: {  	vm2 =	vmor vm14, vm2  }
0x1ab: {  	v17 =	vsel vm2, $0x1, v1  }
0x1ac: {  	(xrf0) =	vadd.scan.msk.s32 $0xffff, v17;
	_ =	sdelay $0x2  }
0x1ad: {  	v18 =	vmpcnt.ones.xlane vm0;
	_ =	sdelay $0x1  }
0x1ae: {  	v4 =	vadd.s32 v4, v18;
	v19 =	vsel vm2, $0xFFFFFFFF, v1  }
0x1af: {  	v6 =	vadd.s32 v19, v4;
	v20, _, _ =	vpop (xrf0)  }
0x1b0: {  	v6 =	vadd.s32 v20, v6;
	_ =	sdelay $0x3  }
0x1b1: {  	v21 =	vor.u32 $0xE0, v2  }
0x1b2: {  	[tilespmem:v6+s5+$0x0] =	vst.idx.msk vm2, v21  }
0x1b3: {  	v6 =	vld [tilespmem:$0xF0];
	_ =	sdelay $0x4  }
0x1b4: {  	vm15 =	veq.s32 v6, v0  }
0x1b5: {  	v22 =	vsel vm15, $0x1, v1  }
0x1b6: {  	(xrf0) =	vadd.scan.msk.s32 $0xffff, v22;
	_ =	sdelay $0x2  }
0x1b7: {  	v23 =	vmpcnt.ones.xlane vm12;
	_ =	sdelay $0x1  }
0x1b8: {  	v5 =	vadd.s32 v5, v23;
	v24 =	vsel vm15, $0xFFFFFFFF, v1  }
0x1b9: {  	v7 =	vadd.s32 v24, v5;
	v25, _, _ =	vpop (xrf0)  }
0x1ba: {  	v7 =	vadd.s32 v25, v7  }
0x1bb: {  	vm6 =	vlt.s32 v7, v3  }
0x1bc: {  	vm7 =	vgt.s32 v6, v0;
	vm1 =	vmand vm15, vm6  }
0x1bd: {  	vm1 =	vmor vm7, vm1  }
0x1be: {  	v26 =	vsel vm1, $0x1, v1  }
0x1bf: {  	(xrf0) =	vadd.scan.msk.s32 $0xffff, v26;
	_ =	sdelay $0x2  }
0x1c0: {  	v27 =	vmpcnt.ones.xlane vm2;
	_ =	sdelay $0x1  }
0x1c1: {  	v4 =	vadd.s32 v4, v27;
	v28 =	vsel vm1, $0xFFFFFFFF, v1  }
0x1c2: {  	v6 =	vadd.s32 v28, v4;
	v29, _, _ =	vpop (xrf0)  }
0x1c3: {  	v6 =	vadd.s32 v29, v6;
	_ =	sdelay $0x3  }
0x1c4: {  	v30 =	vor.u32 $0xF0, v2  }
0x1c5: {  	[tilespmem:v6+s5+$0x0] =	vst.idx.msk vm1, v30  }
0x1c6: {  	v6 =	vld [tilespmem:$0x100];
	_ =	sdelay $0x4  }
0x1c7: {  	vm8 =	veq.s32 v6, v0  }
0x1c8: {  	v31 =	vsel vm8, $0x1, v1  }
0x1c9: {  	(xrf0) =	vadd.scan.msk.s32 $0xffff, v31;
	_ =	sdelay $0x2  }
0x1ca: {  	v32 =	vmpcnt.ones.xlane vm15;
	_ =	sdelay $0x1  }
0x1cb: {  	v5 =	vadd.s32 v5, v32;
	v33 =	vsel vm8, $0xFFFFFFFF, v1  }
0x1cc: {  	v7 =	vadd.s32 v33, v5;
	v34, _, _ =	vpop (xrf0)  }
0x1cd: {  	v7 =	vadd.s32 v34, v7  }
0x1ce: {  	vm9 =	vlt.s32 v7, v3  }
0x1cf: {  	vm10 =	vgt.s32 v6, v0;
	vm0 =	vmand vm8, vm9  }
0x1d0: {  	vm0 =	vmor vm10, vm0  }
0x1d1: {  	v35 =	vsel vm0, $0x1, v1  }
0x1d2: {  	(xrf0) =	vadd.scan.msk.s32 $0xffff, v35;
	_ =	sdelay $0x2  }
0x1d3: {  	v36 =	vmpcnt.ones.xlane vm1;
	_ =	sdelay $0x1  }
0x1d4: {  	v4 =	vadd.s32 v4, v36;
	v37 =	vsel vm0, $0xFFFFFFFF, v1  }
0x1d5: {  	v6 =	vadd.s32 v37, v4;
	v38, _, _ =	vpop (xrf0)  }
0x1d6: {  	v6 =	vadd.s32 v38, v6;
	_ =	sdelay $0x3  }
0x1d7: {  	v39 =	vor.u32 $0x100, v2  }
0x1d8: {  	[tilespmem:v6+s5+$0x0] =	vst.idx.msk vm0, v39  }
0x1d9: {  	v6 =	vld [tilespmem:$0x110];
	_ =	sdelay $0x4  }
0x1da: {  	vm11 =	veq.s32 v6, v0  }
0x1db: {  	v40 =	vsel vm11, $0x1, v1  }
0x1dc: {  	(xrf0) =	vadd.scan.msk.s32 $0xffff, v40;
	_ =	sdelay $0x2  }
0x1dd: {  	v41 =	vmpcnt.ones.xlane vm8;
	_ =	sdelay $0x1  }
0x1de: {  	v5 =	vadd.s32 v5, v41;
	v42 =	vsel vm11, $0xFFFFFFFF, v1  }
0x1df: {  	v7 =	vadd.s32 v42, v5;
	v43, _, _ =	vpop (xrf0)  }
0x1e0: {  	v7 =	vadd.s32 v43, v7  }
0x1e1: {  	vm12 =	vlt.s32 v7, v3  }
0x1e2: {  	vm13 =	vgt.s32 v6, v0;
	vm2 =	vmand vm11, vm12  }
0x1e3: {  	vm2 =	vmor vm13, vm2  }
0x1e4: {  	v44 =	vsel vm2, $0x1, v1  }
0x1e5: {  	(xrf0) =	vadd.scan.msk.s32 $0xffff, v44;
	_ =	sdelay $0x2  }
0x1e6: {  	v45 =	vmpcnt.ones.xlane vm0;
	_ =	sdelay $0x1  }
0x1e7: {  	v4 =	vadd.s32 v4, v45;
	v46 =	vsel vm2, $0xFFFFFFFF, v1  }
0x1e8: {  	v6 =	vadd.s32 v46, v4;
	v47, _, _ =	vpop (xrf0)  }
0x1e9: {  	v6 =	vadd.s32 v47, v6;
	_ =	sdelay $0x3  }
0x1ea: {  	v48 =	vor.u32 $0x110, v2  }
0x1eb: {  	[tilespmem:v6+s5+$0x0] =	vst.idx.msk vm2, v48  }
0x1ec: {  	v6 =	vld [tilespmem:$0x120];
	_ =	sdelay $0x4  }
0x1ed: {  	vm14 =	veq.s32 v6, v0  }
0x1ee: {  	v49 =	vsel vm14, $0x1, v1  }
0x1ef: {  	(xrf0) =	vadd.scan.msk.s32 $0xffff, v49;
	_ =	sdelay $0x2  }
0x1f0: {  	v50 =	vmpcnt.ones.xlane vm11;
	_ =	sdelay $0x1  }
0x1f1: {  	v5 =	vadd.s32 v5, v50;
	v51 =	vsel vm14, $0xFFFFFFFF, v1  }
0x1f2: {  	v7 =	vadd.s32 v51, v5;
	v52, _, _ =	vpop (xrf0)  }
0x1f3: {  	v7 =	vadd.s32 v52, v7  }
0x1f4: {  	vm15 =	vlt.s32 v7, v3  }
0x1f5: {  	vm6 =	vgt.s32 v6, v0;
	vm1 =	vmand vm14, vm15  }
0x1f6: {  	vm1 =	vmor vm6, vm1  }
0x1f7: {  	v53 =	vsel vm1, $0x1, v1  }
0x1f8: {  	(xrf0) =	vadd.scan.msk.s32 $0xffff, v53;
	_ =	sdelay $0x2  }
0x1f9: {  	v54 =	vmpcnt.ones.xlane vm2;
	_ =	sdelay $0x1  }
0x1fa: {  	v4 =	vadd.s32 v4, v54;
	v55 =	vsel vm1, $0xFFFFFFFF, v1  }
0x1fb: {  	v6 =	vadd.s32 v55, v4;
	v56, _, _ =	vpop (xrf0)  }
0x1fc: {  	v6 =	vadd.s32 v56, v6;
	_ =	sdelay $0x3  }
0x1fd: {  	v57 =	vor.u32 $0x120, v2  }
0x1fe: {  	[tilespmem:v6+s5+$0x0] =	vst.idx.msk vm1, v57  }
0x1ff: {  	v6 =	vld [tilespmem:$0x130];
	_ =	sdelay $0x4  }
0x200: {  	vm7 =	veq.s32 v6, v0  }
0x201: {  	v58 =	vsel vm7, $0x1, v1  }
0x202: {  	(xrf0) =	vadd.scan.msk.s32 $0xffff, v58;
	_ =	sdelay $0x2  }
0x203: {  	v59 =	vmpcnt.ones.xlane vm14;
	_ =	sdelay $0x1  }
0x204: {  	v5 =	vadd.s32 v5, v59;
	v60 =	vsel vm7, $0xFFFFFFFF, v1  }
0x205: {  	v7 =	vadd.s32 v60, v5;
	v61, _, _ =	vpop (xrf0)  }
0x206: {  	v7 =	vadd.s32 v61, v7  }
0x207: {  	vm8 =	vlt.s32 v7, v3  }
0x208: {  	vm9 =	vgt.s32 v6, v0;
	vm0 =	vmand vm7, vm8  }
0x209: {  	vm0 =	vmor vm9, vm0  }
0x20a: {  	v62 =	vsel vm0, $0x1, v1  }
0x20b: {  	(xrf0) =	vadd.scan.msk.s32 $0xffff, v62;
	_ =	sdelay $0x2  }
0x20c: {  	v63 =	vmpcnt.ones.xlane vm1;
	_ =	sdelay $0x1  }
0x20d: {  	v4 =	vadd.s32 v4, v63;
	v9 =	vsel vm0, $0xFFFFFFFF, v1  }
0x20e: {  	v6 =	vadd.s32 v9, v4;
	v10, _, _ =	vpop (xrf0)  }
0x20f: {  	v6 =	vadd.s32 v10, v6;
	_ =	sdelay $0x3  }
0x210: {  	v11 =	vor.u32 $0x130, v2  }
0x211: {  	[tilespmem:v6+s5+$0x0] =	vst.idx.msk vm0, v11  }
0x212: {  	v6 =	vld [tilespmem:$0x140];
	_ =	sdelay $0x4  }
0x213: {  	vm10 =	veq.s32 v6, v0  }
0x214: {  	v12 =	vsel vm10, $0x1, v1  }
0x215: {  	(xrf0) =	vadd.scan.msk.s32 $0xffff, v12;
	_ =	sdelay $0x2  }
0x216: {  	v13 =	vmpcnt.ones.xlane vm7;
	_ =	sdelay $0x1  }
0x217: {  	v5 =	vadd.s32 v5, v13;
	v14 =	vsel vm10, $0xFFFFFFFF, v1  }
0x218: {  	v7 =	vadd.s32 v14, v5;
	v15, _, _ =	vpop (xrf0)  }
0x219: {  	v7 =	vadd.s32 v15, v7  }
0x21a: {  	vm11 =	vlt.s32 v7, v3  }
0x21b: {  	vm12 =	vgt.s32 v6, v0;
	vm2 =	vmand vm10, vm11  }
0x21c: {  	vm2 =	vmor vm12, vm2  }
0x21d: {  	v16 =	vsel vm2, $0x1, v1  }
0x21e: {  	(xrf0) =	vadd.scan.msk.s32 $0xffff, v16;
	_ =	sdelay $0x2  }
0x21f: {  	v17 =	vmpcnt.ones.xlane vm0;
	_ =	sdelay $0x1  }
0x220: {  	v4 =	vadd.s32 v4, v17;
	v18 =	vsel vm2, $0xFFFFFFFF, v1  }
0x221: {  	v6 =	vadd.s32 v18, v4;
	v19, _, _ =	vpop (xrf0)  }
0x222: {  	v6 =	vadd.s32 v19, v6;
	_ =	sdelay $0x3  }
0x223: {  	v20 =	vor.u32 $0x140, v2  }
0x224: {  	[tilespmem:v6+s5+$0x0] =	vst.idx.msk vm2, v20  }
0x225: {  	v6 =	vld [tilespmem:$0x150];
	_ =	sdelay $0x4  }
0x226: {  	vm13 =	veq.s32 v6, v0  }
0x227: {  	v21 =	vsel vm13, $0x1, v1  }
0x228: {  	(xrf0) =	vadd.scan.msk.s32 $0xffff, v21;
	_ =	sdelay $0x2  }
0x229: {  	v22 =	vmpcnt.ones.xlane vm10;
	_ =	sdelay $0x1  }
0x22a: {  	v5 =	vadd.s32 v5, v22;
	v23 =	vsel vm13, $0xFFFFFFFF, v1  }
0x22b: {  	v7 =	vadd.s32 v23, v5;
	v24, _, _ =	vpop (xrf0)  }
0x22c: {  	v7 =	vadd.s32 v24, v7  }
0x22d: {  	vm14 =	vlt.s32 v7, v3  }
0x22e: {  	vm15 =	vgt.s32 v6, v0;
	vm1 =	vmand vm13, vm14  }
0x22f: {  	vm1 =	vmor vm15, vm1  }
0x230: {  	v25 =	vsel vm1, $0x1, v1  }
0x231: {  	(xrf0) =	vadd.scan.msk.s32 $0xffff, v25;
	_ =	sdelay $0x2  }
0x232: {  	v26 =	vmpcnt.ones.xlane vm2;
	_ =	sdelay $0x1  }
0x233: {  	v4 =	vadd.s32 v4, v26;
	v27 =	vsel vm1, $0xFFFFFFFF, v1  }
0x234: {  	v6 =	vadd.s32 v27, v4;
	v28, _, _ =	vpop (xrf0)  }
0x235: {  	v6 =	vadd.s32 v28, v6;
	_ =	sdelay $0x3  }
0x236: {  	v29 =	vor.u32 $0x150, v2  }
0x237: {  	[tilespmem:v6+s5+$0x0] =	vst.idx.msk vm1, v29  }
0x238: {  	v6 =	vld [tilespmem:$0x160];
	_ =	sdelay $0x4  }
0x239: {  	vm6 =	veq.s32 v6, v0  }
0x23a: {  	v30 =	vsel vm6, $0x1, v1  }
0x23b: {  	(xrf0) =	vadd.scan.msk.s32 $0xffff, v30;
	_ =	sdelay $0x2  }
0x23c: {  	v31 =	vmpcnt.ones.xlane vm13;
	_ =	sdelay $0x1  }
0x23d: {  	v5 =	vadd.s32 v5, v31;
	v32 =	vsel vm6, $0xFFFFFFFF, v1  }
0x23e: {  	v7 =	vadd.s32 v32, v5;
	v33, _, _ =	vpop (xrf0)  }
0x23f: {  	v7 =	vadd.s32 v33, v7  }
0x240: {  	vm7 =	vlt.s32 v7, v3  }
0x241: {  	vm8 =	vgt.s32 v6, v0;
	vm0 =	vmand vm6, vm7  }
0x242: {  	vm0 =	vmor vm8, vm0  }
0x243: {  	v34 =	vsel vm0, $0x1, v1  }
0x244: {  	(xrf0) =	vadd.scan.msk.s32 $0xffff, v34;
	_ =	sdelay $0x2  }
0x245: {  	v35 =	vmpcnt.ones.xlane vm1;
	_ =	sdelay $0x1  }
0x246: {  	v4 =	vadd.s32 v4, v35;
	v36 =	vsel vm0, $0xFFFFFFFF, v1  }
0x247: {  	v6 =	vadd.s32 v36, v4;
	v37, _, _ =	vpop (xrf0)  }
0x248: {  	v6 =	vadd.s32 v37, v6;
	_ =	sdelay $0x3  }
0x249: {  	v38 =	vor.u32 $0x160, v2  }
0x24a: {  	[tilespmem:v6+s5+$0x0] =	vst.idx.msk vm0, v38  }
0x24b: {  	v6 =	vld [tilespmem:$0x170];
	_ =	sdelay $0x4  }
0x24c: {  	vm9 =	veq.s32 v6, v0  }
0x24d: {  	v39 =	vsel vm9, $0x1, v1  }
0x24e: {  	(xrf0) =	vadd.scan.msk.s32 $0xffff, v39;
	_ =	sdelay $0x2  }
0x24f: {  	v40 =	vmpcnt.ones.xlane vm6;
	_ =	sdelay $0x1  }
0x250: {  	v5 =	vadd.s32 v5, v40;
	v41 =	vsel vm9, $0xFFFFFFFF, v1  }
0x251: {  	v7 =	vadd.s32 v41, v5;
	v42, _, _ =	vpop (xrf0)  }
0x252: {  	v7 =	vadd.s32 v42, v7  }
0x253: {  	vm10 =	vlt.s32 v7, v3  }
0x254: {  	vm11 =	vgt.s32 v6, v0;
	vm2 =	vmand vm9, vm10  }
0x255: {  	vm2 =	vmor vm11, vm2  }
0x256: {  	v43 =	vsel vm2, $0x1, v1  }
0x257: {  	(xrf0) =	vadd.scan.msk.s32 $0xffff, v43;
	_ =	sdelay $0x2  }
0x258: {  	v44 =	vmpcnt.ones.xlane vm0;
	_ =	sdelay $0x1  }
0x259: {  	v4 =	vadd.s32 v4, v44;
	v45 =	vsel vm2, $0xFFFFFFFF, v1  }
0x25a: {  	v6 =	vadd.s32 v45, v4;
	v46, _, _ =	vpop (xrf0)  }
0x25b: {  	v6 =	vadd.s32 v46, v6;
	_ =	sdelay $0x3  }
0x25c: {  	v47 =	vor.u32 $0x170, v2  }
0x25d: {  	[tilespmem:v6+s5+$0x0] =	vst.idx.msk vm2, v47  }
0x25e: {  	v6 =	vld [tilespmem:$0x180];
	_ =	sdelay $0x4  }
0x25f: {  	vm12 =	veq.s32 v6, v0  }
0x260: {  	v48 =	vsel vm12, $0x1, v1  }
0x261: {  	(xrf0) =	vadd.scan.msk.s32 $0xffff, v48;
	_ =	sdelay $0x2  }
0x262: {  	v49 =	vmpcnt.ones.xlane vm9;
	_ =	sdelay $0x1  }
0x263: {  	v5 =	vadd.s32 v5, v49;
	v50 =	vsel vm12, $0xFFFFFFFF, v1  }
0x264: {  	v7 =	vadd.s32 v50, v5;
	v51, _, _ =	vpop (xrf0)  }
0x265: {  	v7 =	vadd.s32 v51, v7  }
0x266: {  	vm13 =	vlt.s32 v7, v3  }
0x267: {  	vm14 =	vgt.s32 v6, v0;
	vm1 =	vmand vm12, vm13  }
0x268: {  	vm1 =	vmor vm14, vm1  }
0x269: {  	v52 =	vsel vm1, $0x1, v1  }
0x26a: {  	(xrf0) =	vadd.scan.msk.s32 $0xffff, v52;
	_ =	sdelay $0x2  }
0x26b: {  	v53 =	vmpcnt.ones.xlane vm2;
	_ =	sdelay $0x1  }
0x26c: {  	v4 =	vadd.s32 v4, v53;
	v54 =	vsel vm1, $0xFFFFFFFF, v1  }
0x26d: {  	v6 =	vadd.s32 v54, v4;
	v55, _, _ =	vpop (xrf0)  }
0x26e: {  	v6 =	vadd.s32 v55, v6;
	_ =	sdelay $0x3  }
0x26f: {  	v56 =	vor.u32 $0x180, v2  }
0x270: {  	[tilespmem:v6+s5+$0x0] =	vst.idx.msk vm1, v56  }
0x271: {  	v6 =	vld [tilespmem:$0x190];
	_ =	sdelay $0x4  }
0x272: {  	vm15 =	veq.s32 v6, v0  }
0x273: {  	v57 =	vsel vm15, $0x1, v1  }
0x274: {  	(xrf0) =	vadd.scan.msk.s32 $0xffff, v57;
	_ =	sdelay $0x2  }
0x275: {  	v58 =	vmpcnt.ones.xlane vm12;
	_ =	sdelay $0x1  }
0x276: {  	v5 =	vadd.s32 v5, v58;
	v59 =	vsel vm15, $0xFFFFFFFF, v1  }
0x277: {  	v7 =	vadd.s32 v59, v5;
	v60, _, _ =	vpop (xrf0)  }
0x278: {  	v7 =	vadd.s32 v60, v7  }
0x279: {  	vm6 =	vlt.s32 v7, v3  }
0x27a: {  	vm7 =	vgt.s32 v6, v0;
	vm0 =	vmand vm15, vm6  }
0x27b: {  	vm0 =	vmor vm7, vm0  }
0x27c: {  	v61 =	vsel vm0, $0x1, v1  }
0x27d: {  	(xrf0) =	vadd.scan.msk.s32 $0xffff, v61;
	_ =	sdelay $0x2  }
0x27e: {  	v62 =	vmpcnt.ones.xlane vm1;
	_ =	sdelay $0x1  }
0x27f: {  	v4 =	vadd.s32 v4, v62;
	v63 =	vsel vm0, $0xFFFFFFFF, v1  }
0x280: {  	v6 =	vadd.s32 v63, v4;
	v9, _, _ =	vpop (xrf0)  }
0x281: {  	v6 =	vadd.s32 v9, v6;
	_ =	sdelay $0x3  }
0x282: {  	v10 =	vor.u32 $0x190, v2  }
0x283: {  	[tilespmem:v6+s5+$0x0] =	vst.idx.msk vm0, v10  }
0x284: {  	v6 =	vld [tilespmem:$0x1A0];
	_ =	sdelay $0x4  }
0x285: {  	vm8 =	veq.s32 v6, v0  }
0x286: {  	v11 =	vsel vm8, $0x1, v1  }
0x287: {  	(xrf0) =	vadd.scan.msk.s32 $0xffff, v11;
	_ =	sdelay $0x2  }
0x288: {  	v12 =	vmpcnt.ones.xlane vm15;
	_ =	sdelay $0x1  }
0x289: {  	v5 =	vadd.s32 v5, v12;
	v13 =	vsel vm8, $0xFFFFFFFF, v1  }
0x28a: {  	v7 =	vadd.s32 v13, v5;
	v14, _, _ =	vpop (xrf0)  }
0x28b: {  	v7 =	vadd.s32 v14, v7  }
0x28c: {  	vm9 =	vlt.s32 v7, v3  }
0x28d: {  	vm10 =	vgt.s32 v6, v0;
	vm2 =	vmand vm8, vm9  }
0x28e: {  	vm2 =	vmor vm10, vm2  }
0x28f: {  	v15 =	vsel vm2, $0x1, v1  }
0x290: {  	(xrf0) =	vadd.scan.msk.s32 $0xffff, v15;
	_ =	sdelay $0x2  }
0x291: {  	v16 =	vmpcnt.ones.xlane vm0;
	_ =	sdelay $0x1  }
0x292: {  	v4 =	vadd.s32 v4, v16;
	v17 =	vsel vm2, $0xFFFFFFFF, v1  }
0x293: {  	v6 =	vadd.s32 v17, v4;
	v18, _, _ =	vpop (xrf0)  }
0x294: {  	v6 =	vadd.s32 v18, v6;
	_ =	sdelay $0x3  }
0x295: {  	v19 =	vor.u32 $0x1A0, v2  }
0x296: {  	[tilespmem:v6+s5+$0x0] =	vst.idx.msk vm2, v19  }
0x297: {  	v6 =	vld [tilespmem:$0x1B0];
	_ =	sdelay $0x4  }
0x298: {  	vm11 =	veq.s32 v6, v0  }
0x299: {  	v20 =	vsel vm11, $0x1, v1  }
0x29a: {  	(xrf0) =	vadd.scan.msk.s32 $0xffff, v20;
	_ =	sdelay $0x2  }
0x29b: {  	v21 =	vmpcnt.ones.xlane vm8;
	_ =	sdelay $0x1  }
0x29c: {  	v5 =	vadd.s32 v5, v21;
	v22 =	vsel vm11, $0xFFFFFFFF, v1  }
0x29d: {  	v7 =	vadd.s32 v22, v5;
	v23, _, _ =	vpop (xrf0)  }
0x29e: {  	v7 =	vadd.s32 v23, v7  }
0x29f: {  	vm12 =	vlt.s32 v7, v3  }
0x2a0: {  	vm13 =	vgt.s32 v6, v0;
	vm1 =	vmand vm11, vm12  }
0x2a1: {  	vm1 =	vmor vm13, vm1  }
0x2a2: {  	v24 =	vsel vm1, $0x1, v1  }
0x2a3: {  	(xrf0) =	vadd.scan.msk.s32 $0xffff, v24;
	_ =	sdelay $0x2  }
0x2a4: {  	v25 =	vmpcnt.ones.xlane vm2;
	_ =	sdelay $0x1  }
0x2a5: {  	v4 =	vadd.s32 v4, v25;
	v26 =	vsel vm1, $0xFFFFFFFF, v1  }
0x2a6: {  	v6 =	vadd.s32 v26, v4;
	v27, _, _ =	vpop (xrf0)  }
0x2a7: {  	v6 =	vadd.s32 v27, v6;
	_ =	sdelay $0x3  }
0x2a8: {  	v28 =	vor.u32 $0x1B0, v2  }
0x2a9: {  	[tilespmem:v6+s5+$0x0] =	vst.idx.msk vm1, v28  }
0x2aa: {  	v6 =	vld [tilespmem:$0x1C0];
	_ =	sdelay $0x4  }
0x2ab: {  	vm14 =	veq.s32 v6, v0  }
0x2ac: {  	v29 =	vsel vm14, $0x1, v1  }
0x2ad: {  	(xrf0) =	vadd.scan.msk.s32 $0xffff, v29;
	_ =	sdelay $0x2  }
0x2ae: {  	v30 =	vmpcnt.ones.xlane vm11;
	_ =	sdelay $0x1  }
0x2af: {  	v5 =	vadd.s32 v5, v30;
	v31 =	vsel vm14, $0xFFFFFFFF, v1  }
0x2b0: {  	v7 =	vadd.s32 v31, v5;
	v32, _, _ =	vpop (xrf0)  }
0x2b1: {  	v7 =	vadd.s32 v32, v7  }
0x2b2: {  	vm15 =	vlt.s32 v7, v3  }
0x2b3: {  	vm6 =	vgt.s32 v6, v0;
	vm0 =	vmand vm14, vm15  }
0x2b4: {  	vm0 =	vmor vm6, vm0  }
0x2b5: {  	v33 =	vsel vm0, $0x1, v1  }
0x2b6: {  	(xrf0) =	vadd.scan.msk.s32 $0xffff, v33;
	_ =	sdelay $0x2  }
0x2b7: {  	v34 =	vmpcnt.ones.xlane vm1;
	_ =	sdelay $0x1  }
0x2b8: {  	v4 =	vadd.s32 v4, v34;
	v35 =	vsel vm0, $0xFFFFFFFF, v1  }
0x2b9: {  	v6 =	vadd.s32 v35, v4;
	v36, _, _ =	vpop (xrf0)  }
0x2ba: {  	v6 =	vadd.s32 v36, v6;
	_ =	sdelay $0x3  }
0x2bb: {  	v37 =	vor.u32 $0x1C0, v2  }
0x2bc: {  	[tilespmem:v6+s5+$0x0] =	vst.idx.msk vm0, v37  }
0x2bd: {  	v6 =	vld [tilespmem:$0x1D0];
	_ =	sdelay $0x4  }
0x2be: {  	vm7 =	veq.s32 v6, v0  }
0x2bf: {  	v38 =	vsel vm7, $0x1, v1  }
0x2c0: {  	(xrf0) =	vadd.scan.msk.s32 $0xffff, v38;
	_ =	sdelay $0x2  }
0x2c1: {  	v39 =	vmpcnt.ones.xlane vm14;
	_ =	sdelay $0x1  }
0x2c2: {  	v5 =	vadd.s32 v5, v39;
	v40 =	vsel vm7, $0xFFFFFFFF, v1  }
0x2c3: {  	v7 =	vadd.s32 v40, v5;
	v41, _, _ =	vpop (xrf0)  }
0x2c4: {  	v7 =	vadd.s32 v41, v7  }
0x2c5: {  	vm8 =	vlt.s32 v7, v3  }
0x2c6: {  	vm9 =	vgt.s32 v6, v0;
	vm2 =	vmand vm7, vm8  }
0x2c7: {  	vm2 =	vmor vm9, vm2  }
0x2c8: {  	v42 =	vsel vm2, $0x1, v1  }
0x2c9: {  	(xrf0) =	vadd.scan.msk.s32 $0xffff, v42;
	_ =	sdelay $0x2  }
0x2ca: {  	v43 =	vmpcnt.ones.xlane vm0;
	_ =	sdelay $0x1  }
0x2cb: {  	v4 =	vadd.s32 v4, v43;
	v44 =	vsel vm2, $0xFFFFFFFF, v1  }
0x2cc: {  	v6 =	vadd.s32 v44, v4;
	v45, _, _ =	vpop (xrf0)  }
0x2cd: {  	v6 =	vadd.s32 v45, v6;
	_ =	sdelay $0x3  }
0x2ce: {  	v46 =	vor.u32 $0x1D0, v2  }
0x2cf: {  	[tilespmem:v6+s5+$0x0] =	vst.idx.msk vm2, v46  }
0x2d0: {  	v6 =	vld [tilespmem:$0x1E0];
	_ =	sdelay $0x4  }
0x2d1: {  	vm10 =	veq.s32 v6, v0  }
0x2d2: {  	v47 =	vsel vm10, $0x1, v1  }
0x2d3: {  	(xrf0) =	vadd.scan.msk.s32 $0xffff, v47;
	_ =	sdelay $0x2  }
0x2d4: {  	v48 =	vmpcnt.ones.xlane vm7;
	_ =	sdelay $0x1  }
0x2d5: {  	v5 =	vadd.s32 v5, v48;
	v49 =	vsel vm10, $0xFFFFFFFF, v1  }
0x2d6: {  	v7 =	vadd.s32 v49, v5;
	v50, _, _ =	vpop (xrf0)  }
0x2d7: {  	v7 =	vadd.s32 v50, v7  }
0x2d8: {  	vm11 =	vlt.s32 v7, v3  }
0x2d9: {  	vm12 =	vgt.s32 v6, v0;
	vm1 =	vmand vm10, vm11  }
0x2da: {  	vm1 =	vmor vm12, vm1  }
0x2db: {  	v51 =	vsel vm1, $0x1, v1  }
0x2dc: {  	(xrf0) =	vadd.scan.msk.s32 $0xffff, v51;
	_ =	sdelay $0x2  }
0x2dd: {  	v52 =	vmpcnt.ones.xlane vm2;
	_ =	sdelay $0x1  }
0x2de: {  	v4 =	vadd.s32 v4, v52;
	v53 =	vsel vm1, $0xFFFFFFFF, v1  }
0x2df: {  	v6 =	vadd.s32 v53, v4;
	v54, _, _ =	vpop (xrf0)  }
0x2e0: {  	v6 =	vadd.s32 v54, v6;
	_ =	sdelay $0x3  }
0x2e1: {  	v55 =	vor.u32 $0x1E0, v2  }
0x2e2: {  	[tilespmem:v6+s5+$0x0] =	vst.idx.msk vm1, v55  }
0x2e3: {  	v6 =	vld [tilespmem:$0x1F0];
	_ =	sdelay $0x4  }
0x2e4: {  	vm13 =	veq.s32 v6, v0  }
0x2e5: {  	v56 =	vsel vm13, $0x1, v1  }
0x2e6: {  	(xrf0) =	vadd.scan.msk.s32 $0xffff, v56;
	_ =	sdelay $0x2  }
0x2e7: {  	v57 =	vmpcnt.ones.xlane vm10;
	_ =	sdelay $0x1  }
0x2e8: {  	v5 =	vadd.s32 v5, v57;
	v58 =	vsel vm13, $0xFFFFFFFF, v1  }
0x2e9: {  	v5 =	vadd.s32 v58, v5;
	v59, _, _ =	vpop (xrf0)  }
0x2ea: {  	v5 =	vadd.s32 v59, v5  }
0x2eb: {  	vm14 =	vlt.s32 v5, v3  }
0x2ec: {  	vm15 =	vgt.s32 v6, v0;
	vm0 =	vmand vm13, vm14  }
0x2ed: {  	vm0 =	vmor vm15, vm0  }
0x2ee: {  	v60 =	vsel vm0, $0x1, v1  }
0x2ef: {  	(xrf0) =	vadd.scan.msk.s32 $0xffff, v60;
	_ =	sdelay $0x2  }
0x2f0: {  	v61 =	vmpcnt.ones.xlane vm1;
	_ =	sdelay $0x1  }
0x2f1: {  	v0 =	vadd.s32 v4, v61;
	v1 =	vsel vm0, $0xFFFFFFFF, v1  }
0x2f2: {  	v0 =	vadd.s32 v1, v0;
	v62, _, _ =	vpop (xrf0)  }
0x2f3: {  	v0 =	vadd.s32 v62, v0;
	_ =	sdelay $0x1  }
0x2f4: {  	s2 =	sshll.u32 s2, $0xA  }
0x2f5: {  	s2 =	sor.u32 s3, s2  }
0x2f6: {  	s2 =	sshrl.u32 s2, $0x3;
	v63 =	vor.u32 $0x1F0, v2  }
0x2f7: {  	s30 =	simm.s32 $0x0;
	s31 =	simm.s32 $0x1;
	s2 =	sadd.s32 s4, s2;
	[tilespmem:v0+s5+$0x0] =	vst.idx.msk vm0, v63  }
0x2f8: {  	[hbm4b:s2+s30] =	stream.linear.scatter [tilespmem:s5], [sflag:$0x1], $0x80, $0x38;
	[tilespmem:$0x280] =	vst v63  }
0x2f9: {  	_ =	swait.ge [sflag:s31], $0x80  }
0x2fa: {  	[sflag:s31] =	ssyncset.done $0x0  }
0x2fb: {  	[sflag:s31] =	ssyncadd.s32 $0xFFFFFF80  }
0x2fc: {  	_ =	sfence.sel $0x180000  }
0x2fd: {  	[bflag:$0x0] =	sbarrier.arrive $0xFFFF  }
0x2fe: {  	p0 =	sne.s32 s1, $0x0;
	_ =	strace $0x90000047  }
0x2ff: {  	s0 =	sadd.s32 @!p0 $0x100000, s0;
	[bflag:$0x2] =	sbarrier.arrive $0xFFFF  }
0x300: {  	[sflag:s0] =	ssyncadd.tile.s32 @!p0 $0x1;
	_ =	shalt  }
.Lfunc_end2:
_tile_overlayer_lowered:
.L_overlay_start_2:
0x301: {  	(tag) =	ssettag $0x2  }
0x302: {  	s0 =	rddreg [dreg:$0x0];
	s2 =	stileid.u32  }
0x303: {  	s1 =	rddreg [dreg:$0x1];
	p0 =	sne.s32 s2, $0x0  }
0x304: {  	s3 =	rddreg [dreg:$0x2];
	[bflag:$0x3] =	sbarrier.arrive $0xFFFF;
	s2 =	simm.s32 @!p0 $0x1C01  }
0x305: {  	[timem:s3], [sflag:s2] =	dma.local @!p0 [hbm:s0], s1  }
0x306: {  	s0 =	simm.s32 @!p0 $0x1  }
0x307: {  	_ =	swait.ge @!p0 [sflag:s0], s1  }
0x308: {  	s1 =	ssub.s32 @!p0 $0x0, s1;
	[sflag:s0] =	ssyncset.done @!p0 $0x0  }
0x309: {  	[sflag:s0] =	ssyncadd.s32 @!p0 s1  }
0x30a: {  	[bflag:$0x3] =	sbarrier.arrive $0xFFFF  }
0x30b: {  	_ =	shalt  }

</sc_bundles>
